<compile_context>
chip_gen: v7x
topology: tpu7x:2x2x1
jax: 0.10.2.dev20260603
libtpu: 0.0.44.dev20260713+nightly
codegen_flags: <defaults>
</compile_context>

<pallas_src>
import functools

import jax
import jax.numpy as jnp
from jax import lax
from jax.experimental import pallas as pl
from jax.experimental.pallas import tpu as pltpu
from jax.experimental.pallas import tpu_sc as plsc

VOCAB = 100000
EMBED = 128
BATCH = 4096
HIST = 50

_info = plsc.get_sparse_core_info()
NC, NS = _info.num_cores, _info.num_subcores
NW = NC * NS

HB = BATCH // 2
B_PER_W = HB // NW
BCH = 2
CH = BCH * HIST
CHS = 104
NCH = B_PER_W // BCH
NBUF = 8
NGROUPS = NCH // NBUF


def _gather_kernel(table_hbm, idx_hbm, out_hbm, idx_v, rows_v, gsem, osem):
    wid = lax.axis_index("s") * NC + lax.axis_index("c")

    pltpu.sync_copy(idx_hbm.at[wid], idx_v)

    def start_gather(j, b):
        pltpu.async_copy(
            table_hbm.at[idx_v.at[j, pl.ds(0, CH)]], rows_v.at[b], gsem.at[b]
        )

    def wait_gather(j, b):
        pltpu.make_async_copy(
            table_hbm.at[idx_v.at[j, pl.ds(0, CH)]], rows_v.at[b], gsem.at[b]
        ).wait()

    def start_out(j, b):
        bstart = wid * B_PER_W + j * BCH
        for i in range(BCH):
            pltpu.async_copy(
                rows_v.at[b, pl.ds(i * HIST, HIST)],
                out_hbm.at[bstart + i],
                osem.at[b],
            )

    def wait_out(j, b):
        bstart = wid * B_PER_W + j * BCH
        for i in range(BCH):
            pltpu.make_async_copy(
                rows_v.at[b, pl.ds(i * HIST, HIST)],
                out_hbm.at[bstart + i],
                osem.at[b],
            ).wait()

    for b in range(NBUF):
        start_gather(b, b)

    def group_body(g, issue_next):
        for b in range(NBUF):
            j = g * NBUF + b
            wait_gather(j, b)
            start_out(j, b)
            if issue_next:
                wait_out(j, b)
                start_gather(j + NBUF, b)

    lax.fori_loop(
        0,
        NGROUPS - 1,
        lambda g, c: (group_body(g, True), c)[1],
        0,
        unroll=False,
    )
    group_body(NGROUPS - 1, False)

    for b in range(NBUF):
        wait_out((NGROUPS - 1) * NBUF + b, b)


@jax.jit
def _embedding_gather(table, idx3):
    mesh = plsc.VectorSubcoreMesh(core_axis_name="c", subcore_axis_name="s")
    run = functools.partial(
        pl.kernel,
        mesh=mesh,
        out_type=jax.ShapeDtypeStruct((HB, HIST, EMBED), jnp.float32),
        scratch_types=[
            pltpu.VMEM((NCH, CHS), jnp.int32),
            pltpu.VMEM((NBUF, CH, EMBED), jnp.float32),
            pltpu.SemaphoreType.DMA((NBUF,)),
            pltpu.SemaphoreType.DMA((NBUF,)),
        ],
    )(_gather_kernel)
    return run(table, idx3)


def kernel(inputs, table):
    idx2 = inputs.astype(jnp.int32).reshape(BATCH // BCH, CH)
    idx2 = jnp.pad(idx2, ((0, 0), (0, CHS - CH)))
    idx4 = idx2.reshape(2, NW, NCH, CHS)
    out_a = _embedding_gather(table, idx4[0])
    out_b = _embedding_gather(table, idx4[1])
    big = jnp.zeros((BATCH, HIST, EMBED), jnp.float32)
    big = lax.dynamic_update_slice(big, out_a, (0, 0, 0))
    big = lax.dynamic_update_slice(big, out_b, (HB, 0, 0))
    return big

# --- scband reference (transcript-rebuilt; emitter-appended) ---
"""Pipeline reference for scband-share-embeddings-83528523973237 (READ-ONLY COPY).

The authoritative reference and input builder live on the scoring server;
editing this copy changes nothing except your own understanding.
"""

import jax, jax.numpy as jnp
import numpy as np

VOCAB = 100000
EMBED = 128
BATCH = 4096
HIST = 50

def setup_inputs(seed: int = 0) -> dict:
    key = jax.random.key(seed)
    k_idx, k_tab = jax.random.split(key)
    inputs = jax.random.randint(k_idx, (BATCH, HIST), 0, VOCAB, dtype=jnp.int64)
    table = jax.random.normal(k_tab, (VOCAB, EMBED), dtype=jnp.float32) * 0.05
    return {"inputs": inputs, "table": table}

def reference(inputs, table):
    # Embedding lookup: gather rows of the table by index
    embedded = jnp.take(table, inputs, axis=0)
    return embedded

if __name__ == "__main__":
    import jax
    _d = setup_inputs()
    print(jax.jit(kernel)(*tuple(_d.values())))

</pallas_src>

<mosaic_0001>
#map = affine_map<(d0, d1) -> (0, 0)>
#map1 = affine_map<(d0, d1) -> (0, 0, 0)>
module attributes {stable_mosaic.version = 14 : i64} {
  func.func @_gather_kernel(%arg0: i32, %arg1: i32, %arg2: memref<100000x128xf32, #tpu.memory_space<hbm>>, %arg3: memref<32x32x104xi32, #tpu.memory_space<hbm>>, %arg4: memref<2048x50x128xf32, #tpu.memory_space<hbm>>, %arg5: memref<32x104xi32, #tpu.memory_space<vmem>>, %arg6: memref<8x100x128xf32, #tpu.memory_space<vmem>>, %arg7: memref<8x!tpu.dma_semaphore, #tpu.memory_space<semaphore_mem>>, %arg8: memref<8x!tpu.dma_semaphore, #tpu.memory_space<semaphore_mem>>) attributes {dimension_semantics = [#tpu.dimension_semantics<core_parallel>, #tpu.dimension_semantics<subcore_parallel>], iteration_bounds = array<i64: 2, 16>, scalar_prefetch = 0 : i64, scratch_operands = 4 : i64, tpu.core_type = #tpu.core_type<sc_vector_subcore>, window_params = [{transform_indices = #map}, {transform_indices = #map1}, {transform_indices = #map1}]} {
    %mul3A = arith.constant 2 : i32
    %mul3A_0 = arith.muli %arg1, %mul3A : i32
    %add3A = arith.addi %mul3A_0, %arg0 : i32
    "tpu.region"() ({
      %run_scoped3A = tpu.sem_alloc : memref<!tpu.dma_semaphore, #tpu.memory_space<semaphore_mem>>
      %dma_start3A_1012 = arith.constant 0 : i32
      %dma_start3A_1013 = arith.constant 0 : i32
      %dma_start3A_1014 = tpu.memref_slice %arg3[%add3A, %dma_start3A_1012, %dma_start3A_1013] : memref<32x32x104xi32, #tpu.memory_space<hbm>> -> memref<1x32x104xi32, #tpu.memory_space<hbm>>
      %dma_start3A_1015 = tpu.memref_squeeze %dma_start3A_1014 : memref<1x32x104xi32, #tpu.memory_space<hbm>> -> memref<32x104xi32, #tpu.memory_space<hbm>>
      %dma_start3A_1016 = arith.constant 0 : i32
      %dma_start3A_1017 = arith.constant 0 : i32
      %dma_start3A_1018 = tpu.memref_slice %arg3[%add3A, %dma_start3A_1016, %dma_start3A_1017] : memref<32x32x104xi32, #tpu.memory_space<hbm>> -> memref<1x32x104xi32, #tpu.memory_space<hbm>>
      %dma_start3A_1019 = tpu.memref_squeeze %dma_start3A_1018 : memref<1x32x104xi32, #tpu.memory_space<hbm>> -> memref<32x104xi32, #tpu.memory_space<hbm>>
      tpu.enqueue_dma source(%dma_start3A_1019 : memref<32x104xi32, #tpu.memory_space<hbm>>) target(%arg5 : memref<32x104xi32, #tpu.memory_space<vmem>>) target_semaphore(%run_scoped3A : memref<!tpu.dma_semaphore, #tpu.memory_space<semaphore_mem>>)
      %dma_wait3A_1020 = arith.constant 0 : i32
      %dma_wait3A_1021 = arith.constant 0 : i32
      %dma_wait3A_1022 = tpu.memref_slice %arg3[%add3A, %dma_wait3A_1020, %dma_wait3A_1021] : memref<32x32x104xi32, #tpu.memory_space<hbm>> -> memref<1x32x104xi32, #tpu.memory_space<hbm>>
      %dma_wait3A_1023 = tpu.memref_squeeze %dma_wait3A_1022 : memref<1x32x104xi32, #tpu.memory_space<hbm>> -> memref<32x104xi32, #tpu.memory_space<hbm>>
      %dma_wait3A_1024 = arith.constant 0 : i32
      %dma_wait3A_1025 = arith.constant 0 : i32
      %dma_wait3A_1026 = tpu.memref_slice %arg3[%add3A, %dma_wait3A_1024, %dma_wait3A_1025] : memref<32x32x104xi32, #tpu.memory_space<hbm>> -> memref<1x32x104xi32, #tpu.memory_space<hbm>>
      %dma_wait3A_1027 = tpu.memref_squeeze %dma_wait3A_1026 : memref<1x32x104xi32, #tpu.memory_space<hbm>> -> memref<32x104xi32, #tpu.memory_space<hbm>>
      tpu.wait_dma2 semaphore(%run_scoped3A : memref<!tpu.dma_semaphore, #tpu.memory_space<semaphore_mem>>) src(%dma_wait3A_1027 : memref<32x104xi32, #tpu.memory_space<hbm>>) dst(%arg5 : memref<32x104xi32, #tpu.memory_space<vmem>>)
      tpu.yield
    }) : () -> ()
    %dma_start3A = arith.constant 0 : i32
    %dma_start3A_1 = arith.constant 0 : i32
    %dma_start3A_2 = arith.constant 0 : i32
    %dma_start3A_3 = arith.constant 0 : i32
    %dma_start3A_4 = arith.constant 0 : i32
    %dma_start3A_5 = tpu.memref_slice %arg6[%dma_start3A_1, %dma_start3A_3, %dma_start3A_4] : memref<8x100x128xf32, #tpu.memory_space<vmem>> -> memref<1x100x128xf32, #tpu.memory_space<vmem>>
    %dma_start3A_6 = tpu.memref_squeeze %dma_start3A_5 : memref<1x100x128xf32, #tpu.memory_space<vmem>> -> memref<100x128xf32, #tpu.memory_space<vmem>>
    %dma_start3A_7 = arith.constant 0 : i32
    %dma_start3A_8 = tpu.memref_slice %arg5[%dma_start3A, %dma_start3A_7] : memref<32x104xi32, #tpu.memory_space<vmem>> -> memref<1x100xi32, #tpu.memory_space<vmem>>
    %dma_start3A_9 = tpu.memref_squeeze %dma_start3A_8 : memref<1x100xi32, #tpu.memory_space<vmem>> -> memref<100xi32, #tpu.memory_space<vmem>>
    %dma_start3A_10 = arith.constant 0 : i32
    %dma_start3A_11 = arith.constant 0 : i32
    %dma_start3A_12 = tpu.memref_slice %arg2[%dma_start3A_10, %dma_start3A_11] : memref<100000x128xf32, #tpu.memory_space<hbm>> -> memref<100000x128xf32, #tpu.memory_space<hbm>>
    %dma_start3A_13 = tpu.memref_slice %arg7[%dma_start3A_2] : memref<8x!tpu.dma_semaphore, #tpu.memory_space<semaphore_mem>> -> memref<1x!tpu.dma_semaphore, #tpu.memory_space<semaphore_mem>>
    %dma_start3A_14 = tpu.memref_squeeze %dma_start3A_13 : memref<1x!tpu.dma_semaphore, #tpu.memory_space<semaphore_mem>> -> memref<!tpu.dma_semaphore, #tpu.memory_space<semaphore_mem>>
    tpu.enqueue_indirect_dma source(%dma_start3A_12 : memref<100000x128xf32, #tpu.memory_space<hbm>>) target(%dma_start3A_6 : memref<100x128xf32, #tpu.memory_space<vmem>>) offsets(%dma_start3A_9 : memref<100xi32, #tpu.memory_space<vmem>>) semaphore(%dma_start3A_14 : memref<!tpu.dma_semaphore, #tpu.memory_space<semaphore_mem>>)
    %dma_start3A_15 = arith.constant 1 : i32
    %dma_start3A_16 = arith.constant 1 : i32
    %dma_start3A_17 = arith.constant 1 : i32
    %dma_start3A_18 = arith.constant 0 : i32
    %dma_start3A_19 = arith.constant 0 : i32
    %dma_start3A_20 = tpu.memref_slice %arg6[%dma_start3A_16, %dma_start3A_18, %dma_start3A_19] : memref<8x100x128xf32, #tpu.memory_space<vmem>> -> memref<1x100x128xf32, #tpu.memory_space<vmem>>
    %dma_start3A_21 = tpu.memref_squeeze %dma_start3A_20 : memref<1x100x128xf32, #tpu.memory_space<vmem>> -> memref<100x128xf32, #tpu.memory_space<vmem>>
    %dma_start3A_22 = arith.constant 0 : i32
    %dma_start3A_23 = tpu.memref_slice %arg5[%dma_start3A_15, %dma_start3A_22] : memref<32x104xi32, #tpu.memory_space<vmem>> -> memref<1x100xi32, #tpu.memory_space<vmem>>
    %dma_start3A_24 = tpu.memref_squeeze %dma_start3A_23 : memref<1x100xi32, #tpu.memory_space<vmem>> -> memref<100xi32, #tpu.memory_space<vmem>>
    %dma_start3A_25 = arith.constant 0 : i32
    %dma_start3A_26 = arith.constant 0 : i32
    %dma_start3A_27 = tpu.memref_slice %arg2[%dma_start3A_25, %dma_start3A_26] : memref<100000x128xf32, #tpu.memory_space<hbm>> -> memref<100000x128xf32, #tpu.memory_space<hbm>>
    %dma_start3A_28 = tpu.memref_slice %arg7[%dma_start3A_17] : memref<8x!tpu.dma_semaphore, #tpu.memory_space<semaphore_mem>> -> memref<1x!tpu.dma_semaphore, #tpu.memory_space<semaphore_mem>>
    %dma_start3A_29 = tpu.memref_squeeze %dma_start3A_28 : memref<1x!tpu.dma_semaphore, #tpu.memory_space<semaphore_mem>> -> memref<!tpu.dma_semaphore, #tpu.memory_space<semaphore_mem>>
    tpu.enqueue_indirect_dma source(%dma_start3A_27 : memref<100000x128xf32, #tpu.memory_space<hbm>>) target(%dma_start3A_21 : memref<100x128xf32, #tpu.memory_space<vmem>>) offsets(%dma_start3A_24 : memref<100xi32, #tpu.memory_space<vmem>>) semaphore(%dma_start3A_29 : memref<!tpu.dma_semaphore, #tpu.memory_space<semaphore_mem>>)
    %dma_start3A_30 = arith.constant 2 : i32
    %dma_start3A_31 = arith.constant 2 : i32
    %dma_start3A_32 = arith.constant 2 : i32
    %dma_start3A_33 = arith.constant 0 : i32
    %dma_start3A_34 = arith.constant 0 : i32
    %dma_start3A_35 = tpu.memref_slice %arg6[%dma_start3A_31, %dma_start3A_33, %dma_start3A_34] : memref<8x100x128xf32, #tpu.memory_space<vmem>> -> memref<1x100x128xf32, #tpu.memory_space<vmem>>
    %dma_start3A_36 = tpu.memref_squeeze %dma_start3A_35 : memref<1x100x128xf32, #tpu.memory_space<vmem>> -> memref<100x128xf32, #tpu.memory_space<vmem>>
    %dma_start3A_37 = arith.constant 0 : i32
    %dma_start3A_38 = tpu.memref_slice %arg5[%dma_start3A_30, %dma_start3A_37] : memref<32x104xi32, #tpu.memory_space<vmem>> -> memref<1x100xi32, #tpu.memory_space<vmem>>
    %dma_start3A_39 = tpu.memref_squeeze %dma_start3A_38 : memref<1x100xi32, #tpu.memory_space<vmem>> -> memref<100xi32, #tpu.memory_space<vmem>>
    %dma_start3A_40 = arith.constant 0 : i32
    %dma_start3A_41 = arith.constant 0 : i32
    %dma_start3A_42 = tpu.memref_slice %arg2[%dma_start3A_40, %dma_start3A_41] : memref<100000x128xf32, #tpu.memory_space<hbm>> -> memref<100000x128xf32, #tpu.memory_space<hbm>>
    %dma_start3A_43 = tpu.memref_slice %arg7[%dma_start3A_32] : memref<8x!tpu.dma_semaphore, #tpu.memory_space<semaphore_mem>> -> memref<1x!tpu.dma_semaphore, #tpu.memory_space<semaphore_mem>>
    %dma_start3A_44 = tpu.memref_squeeze %dma_start3A_43 : memref<1x!tpu.dma_semaphore, #tpu.memory_space<semaphore_mem>> -> memref<!tpu.dma_semaphore, #tpu.memory_space<semaphore_mem>>
    tpu.enqueue_indirect_dma source(%dma_start3A_42 : memref<100000x128xf32, #tpu.memory_space<hbm>>) target(%dma_start3A_36 : memref<100x128xf32, #tpu.memory_space<vmem>>) offsets(%dma_start3A_39 : memref<100xi32, #tpu.memory_space<vmem>>) semaphore(%dma_start3A_44 : memref<!tpu.dma_semaphore, #tpu.memory_space<semaphore_mem>>)
    %dma_start3A_45 = arith.constant 3 : i32
    %dma_start3A_46 = arith.constant 3 : i32
    %dma_start3A_47 = arith.constant 3 : i32
    %dma_start3A_48 = arith.constant 0 : i32
    %dma_start3A_49 = arith.constant 0 : i32
    %dma_start3A_50 = tpu.memref_slice %arg6[%dma_start3A_46, %dma_start3A_48, %dma_start3A_49] : memref<8x100x128xf32, #tpu.memory_space<vmem>> -> memref<1x100x128xf32, #tpu.memory_space<vmem>>
    %dma_start3A_51 = tpu.memref_squeeze %dma_start3A_50 : memref<1x100x128xf32, #tpu.memory_space<vmem>> -> memref<100x128xf32, #tpu.memory_space<vmem>>
    %dma_start3A_52 = arith.constant 0 : i32
    %dma_start3A_53 = tpu.memref_slice %arg5[%dma_start3A_45, %dma_start3A_52] : memref<32x104xi32, #tpu.memory_space<vmem>> -> memref<1x100xi32, #tpu.memory_space<vmem>>
    %dma_start3A_54 = tpu.memref_squeeze %dma_start3A_53 : memref<1x100xi32, #tpu.memory_space<vmem>> -> memref<100xi32, #tpu.memory_space<vmem>>
    %dma_start3A_55 = arith.constant 0 : i32
    %dma_start3A_56 = arith.constant 0 : i32
    %dma_start3A_57 = tpu.memref_slice %arg2[%dma_start3A_55, %dma_start3A_56] : memref<100000x128xf32, #tpu.memory_space<hbm>> -> memref<100000x128xf32, #tpu.memory_space<hbm>>
    %dma_start3A_58 = tpu.memref_slice %arg7[%dma_start3A_47] : memref<8x!tpu.dma_semaphore, #tpu.memory_space<semaphore_mem>> -> memref<1x!tpu.dma_semaphore, #tpu.memory_space<semaphore_mem>>
    %dma_start3A_59 = tpu.memref_squeeze %dma_start3A_58 : memref<1x!tpu.dma_semaphore, #tpu.memory_space<semaphore_mem>> -> memref<!tpu.dma_semaphore, #tpu.memory_space<semaphore_mem>>
    tpu.enqueue_indirect_dma source(%dma_start3A_57 : memref<100000x128xf32, #tpu.memory_space<hbm>>) target(%dma_start3A_51 : memref<100x128xf32, #tpu.memory_space<vmem>>) offsets(%dma_start3A_54 : memref<100xi32, #tpu.memory_space<vmem>>) semaphore(%dma_start3A_59 : memref<!tpu.dma_semaphore, #tpu.memory_space<semaphore_mem>>)
    %dma_start3A_60 = arith.constant 4 : i32
    %dma_start3A_61 = arith.constant 4 : i32
    %dma_start3A_62 = arith.constant 4 : i32
    %dma_start3A_63 = arith.constant 0 : i32
    %dma_start3A_64 = arith.constant 0 : i32
    %dma_start3A_65 = tpu.memref_slice %arg6[%dma_start3A_61, %dma_start3A_63, %dma_start3A_64] : memref<8x100x128xf32, #tpu.memory_space<vmem>> -> memref<1x100x128xf32, #tpu.memory_space<vmem>>
    %dma_start3A_66 = tpu.memref_squeeze %dma_start3A_65 : memref<1x100x128xf32, #tpu.memory_space<vmem>> -> memref<100x128xf32, #tpu.memory_space<vmem>>
    %dma_start3A_67 = arith.constant 0 : i32
    %dma_start3A_68 = tpu.memref_slice %arg5[%dma_start3A_60, %dma_start3A_67] : memref<32x104xi32, #tpu.memory_space<vmem>> -> memref<1x100xi32, #tpu.memory_space<vmem>>
    %dma_start3A_69 = tpu.memref_squeeze %dma_start3A_68 : memref<1x100xi32, #tpu.memory_space<vmem>> -> memref<100xi32, #tpu.memory_space<vmem>>
    %dma_start3A_70 = arith.constant 0 : i32
    %dma_start3A_71 = arith.constant 0 : i32
    %dma_start3A_72 = tpu.memref_slice %arg2[%dma_start3A_70, %dma_start3A_71] : memref<100000x128xf32, #tpu.memory_space<hbm>> -> memref<100000x128xf32, #tpu.memory_space<hbm>>
    %dma_start3A_73 = tpu.memref_slice %arg7[%dma_start3A_62] : memref<8x!tpu.dma_semaphore, #tpu.memory_space<semaphore_mem>> -> memref<1x!tpu.dma_semaphore, #tpu.memory_space<semaphore_mem>>
    %dma_start3A_74 = tpu.memref_squeeze %dma_start3A_73 : memref<1x!tpu.dma_semaphore, #tpu.memory_space<semaphore_mem>> -> memref<!tpu.dma_semaphore, #tpu.memory_space<semaphore_mem>>
    tpu.enqueue_indirect_dma source(%dma_start3A_72 : memref<100000x128xf32, #tpu.memory_space<hbm>>) target(%dma_start3A_66 : memref<100x128xf32, #tpu.memory_space<vmem>>) offsets(%dma_start3A_69 : memref<100xi32, #tpu.memory_space<vmem>>) semaphore(%dma_start3A_74 : memref<!tpu.dma_semaphore, #tpu.memory_space<semaphore_mem>>)
    %dma_start3A_75 = arith.constant 5 : i32
    %dma_start3A_76 = arith.constant 5 : i32
    %dma_start3A_77 = arith.constant 5 : i32
    %dma_start3A_78 = arith.constant 0 : i32
    %dma_start3A_79 = arith.constant 0 : i32
    %dma_start3A_80 = tpu.memref_slice %arg6[%dma_start3A_76, %dma_start3A_78, %dma_start3A_79] : memref<8x100x128xf32, #tpu.memory_space<vmem>> -> memref<1x100x128xf32, #tpu.memory_space<vmem>>
    %dma_start3A_81 = tpu.memref_squeeze %dma_start3A_80 : memref<1x100x128xf32, #tpu.memory_space<vmem>> -> memref<100x128xf32, #tpu.memory_space<vmem>>
    %dma_start3A_82 = arith.constant 0 : i32
    %dma_start3A_83 = tpu.memref_slice %arg5[%dma_start3A_75, %dma_start3A_82] : memref<32x104xi32, #tpu.memory_space<vmem>> -> memref<1x100xi32, #tpu.memory_space<vmem>>
    %dma_start3A_84 = tpu.memref_squeeze %dma_start3A_83 : memref<1x100xi32, #tpu.memory_space<vmem>> -> memref<100xi32, #tpu.memory_space<vmem>>
    %dma_start3A_85 = arith.constant 0 : i32
    %dma_start3A_86 = arith.constant 0 : i32
    %dma_start3A_87 = tpu.memref_slice %arg2[%dma_start3A_85, %dma_start3A_86] : memref<100000x128xf32, #tpu.memory_space<hbm>> -> memref<100000x128xf32, #tpu.memory_space<hbm>>
    %dma_start3A_88 = tpu.memref_slice %arg7[%dma_start3A_77] : memref<8x!tpu.dma_semaphore, #tpu.memory_space<semaphore_mem>> -> memref<1x!tpu.dma_semaphore, #tpu.memory_space<semaphore_mem>>
    %dma_start3A_89 = tpu.memref_squeeze %dma_start3A_88 : memref<1x!tpu.dma_semaphore, #tpu.memory_space<semaphore_mem>> -> memref<!tpu.dma_semaphore, #tpu.memory_space<semaphore_mem>>
    tpu.enqueue_indirect_dma source(%dma_start3A_87 : memref<100000x128xf32, #tpu.memory_space<hbm>>) target(%dma_start3A_81 : memref<100x128xf32, #tpu.memory_space<vmem>>) offsets(%dma_start3A_84 : memref<100xi32, #tpu.memory_space<vmem>>) semaphore(%dma_start3A_89 : memref<!tpu.dma_semaphore, #tpu.memory_space<semaphore_mem>>)
    %dma_start3A_90 = arith.constant 6 : i32
    %dma_start3A_91 = arith.constant 6 : i32
    %dma_start3A_92 = arith.constant 6 : i32
    %dma_start3A_93 = arith.constant 0 : i32
    %dma_start3A_94 = arith.constant 0 : i32
    %dma_start3A_95 = tpu.memref_slice %arg6[%dma_start3A_91, %dma_start3A_93, %dma_start3A_94] : memref<8x100x128xf32, #tpu.memory_space<vmem>> -> memref<1x100x128xf32, #tpu.memory_space<vmem>>
    %dma_start3A_96 = tpu.memref_squeeze %dma_start3A_95 : memref<1x100x128xf32, #tpu.memory_space<vmem>> -> memref<100x128xf32, #tpu.memory_space<vmem>>
    %dma_start3A_97 = arith.constant 0 : i32
    %dma_start3A_98 = tpu.memref_slice %arg5[%dma_start3A_90, %dma_start3A_97] : memref<32x104xi32, #tpu.memory_space<vmem>> -> memref<1x100xi32, #tpu.memory_space<vmem>>
    %dma_start3A_99 = tpu.memref_squeeze %dma_start3A_98 : memref<1x100xi32, #tpu.memory_space<vmem>> -> memref<100xi32, #tpu.memory_space<vmem>>
    %dma_start3A_100 = arith.constant 0 : i32
    %dma_start3A_101 = arith.constant 0 : i32
    %dma_start3A_102 = tpu.memref_slice %arg2[%dma_start3A_100, %dma_start3A_101] : memref<100000x128xf32, #tpu.memory_space<hbm>> -> memref<100000x128xf32, #tpu.memory_space<hbm>>
    %dma_start3A_103 = tpu.memref_slice %arg7[%dma_start3A_92] : memref<8x!tpu.dma_semaphore, #tpu.memory_space<semaphore_mem>> -> memref<1x!tpu.dma_semaphore, #tpu.memory_space<semaphore_mem>>
    %dma_start3A_104 = tpu.memref_squeeze %dma_start3A_103 : memref<1x!tpu.dma_semaphore, #tpu.memory_space<semaphore_mem>> -> memref<!tpu.dma_semaphore, #tpu.memory_space<semaphore_mem>>
    tpu.enqueue_indirect_dma source(%dma_start3A_102 : memref<100000x128xf32, #tpu.memory_space<hbm>>) target(%dma_start3A_96 : memref<100x128xf32, #tpu.memory_space<vmem>>) offsets(%dma_start3A_99 : memref<100xi32, #tpu.memory_space<vmem>>) semaphore(%dma_start3A_104 : memref<!tpu.dma_semaphore, #tpu.memory_space<semaphore_mem>>)
    %dma_start3A_105 = arith.constant 7 : i32
    %dma_start3A_106 = arith.constant 7 : i32
    %dma_start3A_107 = arith.constant 7 : i32
    %dma_start3A_108 = arith.constant 0 : i32
    %dma_start3A_109 = arith.constant 0 : i32
    %dma_start3A_110 = tpu.memref_slice %arg6[%dma_start3A_106, %dma_start3A_108, %dma_start3A_109] : memref<8x100x128xf32, #tpu.memory_space<vmem>> -> memref<1x100x128xf32, #tpu.memory_space<vmem>>
    %dma_start3A_111 = tpu.memref_squeeze %dma_start3A_110 : memref<1x100x128xf32, #tpu.memory_space<vmem>> -> memref<100x128xf32, #tpu.memory_space<vmem>>
    %dma_start3A_112 = arith.constant 0 : i32
    %dma_start3A_113 = tpu.memref_slice %arg5[%dma_start3A_105, %dma_start3A_112] : memref<32x104xi32, #tpu.memory_space<vmem>> -> memref<1x100xi32, #tpu.memory_space<vmem>>
    %dma_start3A_114 = tpu.memref_squeeze %dma_start3A_113 : memref<1x100xi32, #tpu.memory_space<vmem>> -> memref<100xi32, #tpu.memory_space<vmem>>
    %dma_start3A_115 = arith.constant 0 : i32
    %dma_start3A_116 = arith.constant 0 : i32
    %dma_start3A_117 = tpu.memref_slice %arg2[%dma_start3A_115, %dma_start3A_116] : memref<100000x128xf32, #tpu.memory_space<hbm>> -> memref<100000x128xf32, #tpu.memory_space<hbm>>
    %dma_start3A_118 = tpu.memref_slice %arg7[%dma_start3A_107] : memref<8x!tpu.dma_semaphore, #tpu.memory_space<semaphore_mem>> -> memref<1x!tpu.dma_semaphore, #tpu.memory_space<semaphore_mem>>
    %dma_start3A_119 = tpu.memref_squeeze %dma_start3A_118 : memref<1x!tpu.dma_semaphore, #tpu.memory_space<semaphore_mem>> -> memref<!tpu.dma_semaphore, #tpu.memory_space<semaphore_mem>>
    tpu.enqueue_indirect_dma source(%dma_start3A_117 : memref<100000x128xf32, #tpu.memory_space<hbm>>) target(%dma_start3A_111 : memref<100x128xf32, #tpu.memory_space<vmem>>) offsets(%dma_start3A_114 : memref<100xi32, #tpu.memory_space<vmem>>) semaphore(%dma_start3A_119 : memref<!tpu.dma_semaphore, #tpu.memory_space<semaphore_mem>>)
    %scan3A = arith.constant 0 : i32
    %scan3A_120 = arith.constant 0 : i32
    %scan3A_121 = arith.constant 3 : i32
    %scan3A_122 = arith.addi %scan3A_120, %scan3A_121 : i32
    %scan3A_123 = arith.constant 1 : i32
    scf.for %scan3A_1012 = %scan3A_120 to %scan3A_122 step %scan3A_123  : i32 {
      %mul3A_1013 = arith.constant 8 : i32
      %mul3A_1014 = arith.muli %scan3A_1012, %mul3A_1013 : i32
      %add3A_1015 = arith.constant 0 : i32
      %add3A_1016 = arith.addi %mul3A_1014, %add3A_1015 : i32
      %dma_wait3A_1017 = arith.constant 0 : i32
      %dma_wait3A_1018 = arith.constant 0 : i32
      %dma_wait3A_1019 = arith.constant 0 : i32
      %dma_wait3A_1020 = arith.constant 0 : i32
      %dma_wait3A_1021 = tpu.memref_slice %arg6[%dma_wait3A_1017, %dma_wait3A_1019, %dma_wait3A_1020] : memref<8x100x128xf32, #tpu.memory_space<vmem>> -> memref<1x100x128xf32, #tpu.memory_space<vmem>>
      %dma_wait3A_1022 = tpu.memref_squeeze %dma_wait3A_1021 : memref<1x100x128xf32, #tpu.memory_space<vmem>> -> memref<100x128xf32, #tpu.memory_space<vmem>>
      %dma_wait3A_1023 = arith.constant 0 : i32
      %dma_wait3A_1024 = tpu.memref_slice %arg5[%add3A_1016, %dma_wait3A_1023] : memref<32x104xi32, #tpu.memory_space<vmem>> -> memref<1x100xi32, #tpu.memory_space<vmem>>
      %dma_wait3A_1025 = tpu.memref_squeeze %dma_wait3A_1024 : memref<1x100xi32, #tpu.memory_space<vmem>> -> memref<100xi32, #tpu.memory_space<vmem>>
      %dma_wait3A_1026 = arith.constant 0 : i32
      %dma_wait3A_1027 = arith.constant 0 : i32
      %dma_wait3A_1028 = tpu.memref_slice %arg2[%dma_wait3A_1026, %dma_wait3A_1027] : memref<100000x128xf32, #tpu.memory_space<hbm>> -> memref<100000x128xf32, #tpu.memory_space<hbm>>
      %dma_wait3A_1029 = tpu.memref_slice %arg7[%dma_wait3A_1018] : memref<8x!tpu.dma_semaphore, #tpu.memory_space<semaphore_mem>> -> memref<1x!tpu.dma_semaphore, #tpu.memory_space<semaphore_mem>>
      %dma_wait3A_1030 = tpu.memref_squeeze %dma_wait3A_1029 : memref<1x!tpu.dma_semaphore, #tpu.memory_space<semaphore_mem>> -> memref<!tpu.dma_semaphore, #tpu.memory_space<semaphore_mem>>
      tpu.wait_indirect_dma semaphore(%dma_wait3A_1030 : memref<!tpu.dma_semaphore, #tpu.memory_space<semaphore_mem>>) src(%dma_wait3A_1028 : memref<100000x128xf32, #tpu.memory_space<hbm>>) dst(%dma_wait3A_1022 : memref<100x128xf32, #tpu.memory_space<vmem>>)
      %mul3A_1031 = arith.constant 64 : i32
      %mul3A_1032 = arith.muli %add3A, %mul3A_1031 : i32
      %mul3A_1033 = arith.constant 2 : i32
      %mul3A_1034 = arith.muli %add3A_1016, %mul3A_1033 : i32
      %add3A_1035 = arith.addi %mul3A_1032, %mul3A_1034 : i32
      %add3A_1036 = arith.constant 0 : i32
      %add3A_1037 = arith.addi %add3A_1035, %add3A_1036 : i32
      %dma_start3A_1038 = arith.constant 0 : i32
      %dma_start3A_1039 = arith.constant 0 : i32
      %dma_start3A_1040 = arith.constant 0 : i32
      %dma_start3A_1041 = arith.constant 0 : i32
      %dma_start3A_1042 = tpu.memref_slice %arg6[%dma_start3A_1038, %dma_start3A_1040, %dma_start3A_1041] : memref<8x100x128xf32, #tpu.memory_space<vmem>> -> memref<1x50x128xf32, #tpu.memory_space<vmem>>
      %dma_start3A_1043 = tpu.memref_squeeze %dma_start3A_1042 : memref<1x50x128xf32, #tpu.memory_space<vmem>> -> memref<50x128xf32, #tpu.memory_space<vmem>>
      %dma_start3A_1044 = arith.constant 0 : i32
      %dma_start3A_1045 = arith.constant 0 : i32
      %dma_start3A_1046 = tpu.memref_slice %arg4[%add3A_1037, %dma_start3A_1044, %dma_start3A_1045] : memref<2048x50x128xf32, #tpu.memory_space<hbm>> -> memref<1x50x128xf32, #tpu.memory_space<hbm>>
      %dma_start3A_1047 = tpu.memref_squeeze %dma_start3A_1046 : memref<1x50x128xf32, #tpu.memory_space<hbm>> -> memref<50x128xf32, #tpu.memory_space<hbm>>
      %dma_start3A_1048 = tpu.memref_slice %arg8[%dma_start3A_1039] : memref<8x!tpu.dma_semaphore, #tpu.memory_space<semaphore_mem>> -> memref<1x!tpu.dma_semaphore, #tpu.memory_space<semaphore_mem>>
      %dma_start3A_1049 = tpu.memref_squeeze %dma_start3A_1048 : memref<1x!tpu.dma_semaphore, #tpu.memory_space<semaphore_mem>> -> memref<!tpu.dma_semaphore, #tpu.memory_space<semaphore_mem>>
      %dma_start3A_1050 = arith.constant 0 : i32
      %dma_start3A_1051 = arith.constant 0 : i32
      %dma_start3A_1052 = tpu.memref_slice %arg4[%add3A_1037, %dma_start3A_1050, %dma_start3A_1051] : memref<2048x50x128xf32, #tpu.memory_space<hbm>> -> memref<1x50x128xf32, #tpu.memory_space<hbm>>
      %dma_start3A_1053 = tpu.memref_squeeze %dma_start3A_1052 : memref<1x50x128xf32, #tpu.memory_space<hbm>> -> memref<50x128xf32, #tpu.memory_space<hbm>>
      %dma_start3A_1054 = arith.constant 0 : i32
      %dma_start3A_1055 = arith.constant 0 : i32
      %dma_start3A_1056 = tpu.memref_slice %arg6[%dma_start3A_1038, %dma_start3A_1054, %dma_start3A_1055] : memref<8x100x128xf32, #tpu.memory_space<vmem>> -> memref<1x50x128xf32, #tpu.memory_space<vmem>>
      %dma_start3A_1057 = tpu.memref_squeeze %dma_start3A_1056 : memref<1x50x128xf32, #tpu.memory_space<vmem>> -> memref<50x128xf32, #tpu.memory_space<vmem>>
      tpu.enqueue_dma source(%dma_start3A_1057 : memref<50x128xf32, #tpu.memory_space<vmem>>) target(%dma_start3A_1053 : memref<50x128xf32, #tpu.memory_space<hbm>>) target_semaphore(%dma_start3A_1049 : memref<!tpu.dma_semaphore, #tpu.memory_space<semaphore_mem>>)
      %add3A_1058 = arith.constant 1 : i32
      %add3A_1059 = arith.addi %add3A_1035, %add3A_1058 : i32
      %dma_start3A_1060 = arith.constant 0 : i32
      %dma_start3A_1061 = arith.constant 0 : i32
      %dma_start3A_1062 = arith.constant 50 : i32
      %dma_start3A_1063 = arith.constant 0 : i32
      %dma_start3A_1064 = tpu.memref_slice %arg6[%dma_start3A_1060, %dma_start3A_1062, %dma_start3A_1063] : memref<8x100x128xf32, #tpu.memory_space<vmem>> -> memref<1x50x128xf32, #tpu.memory_space<vmem>>
      %dma_start3A_1065 = tpu.memref_squeeze %dma_start3A_1064 : memref<1x50x128xf32, #tpu.memory_space<vmem>> -> memref<50x128xf32, #tpu.memory_space<vmem>>
      %dma_start3A_1066 = arith.constant 0 : i32
      %dma_start3A_1067 = arith.constant 0 : i32
      %dma_start3A_1068 = tpu.memref_slice %arg4[%add3A_1059, %dma_start3A_1066, %dma_start3A_1067] : memref<2048x50x128xf32, #tpu.memory_space<hbm>> -> memref<1x50x128xf32, #tpu.memory_space<hbm>>
      %dma_start3A_1069 = tpu.memref_squeeze %dma_start3A_1068 : memref<1x50x128xf32, #tpu.memory_space<hbm>> -> memref<50x128xf32, #tpu.memory_space<hbm>>
      %dma_start3A_1070 = tpu.memref_slice %arg8[%dma_start3A_1061] : memref<8x!tpu.dma_semaphore, #tpu.memory_space<semaphore_mem>> -> memref<1x!tpu.dma_semaphore, #tpu.memory_space<semaphore_mem>>
      %dma_start3A_1071 = tpu.memref_squeeze %dma_start3A_1070 : memref<1x!tpu.dma_semaphore, #tpu.memory_space<semaphore_mem>> -> memref<!tpu.dma_semaphore, #tpu.memory_space<semaphore_mem>>
      %dma_start3A_1072 = arith.constant 0 : i32
      %dma_start3A_1073 = arith.constant 0 : i32
      %dma_start3A_1074 = tpu.memref_slice %arg4[%add3A_1059, %dma_start3A_1072, %dma_start3A_1073] : memref<2048x50x128xf32, #tpu.memory_space<hbm>> -> memref<1x50x128xf32, #tpu.memory_space<hbm>>
      %dma_start3A_1075 = tpu.memref_squeeze %dma_start3A_1074 : memref<1x50x128xf32, #tpu.memory_space<hbm>> -> memref<50x128xf32, #tpu.memory_space<hbm>>
      %dma_start3A_1076 = arith.constant 50 : i32
      %dma_start3A_1077 = arith.constant 0 : i32
      %dma_start3A_1078 = tpu.memref_slice %arg6[%dma_start3A_1060, %dma_start3A_1076, %dma_start3A_1077] : memref<8x100x128xf32, #tpu.memory_space<vmem>> -> memref<1x50x128xf32, #tpu.memory_space<vmem>>
      %dma_start3A_1079 = tpu.memref_squeeze %dma_start3A_1078 : memref<1x50x128xf32, #tpu.memory_space<vmem>> -> memref<50x128xf32, #tpu.memory_space<vmem>>
      tpu.enqueue_dma source(%dma_start3A_1079 : memref<50x128xf32, #tpu.memory_space<vmem>>) target(%dma_start3A_1075 : memref<50x128xf32, #tpu.memory_space<hbm>>) target_semaphore(%dma_start3A_1071 : memref<!tpu.dma_semaphore, #tpu.memory_space<semaphore_mem>>)
      %mul3A_1080 = arith.constant 64 : i32
      %mul3A_1081 = arith.muli %add3A, %mul3A_1080 : i32
      %mul3A_1082 = arith.constant 2 : i32
      %mul3A_1083 = arith.muli %add3A_1016, %mul3A_1082 : i32
      %add3A_1084 = arith.addi %mul3A_1081, %mul3A_1083 : i32
      %add3A_1085 = arith.constant 0 : i32
      %add3A_1086 = arith.addi %add3A_1084, %add3A_1085 : i32
      %dma_wait3A_1087 = arith.constant 0 : i32
      %dma_wait3A_1088 = arith.constant 0 : i32
      %dma_wait3A_1089 = arith.constant 0 : i32
      %dma_wait3A_1090 = arith.constant 0 : i32
      %dma_wait3A_1091 = tpu.memref_slice %arg6[%dma_wait3A_1087, %dma_wait3A_1089, %dma_wait3A_1090] : memref<8x100x128xf32, #tpu.memory_space<vmem>> -> memref<1x50x128xf32, #tpu.memory_space<vmem>>
      %dma_wait3A_1092 = tpu.memref_squeeze %dma_wait3A_1091 : memref<1x50x128xf32, #tpu.memory_space<vmem>> -> memref<50x128xf32, #tpu.memory_space<vmem>>
      %dma_wait3A_1093 = arith.constant 0 : i32
      %dma_wait3A_1094 = arith.constant 0 : i32
      %dma_wait3A_1095 = tpu.memref_slice %arg4[%add3A_1086, %dma_wait3A_1093, %dma_wait3A_1094] : memref<2048x50x128xf32, #tpu.memory_space<hbm>> -> memref<1x50x128xf32, #tpu.memory_space<hbm>>
      %dma_wait3A_1096 = tpu.memref_squeeze %dma_wait3A_1095 : memref<1x50x128xf32, #tpu.memory_space<hbm>> -> memref<50x128xf32, #tpu.memory_space<hbm>>
      %dma_wait3A_1097 = tpu.memref_slice %arg8[%dma_wait3A_1088] : memref<8x!tpu.dma_semaphore, #tpu.memory_space<semaphore_mem>> -> memref<1x!tpu.dma_semaphore, #tpu.memory_space<semaphore_mem>>
      %dma_wait3A_1098 = tpu.memref_squeeze %dma_wait3A_1097 : memref<1x!tpu.dma_semaphore, #tpu.memory_space<semaphore_mem>> -> memref<!tpu.dma_semaphore, #tpu.memory_space<semaphore_mem>>
      %dma_wait3A_1099 = arith.constant 0 : i32
      %dma_wait3A_1100 = arith.constant 0 : i32
      %dma_wait3A_1101 = tpu.memref_slice %arg4[%add3A_1086, %dma_wait3A_1099, %dma_wait3A_1100] : memref<2048x50x128xf32, #tpu.memory_space<hbm>> -> memref<1x50x128xf32, #tpu.memory_space<hbm>>
      %dma_wait3A_1102 = tpu.memref_squeeze %dma_wait3A_1101 : memref<1x50x128xf32, #tpu.memory_space<hbm>> -> memref<50x128xf32, #tpu.memory_space<hbm>>
      %dma_wait3A_1103 = arith.constant 0 : i32
      %dma_wait3A_1104 = arith.constant 0 : i32
      %dma_wait3A_1105 = tpu.memref_slice %arg6[%dma_wait3A_1087, %dma_wait3A_1103, %dma_wait3A_1104] : memref<8x100x128xf32, #tpu.memory_space<vmem>> -> memref<1x50x128xf32, #tpu.memory_space<vmem>>
      %dma_wait3A_1106 = tpu.memref_squeeze %dma_wait3A_1105 : memref<1x50x128xf32, #tpu.memory_space<vmem>> -> memref<50x128xf32, #tpu.memory_space<vmem>>
      tpu.wait_dma2 semaphore(%dma_wait3A_1098 : memref<!tpu.dma_semaphore, #tpu.memory_space<semaphore_mem>>) src(%dma_wait3A_1106 : memref<50x128xf32, #tpu.memory_space<vmem>>) dst(%dma_wait3A_1102 : memref<50x128xf32, #tpu.memory_space<hbm>>)
      %add3A_1107 = arith.constant 1 : i32
      %add3A_1108 = arith.addi %add3A_1084, %add3A_1107 : i32
      %dma_wait3A_1109 = arith.constant 0 : i32
      %dma_wait3A_1110 = arith.constant 0 : i32
      %dma_wait3A_1111 = arith.constant 50 : i32
      %dma_wait3A_1112 = arith.constant 0 : i32
      %dma_wait3A_1113 = tpu.memref_slice %arg6[%dma_wait3A_1109, %dma_wait3A_1111, %dma_wait3A_1112] : memref<8x100x128xf32, #tpu.memory_space<vmem>> -> memref<1x50x128xf32, #tpu.memory_space<vmem>>
      %dma_wait3A_1114 = tpu.memref_squeeze %dma_wait3A_1113 : memref<1x50x128xf32, #tpu.memory_space<vmem>> -> memref<50x128xf32, #tpu.memory_space<vmem>>
      %dma_wait3A_1115 = arith.constant 0 : i32
      %dma_wait3A_1116 = arith.constant 0 : i32
      %dma_wait3A_1117 = tpu.memref_slice %arg4[%add3A_1108, %dma_wait3A_1115, %dma_wait3A_1116] : memref<2048x50x128xf32, #tpu.memory_space<hbm>> -> memref<1x50x128xf32, #tpu.memory_space<hbm>>
      %dma_wait3A_1118 = tpu.memref_squeeze %dma_wait3A_1117 : memref<1x50x128xf32, #tpu.memory_space<hbm>> -> memref<50x128xf32, #tpu.memory_space<hbm>>
      %dma_wait3A_1119 = tpu.memref_slice %arg8[%dma_wait3A_1110] : memref<8x!tpu.dma_semaphore, #tpu.memory_space<semaphore_mem>> -> memref<1x!tpu.dma_semaphore, #tpu.memory_space<semaphore_mem>>
      %dma_wait3A_1120 = tpu.memref_squeeze %dma_wait3A_1119 : memref<1x!tpu.dma_semaphore, #tpu.memory_space<semaphore_mem>> -> memref<!tpu.dma_semaphore, #tpu.memory_space<semaphore_mem>>
      %dma_wait3A_1121 = arith.constant 0 : i32
      %dma_wait3A_1122 = arith.constant 0 : i32
      %dma_wait3A_1123 = tpu.memref_slice %arg4[%add3A_1108, %dma_wait3A_1121, %dma_wait3A_1122] : memref<2048x50x128xf32, #tpu.memory_space<hbm>> -> memref<1x50x128xf32, #tpu.memory_space<hbm>>
      %dma_wait3A_1124 = tpu.memref_squeeze %dma_wait3A_1123 : memref<1x50x128xf32, #tpu.memory_space<hbm>> -> memref<50x128xf32, #tpu.memory_space<hbm>>
      %dma_wait3A_1125 = arith.constant 50 : i32
      %dma_wait3A_1126 = arith.constant 0 : i32
      %dma_wait3A_1127 = tpu.memref_slice %arg6[%dma_wait3A_1109, %dma_wait3A_1125, %dma_wait3A_1126] : memref<8x100x128xf32, #tpu.memory_space<vmem>> -> memref<1x50x128xf32, #tpu.memory_space<vmem>>
      %dma_wait3A_1128 = tpu.memref_squeeze %dma_wait3A_1127 : memref<1x50x128xf32, #tpu.memory_space<vmem>> -> memref<50x128xf32, #tpu.memory_space<vmem>>
      tpu.wait_dma2 semaphore(%dma_wait3A_1120 : memref<!tpu.dma_semaphore, #tpu.memory_space<semaphore_mem>>) src(%dma_wait3A_1128 : memref<50x128xf32, #tpu.memory_space<vmem>>) dst(%dma_wait3A_1124 : memref<50x128xf32, #tpu.memory_space<hbm>>)
      %add3A_1129 = arith.constant 8 : i32
      %add3A_1130 = arith.addi %add3A_1016, %add3A_1129 : i32
      %dma_start3A_1131 = arith.constant 0 : i32
      %dma_start3A_1132 = arith.constant 0 : i32
      %dma_start3A_1133 = arith.constant 0 : i32
      %dma_start3A_1134 = arith.constant 0 : i32
      %dma_start3A_1135 = tpu.memref_slice %arg6[%dma_start3A_1131, %dma_start3A_1133, %dma_start3A_1134] : memref<8x100x128xf32, #tpu.memory_space<vmem>> -> memref<1x100x128xf32, #tpu.memory_space<vmem>>
      %dma_start3A_1136 = tpu.memref_squeeze %dma_start3A_1135 : memref<1x100x128xf32, #tpu.memory_space<vmem>> -> memref<100x128xf32, #tpu.memory_space<vmem>>
      %dma_start3A_1137 = arith.constant 0 : i32
      %dma_start3A_1138 = tpu.memref_slice %arg5[%add3A_1130, %dma_start3A_1137] : memref<32x104xi32, #tpu.memory_space<vmem>> -> memref<1x100xi32, #tpu.memory_space<vmem>>
      %dma_start3A_1139 = tpu.memref_squeeze %dma_start3A_1138 : memref<1x100xi32, #tpu.memory_space<vmem>> -> memref<100xi32, #tpu.memory_space<vmem>>
      %dma_start3A_1140 = arith.constant 0 : i32
      %dma_start3A_1141 = arith.constant 0 : i32
      %dma_start3A_1142 = tpu.memref_slice %arg2[%dma_start3A_1140, %dma_start3A_1141] : memref<100000x128xf32, #tpu.memory_space<hbm>> -> memref<100000x128xf32, #tpu.memory_space<hbm>>
      %dma_start3A_1143 = tpu.memref_slice %arg7[%dma_start3A_1132] : memref<8x!tpu.dma_semaphore, #tpu.memory_space<semaphore_mem>> -> memref<1x!tpu.dma_semaphore, #tpu.memory_space<semaphore_mem>>
      %dma_start3A_1144 = tpu.memref_squeeze %dma_start3A_1143 : memref<1x!tpu.dma_semaphore, #tpu.memory_space<semaphore_mem>> -> memref<!tpu.dma_semaphore, #tpu.memory_space<semaphore_mem>>
      tpu.enqueue_indirect_dma source(%dma_start3A_1142 : memref<100000x128xf32, #tpu.memory_space<hbm>>) target(%dma_start3A_1136 : memref<100x128xf32, #tpu.memory_space<vmem>>) offsets(%dma_start3A_1139 : memref<100xi32, #tpu.memory_space<vmem>>) semaphore(%dma_start3A_1144 : memref<!tpu.dma_semaphore, #tpu.memory_space<semaphore_mem>>)
      %mul3A_1145 = arith.constant 8 : i32
      %mul3A_1146 = arith.muli %scan3A_1012, %mul3A_1145 : i32
      %add3A_1147 = arith.constant 1 : i32
      %add3A_1148 = arith.addi %mul3A_1146, %add3A_1147 : i32
      %dma_wait3A_1149 = arith.constant 1 : i32
      %dma_wait3A_1150 = arith.constant 1 : i32
      %dma_wait3A_1151 = arith.constant 0 : i32
      %dma_wait3A_1152 = arith.constant 0 : i32
      %dma_wait3A_1153 = tpu.memref_slice %arg6[%dma_wait3A_1149, %dma_wait3A_1151, %dma_wait3A_1152] : memref<8x100x128xf32, #tpu.memory_space<vmem>> -> memref<1x100x128xf32, #tpu.memory_space<vmem>>
      %dma_wait3A_1154 = tpu.memref_squeeze %dma_wait3A_1153 : memref<1x100x128xf32, #tpu.memory_space<vmem>> -> memref<100x128xf32, #tpu.memory_space<vmem>>
      %dma_wait3A_1155 = arith.constant 0 : i32
      %dma_wait3A_1156 = tpu.memref_slice %arg5[%add3A_1148, %dma_wait3A_1155] : memref<32x104xi32, #tpu.memory_space<vmem>> -> memref<1x100xi32, #tpu.memory_space<vmem>>
      %dma_wait3A_1157 = tpu.memref_squeeze %dma_wait3A_1156 : memref<1x100xi32, #tpu.memory_space<vmem>> -> memref<100xi32, #tpu.memory_space<vmem>>
      %dma_wait3A_1158 = arith.constant 0 : i32
      %dma_wait3A_1159 = arith.constant 0 : i32
      %dma_wait3A_1160 = tpu.memref_slice %arg2[%dma_wait3A_1158, %dma_wait3A_1159] : memref<100000x128xf32, #tpu.memory_space<hbm>> -> memref<100000x128xf32, #tpu.memory_space<hbm>>
      %dma_wait3A_1161 = tpu.memref_slice %arg7[%dma_wait3A_1150] : memref<8x!tpu.dma_semaphore, #tpu.memory_space<semaphore_mem>> -> memref<1x!tpu.dma_semaphore, #tpu.memory_space<semaphore_mem>>
      %dma_wait3A_1162 = tpu.memref_squeeze %dma_wait3A_1161 : memref<1x!tpu.dma_semaphore, #tpu.memory_space<semaphore_mem>> -> memref<!tpu.dma_semaphore, #tpu.memory_space<semaphore_mem>>
      tpu.wait_indirect_dma semaphore(%dma_wait3A_1162 : memref<!tpu.dma_semaphore, #tpu.memory_space<semaphore_mem>>) src(%dma_wait3A_1160 : memref<100000x128xf32, #tpu.memory_space<hbm>>) dst(%dma_wait3A_1154 : memref<100x128xf32, #tpu.memory_space<vmem>>)
      %mul3A_1163 = arith.constant 64 : i32
      %mul3A_1164 = arith.muli %add3A, %mul3A_1163 : i32
      %mul3A_1165 = arith.constant 2 : i32
      %mul3A_1166 = arith.muli %add3A_1148, %mul3A_1165 : i32
      %add3A_1167 = arith.addi %mul3A_1164, %mul3A_1166 : i32
      %add3A_1168 = arith.constant 0 : i32
      %add3A_1169 = arith.addi %add3A_1167, %add3A_1168 : i32
      %dma_start3A_1170 = arith.constant 1 : i32
      %dma_start3A_1171 = arith.constant 1 : i32
      %dma_start3A_1172 = arith.constant 0 : i32
      %dma_start3A_1173 = arith.constant 0 : i32
      %dma_start3A_1174 = tpu.memref_slice %arg6[%dma_start3A_1170, %dma_start3A_1172, %dma_start3A_1173] : memref<8x100x128xf32, #tpu.memory_space<vmem>> -> memref<1x50x128xf32, #tpu.memory_space<vmem>>
      %dma_start3A_1175 = tpu.memref_squeeze %dma_start3A_1174 : memref<1x50x128xf32, #tpu.memory_space<vmem>> -> memref<50x128xf32, #tpu.memory_space<vmem>>
      %dma_start3A_1176 = arith.constant 0 : i32
      %dma_start3A_1177 = arith.constant 0 : i32
      %dma_start3A_1178 = tpu.memref_slice %arg4[%add3A_1169, %dma_start3A_1176, %dma_start3A_1177] : memref<2048x50x128xf32, #tpu.memory_space<hbm>> -> memref<1x50x128xf32, #tpu.memory_space<hbm>>
      %dma_start3A_1179 = tpu.memref_squeeze %dma_start3A_1178 : memref<1x50x128xf32, #tpu.memory_space<hbm>> -> memref<50x128xf32, #tpu.memory_space<hbm>>
      %dma_start3A_1180 = tpu.memref_slice %arg8[%dma_start3A_1171] : memref<8x!tpu.dma_semaphore, #tpu.memory_space<semaphore_mem>> -> memref<1x!tpu.dma_semaphore, #tpu.memory_space<semaphore_mem>>
      %dma_start3A_1181 = tpu.memref_squeeze %dma_start3A_1180 : memref<1x!tpu.dma_semaphore, #tpu.memory_space<semaphore_mem>> -> memref<!tpu.dma_semaphore, #tpu.memory_space<semaphore_mem>>
      %dma_start3A_1182 = arith.constant 0 : i32
      %dma_start3A_1183 = arith.constant 0 : i32
      %dma_start3A_1184 = tpu.memref_slice %arg4[%add3A_1169, %dma_start3A_1182, %dma_start3A_1183] : memref<2048x50x128xf32, #tpu.memory_space<hbm>> -> memref<1x50x128xf32, #tpu.memory_space<hbm>>
      %dma_start3A_1185 = tpu.memref_squeeze %dma_start3A_1184 : memref<1x50x128xf32, #tpu.memory_space<hbm>> -> memref<50x128xf32, #tpu.memory_space<hbm>>
      %dma_start3A_1186 = arith.constant 0 : i32
      %dma_start3A_1187 = arith.constant 0 : i32
      %dma_start3A_1188 = tpu.memref_slice %arg6[%dma_start3A_1170, %dma_start3A_1186, %dma_start3A_1187] : memref<8x100x128xf32, #tpu.memory_space<vmem>> -> memref<1x50x128xf32, #tpu.memory_space<vmem>>
      %dma_start3A_1189 = tpu.memref_squeeze %dma_start3A_1188 : memref<1x50x128xf32, #tpu.memory_space<vmem>> -> memref<50x128xf32, #tpu.memory_space<vmem>>
      tpu.enqueue_dma source(%dma_start3A_1189 : memref<50x128xf32, #tpu.memory_space<vmem>>) target(%dma_start3A_1185 : memref<50x128xf32, #tpu.memory_space<hbm>>) target_semaphore(%dma_start3A_1181 : memref<!tpu.dma_semaphore, #tpu.memory_space<semaphore_mem>>)
      %add3A_1190 = arith.constant 1 : i32
      %add3A_1191 = arith.addi %add3A_1167, %add3A_1190 : i32
      %dma_start3A_1192 = arith.constant 1 : i32
      %dma_start3A_1193 = arith.constant 1 : i32
      %dma_start3A_1194 = arith.constant 50 : i32
      %dma_start3A_1195 = arith.constant 0 : i32
      %dma_start3A_1196 = tpu.memref_slice %arg6[%dma_start3A_1192, %dma_start3A_1194, %dma_start3A_1195] : memref<8x100x128xf32, #tpu.memory_space<vmem>> -> memref<1x50x128xf32, #tpu.memory_space<vmem>>
      %dma_start3A_1197 = tpu.memref_squeeze %dma_start3A_1196 : memref<1x50x128xf32, #tpu.memory_space<vmem>> -> memref<50x128xf32, #tpu.memory_space<vmem>>
      %dma_start3A_1198 = arith.constant 0 : i32
      %dma_start3A_1199 = arith.constant 0 : i32
      %dma_start3A_1200 = tpu.memref_slice %arg4[%add3A_1191, %dma_start3A_1198, %dma_start3A_1199] : memref<2048x50x128xf32, #tpu.memory_space<hbm>> -> memref<1x50x128xf32, #tpu.memory_space<hbm>>
      %dma_start3A_1201 = tpu.memref_squeeze %dma_start3A_1200 : memref<1x50x128xf32, #tpu.memory_space<hbm>> -> memref<50x128xf32, #tpu.memory_space<hbm>>
      %dma_start3A_1202 = tpu.memref_slice %arg8[%dma_start3A_1193] : memref<8x!tpu.dma_semaphore, #tpu.memory_space<semaphore_mem>> -> memref<1x!tpu.dma_semaphore, #tpu.memory_space<semaphore_mem>>
      %dma_start3A_1203 = tpu.memref_squeeze %dma_start3A_1202 : memref<1x!tpu.dma_semaphore, #tpu.memory_space<semaphore_mem>> -> memref<!tpu.dma_semaphore, #tpu.memory_space<semaphore_mem>>
      %dma_start3A_1204 = arith.constant 0 : i32
      %dma_start3A_1205 = arith.constant 0 : i32
      %dma_start3A_1206 = tpu.memref_slice %arg4[%add3A_1191, %dma_start3A_1204, %dma_start3A_1205] : memref<2048x50x128xf32, #tpu.memory_space<hbm>> -> memref<1x50x128xf32, #tpu.memory_space<hbm>>
      %dma_start3A_1207 = tpu.memref_squeeze %dma_start3A_1206 : memref<1x50x128xf32, #tpu.memory_space<hbm>> -> memref<50x128xf32, #tpu.memory_space<hbm>>
      %dma_start3A_1208 = arith.constant 50 : i32
      %dma_start3A_1209 = arith.constant 0 : i32
      %dma_start3A_1210 = tpu.memref_slice %arg6[%dma_start3A_1192, %dma_start3A_1208, %dma_start3A_1209] : memref<8x100x128xf32, #tpu.memory_space<vmem>> -> memref<1x50x128xf32, #tpu.memory_space<vmem>>
      %dma_start3A_1211 = tpu.memref_squeeze %dma_start3A_1210 : memref<1x50x128xf32, #tpu.memory_space<vmem>> -> memref<50x128xf32, #tpu.memory_space<vmem>>
      tpu.enqueue_dma source(%dma_start3A_1211 : memref<50x128xf32, #tpu.memory_space<vmem>>) target(%dma_start3A_1207 : memref<50x128xf32, #tpu.memory_space<hbm>>) target_semaphore(%dma_start3A_1203 : memref<!tpu.dma_semaphore, #tpu.memory_space<semaphore_mem>>)
      %mul3A_1212 = arith.constant 64 : i32
      %mul3A_1213 = arith.muli %add3A, %mul3A_1212 : i32
      %mul3A_1214 = arith.constant 2 : i32
      %mul3A_1215 = arith.muli %add3A_1148, %mul3A_1214 : i32
      %add3A_1216 = arith.addi %mul3A_1213, %mul3A_1215 : i32
      %add3A_1217 = arith.constant 0 : i32
      %add3A_1218 = arith.addi %add3A_1216, %add3A_1217 : i32
      %dma_wait3A_1219 = arith.constant 1 : i32
      %dma_wait3A_1220 = arith.constant 1 : i32
      %dma_wait3A_1221 = arith.constant 0 : i32
      %dma_wait3A_1222 = arith.constant 0 : i32
      %dma_wait3A_1223 = tpu.memref_slice %arg6[%dma_wait3A_1219, %dma_wait3A_1221, %dma_wait3A_1222] : memref<8x100x128xf32, #tpu.memory_space<vmem>> -> memref<1x50x128xf32, #tpu.memory_space<vmem>>
      %dma_wait3A_1224 = tpu.memref_squeeze %dma_wait3A_1223 : memref<1x50x128xf32, #tpu.memory_space<vmem>> -> memref<50x128xf32, #tpu.memory_space<vmem>>
      %dma_wait3A_1225 = arith.constant 0 : i32
      %dma_wait3A_1226 = arith.constant 0 : i32
      %dma_wait3A_1227 = tpu.memref_slice %arg4[%add3A_1218, %dma_wait3A_1225, %dma_wait3A_1226] : memref<2048x50x128xf32, #tpu.memory_space<hbm>> -> memref<1x50x128xf32, #tpu.memory_space<hbm>>
      %dma_wait3A_1228 = tpu.memref_squeeze %dma_wait3A_1227 : memref<1x50x128xf32, #tpu.memory_space<hbm>> -> memref<50x128xf32, #tpu.memory_space<hbm>>
      %dma_wait3A_1229 = tpu.memref_slice %arg8[%dma_wait3A_1220] : memref<8x!tpu.dma_semaphore, #tpu.memory_space<semaphore_mem>> -> memref<1x!tpu.dma_semaphore, #tpu.memory_space<semaphore_mem>>
      %dma_wait3A_1230 = tpu.memref_squeeze %dma_wait3A_1229 : memref<1x!tpu.dma_semaphore, #tpu.memory_space<semaphore_mem>> -> memref<!tpu.dma_semaphore, #tpu.memory_space<semaphore_mem>>
      %dma_wait3A_1231 = arith.constant 0 : i32
      %dma_wait3A_1232 = arith.constant 0 : i32
      %dma_wait3A_1233 = tpu.memref_slice %arg4[%add3A_1218, %dma_wait3A_1231, %dma_wait3A_1232] : memref<2048x50x128xf32, #tpu.memory_space<hbm>> -> memref<1x50x128xf32, #tpu.memory_space<hbm>>
      %dma_wait3A_1234 = tpu.memref_squeeze %dma_wait3A_1233 : memref<1x50x128xf32, #tpu.memory_space<hbm>> -> memref<50x128xf32, #tpu.memory_space<hbm>>
      %dma_wait3A_1235 = arith.constant 0 : i32
      %dma_wait3A_1236 = arith.constant 0 : i32
      %dma_wait3A_1237 = tpu.memref_slice %arg6[%dma_wait3A_1219, %dma_wait3A_1235, %dma_wait3A_1236] : memref<8x100x128xf32, #tpu.memory_space<vmem>> -> memref<1x50x128xf32, #tpu.memory_space<vmem>>
      %dma_wait3A_1238 = tpu.memref_squeeze %dma_wait3A_1237 : memref<1x50x128xf32, #tpu.memory_space<vmem>> -> memref<50x128xf32, #tpu.memory_space<vmem>>
      tpu.wait_dma2 semaphore(%dma_wait3A_1230 : memref<!tpu.dma_semaphore, #tpu.memory_space<semaphore_mem>>) src(%dma_wait3A_1238 : memref<50x128xf32, #tpu.memory_space<vmem>>) dst(%dma_wait3A_1234 : memref<50x128xf32, #tpu.memory_space<hbm>>)
      %add3A_1239 = arith.constant 1 : i32
      %add3A_1240 = arith.addi %add3A_1216, %add3A_1239 : i32
      %dma_wait3A_1241 = arith.constant 1 : i32
      %dma_wait3A_1242 = arith.constant 1 : i32
      %dma_wait3A_1243 = arith.constant 50 : i32
      %dma_wait3A_1244 = arith.constant 0 : i32
      %dma_wait3A_1245 = tpu.memref_slice %arg6[%dma_wait3A_1241, %dma_wait3A_1243, %dma_wait3A_1244] : memref<8x100x128xf32, #tpu.memory_space<vmem>> -> memref<1x50x128xf32, #tpu.memory_space<vmem>>
      %dma_wait3A_1246 = tpu.memref_squeeze %dma_wait3A_1245 : memref<1x50x128xf32, #tpu.memory_space<vmem>> -> memref<50x128xf32, #tpu.memory_space<vmem>>
      %dma_wait3A_1247 = arith.constant 0 : i32
      %dma_wait3A_1248 = arith.constant 0 : i32
      %dma_wait3A_1249 = tpu.memref_slice %arg4[%add3A_1240, %dma_wait3A_1247, %dma_wait3A_1248] : memref<2048x50x128xf32, #tpu.memory_space<hbm>> -> memref<1x50x128xf32, #tpu.memory_space<hbm>>
      %dma_wait3A_1250 = tpu.memref_squeeze %dma_wait3A_1249 : memref<1x50x128xf32, #tpu.memory_space<hbm>> -> memref<50x128xf32, #tpu.memory_space<hbm>>
      %dma_wait3A_1251 = tpu.memref_slice %arg8[%dma_wait3A_1242] : memref<8x!tpu.dma_semaphore, #tpu.memory_space<semaphore_mem>> -> memref<1x!tpu.dma_semaphore, #tpu.memory_space<semaphore_mem>>
      %dma_wait3A_1252 = tpu.memref_squeeze %dma_wait3A_1251 : memref<1x!tpu.dma_semaphore, #tpu.memory_space<semaphore_mem>> -> memref<!tpu.dma_semaphore, #tpu.memory_space<semaphore_mem>>
      %dma_wait3A_1253 = arith.constant 0 : i32
      %dma_wait3A_1254 = arith.constant 0 : i32
      %dma_wait3A_1255 = tpu.memref_slice %arg4[%add3A_1240, %dma_wait3A_1253, %dma_wait3A_1254] : memref<2048x50x128xf32, #tpu.memory_space<hbm>> -> memref<1x50x128xf32, #tpu.memory_space<hbm>>
      %dma_wait3A_1256 = tpu.memref_squeeze %dma_wait3A_1255 : memref<1x50x128xf32, #tpu.memory_space<hbm>> -> memref<50x128xf32, #tpu.memory_space<hbm>>
      %dma_wait3A_1257 = arith.constant 50 : i32
      %dma_wait3A_1258 = arith.constant 0 : i32
      %dma_wait3A_1259 = tpu.memref_slice %arg6[%dma_wait3A_1241, %dma_wait3A_1257, %dma_wait3A_1258] : memref<8x100x128xf32, #tpu.memory_space<vmem>> -> memref<1x50x128xf32, #tpu.memory_space<vmem>>
      %dma_wait3A_1260 = tpu.memref_squeeze %dma_wait3A_1259 : memref<1x50x128xf32, #tpu.memory_space<vmem>> -> memref<50x128xf32, #tpu.memory_space<vmem>>
      tpu.wait_dma2 semaphore(%dma_wait3A_1252 : memref<!tpu.dma_semaphore, #tpu.memory_space<semaphore_mem>>) src(%dma_wait3A_1260 : memref<50x128xf32, #tpu.memory_space<vmem>>) dst(%dma_wait3A_1256 : memref<50x128xf32, #tpu.memory_space<hbm>>)
      %add3A_1261 = arith.constant 8 : i32
      %add3A_1262 = arith.addi %add3A_1148, %add3A_1261 : i32
      %dma_start3A_1263 = arith.constant 1 : i32
      %dma_start3A_1264 = arith.constant 1 : i32
      %dma_start3A_1265 = arith.constant 0 : i32
      %dma_start3A_1266 = arith.constant 0 : i32
      %dma_start3A_1267 = tpu.memref_slice %arg6[%dma_start3A_1263, %dma_start3A_1265, %dma_start3A_1266] : memref<8x100x128xf32, #tpu.memory_space<vmem>> -> memref<1x100x128xf32, #tpu.memory_space<vmem>>
      %dma_start3A_1268 = tpu.memref_squeeze %dma_start3A_1267 : memref<1x100x128xf32, #tpu.memory_space<vmem>> -> memref<100x128xf32, #tpu.memory_space<vmem>>
      %dma_start3A_1269 = arith.constant 0 : i32
      %dma_start3A_1270 = tpu.memref_slice %arg5[%add3A_1262, %dma_start3A_1269] : memref<32x104xi32, #tpu.memory_space<vmem>> -> memref<1x100xi32, #tpu.memory_space<vmem>>
      %dma_start3A_1271 = tpu.memref_squeeze %dma_start3A_1270 : memref<1x100xi32, #tpu.memory_space<vmem>> -> memref<100xi32, #tpu.memory_space<vmem>>
      %dma_start3A_1272 = arith.constant 0 : i32
      %dma_start3A_1273 = arith.constant 0 : i32
      %dma_start3A_1274 = tpu.memref_slice %arg2[%dma_start3A_1272, %dma_start3A_1273] : memref<100000x128xf32, #tpu.memory_space<hbm>> -> memref<100000x128xf32, #tpu.memory_space<hbm>>
      %dma_start3A_1275 = tpu.memref_slice %arg7[%dma_start3A_1264] : memref<8x!tpu.dma_semaphore, #tpu.memory_space<semaphore_mem>> -> memref<1x!tpu.dma_semaphore, #tpu.memory_space<semaphore_mem>>
      %dma_start3A_1276 = tpu.memref_squeeze %dma_start3A_1275 : memref<1x!tpu.dma_semaphore, #tpu.memory_space<semaphore_mem>> -> memref<!tpu.dma_semaphore, #tpu.memory_space<semaphore_mem>>
      tpu.enqueue_indirect_dma source(%dma_start3A_1274 : memref<100000x128xf32, #tpu.memory_space<hbm>>) target(%dma_start3A_1268 : memref<100x128xf32, #tpu.memory_space<vmem>>) offsets(%dma_start3A_1271 : memref<100xi32, #tpu.memory_space<vmem>>) semaphore(%dma_start3A_1276 : memref<!tpu.dma_semaphore, #tpu.memory_space<semaphore_mem>>)
      %mul3A_1277 = arith.constant 8 : i32
      %mul3A_1278 = arith.muli %scan3A_1012, %mul3A_1277 : i32
      %add3A_1279 = arith.constant 2 : i32
      %add3A_1280 = arith.addi %mul3A_1278, %add3A_1279 : i32
      %dma_wait3A_1281 = arith.constant 2 : i32
      %dma_wait3A_1282 = arith.constant 2 : i32
      %dma_wait3A_1283 = arith.constant 0 : i32
      %dma_wait3A_1284 = arith.constant 0 : i32
      %dma_wait3A_1285 = tpu.memref_slice %arg6[%dma_wait3A_1281, %dma_wait3A_1283, %dma_wait3A_1284] : memref<8x100x128xf32, #tpu.memory_space<vmem>> -> memref<1x100x128xf32, #tpu.memory_space<vmem>>
      %dma_wait3A_1286 = tpu.memref_squeeze %dma_wait3A_1285 : memref<1x100x128xf32, #tpu.memory_space<vmem>> -> memref<100x128xf32, #tpu.memory_space<vmem>>
      %dma_wait3A_1287 = arith.constant 0 : i32
      %dma_wait3A_1288 = tpu.memref_slice %arg5[%add3A_1280, %dma_wait3A_1287] : memref<32x104xi32, #tpu.memory_space<vmem>> -> memref<1x100xi32, #tpu.memory_space<vmem>>
      %dma_wait3A_1289 = tpu.memref_squeeze %dma_wait3A_1288 : memref<1x100xi32, #tpu.memory_space<vmem>> -> memref<100xi32, #tpu.memory_space<vmem>>
      %dma_wait3A_1290 = arith.constant 0 : i32
      %dma_wait3A_1291 = arith.constant 0 : i32
      %dma_wait3A_1292 = tpu.memref_slice %arg2[%dma_wait3A_1290, %dma_wait3A_1291] : memref<100000x128xf32, #tpu.memory_space<hbm>> -> memref<100000x128xf32, #tpu.memory_space<hbm>>
      %dma_wait3A_1293 = tpu.memref_slice %arg7[%dma_wait3A_1282] : memref<8x!tpu.dma_semaphore, #tpu.memory_space<semaphore_mem>> -> memref<1x!tpu.dma_semaphore, #tpu.memory_space<semaphore_mem>>
      %dma_wait3A_1294 = tpu.memref_squeeze %dma_wait3A_1293 : memref<1x!tpu.dma_semaphore, #tpu.memory_space<semaphore_mem>> -> memref<!tpu.dma_semaphore, #tpu.memory_space<semaphore_mem>>
      tpu.wait_indirect_dma semaphore(%dma_wait3A_1294 : memref<!tpu.dma_semaphore, #tpu.memory_space<semaphore_mem>>) src(%dma_wait3A_1292 : memref<100000x128xf32, #tpu.memory_space<hbm>>) dst(%dma_wait3A_1286 : memref<100x128xf32, #tpu.memory_space<vmem>>)
      %mul3A_1295 = arith.constant 64 : i32
      %mul3A_1296 = arith.muli %add3A, %mul3A_1295 : i32
      %mul3A_1297 = arith.constant 2 : i32
      %mul3A_1298 = arith.muli %add3A_1280, %mul3A_1297 : i32
      %add3A_1299 = arith.addi %mul3A_1296, %mul3A_1298 : i32
      %add3A_1300 = arith.constant 0 : i32
      %add3A_1301 = arith.addi %add3A_1299, %add3A_1300 : i32
      %dma_start3A_1302 = arith.constant 2 : i32
      %dma_start3A_1303 = arith.constant 2 : i32
      %dma_start3A_1304 = arith.constant 0 : i32
      %dma_start3A_1305 = arith.constant 0 : i32
      %dma_start3A_1306 = tpu.memref_slice %arg6[%dma_start3A_1302, %dma_start3A_1304, %dma_start3A_1305] : memref<8x100x128xf32, #tpu.memory_space<vmem>> -> memref<1x50x128xf32, #tpu.memory_space<vmem>>
      %dma_start3A_1307 = tpu.memref_squeeze %dma_start3A_1306 : memref<1x50x128xf32, #tpu.memory_space<vmem>> -> memref<50x128xf32, #tpu.memory_space<vmem>>
      %dma_start3A_1308 = arith.constant 0 : i32
      %dma_start3A_1309 = arith.constant 0 : i32
      %dma_start3A_1310 = tpu.memref_slice %arg4[%add3A_1301, %dma_start3A_1308, %dma_start3A_1309] : memref<2048x50x128xf32, #tpu.memory_space<hbm>> -> memref<1x50x128xf32, #tpu.memory_space<hbm>>
      %dma_start3A_1311 = tpu.memref_squeeze %dma_start3A_1310 : memref<1x50x128xf32, #tpu.memory_space<hbm>> -> memref<50x128xf32, #tpu.memory_space<hbm>>
      %dma_start3A_1312 = tpu.memref_slice %arg8[%dma_start3A_1303] : memref<8x!tpu.dma_semaphore, #tpu.memory_space<semaphore_mem>> -> memref<1x!tpu.dma_semaphore, #tpu.memory_space<semaphore_mem>>
      %dma_start3A_1313 = tpu.memref_squeeze %dma_start3A_1312 : memref<1x!tpu.dma_semaphore, #tpu.memory_space<semaphore_mem>> -> memref<!tpu.dma_semaphore, #tpu.memory_space<semaphore_mem>>
      %dma_start3A_1314 = arith.constant 0 : i32
      %dma_start3A_1315 = arith.constant 0 : i32
      %dma_start3A_1316 = tpu.memref_slice %arg4[%add3A_1301, %dma_start3A_1314, %dma_start3A_1315] : memref<2048x50x128xf32, #tpu.memory_space<hbm>> -> memref<1x50x128xf32, #tpu.memory_space<hbm>>
      %dma_start3A_1317 = tpu.memref_squeeze %dma_start3A_1316 : memref<1x50x128xf32, #tpu.memory_space<hbm>> -> memref<50x128xf32, #tpu.memory_space<hbm>>
      %dma_start3A_1318 = arith.constant 0 : i32
      %dma_start3A_1319 = arith.constant 0 : i32
      %dma_start3A_1320 = tpu.memref_slice %arg6[%dma_start3A_1302, %dma_start3A_1318, %dma_start3A_1319] : memref<8x100x128xf32, #tpu.memory_space<vmem>> -> memref<1x50x128xf32, #tpu.memory_space<vmem>>
      %dma_start3A_1321 = tpu.memref_squeeze %dma_start3A_1320 : memref<1x50x128xf32, #tpu.memory_space<vmem>> -> memref<50x128xf32, #tpu.memory_space<vmem>>
      tpu.enqueue_dma source(%dma_start3A_1321 : memref<50x128xf32, #tpu.memory_space<vmem>>) target(%dma_start3A_1317 : memref<50x128xf32, #tpu.memory_space<hbm>>) target_semaphore(%dma_start3A_1313 : memref<!tpu.dma_semaphore, #tpu.memory_space<semaphore_mem>>)
      %add3A_1322 = arith.constant 1 : i32
      %add3A_1323 = arith.addi %add3A_1299, %add3A_1322 : i32
      %dma_start3A_1324 = arith.constant 2 : i32
      %dma_start3A_1325 = arith.constant 2 : i32
      %dma_start3A_1326 = arith.constant 50 : i32
      %dma_start3A_1327 = arith.constant 0 : i32
      %dma_start3A_1328 = tpu.memref_slice %arg6[%dma_start3A_1324, %dma_start3A_1326, %dma_start3A_1327] : memref<8x100x128xf32, #tpu.memory_space<vmem>> -> memref<1x50x128xf32, #tpu.memory_space<vmem>>
      %dma_start3A_1329 = tpu.memref_squeeze %dma_start3A_1328 : memref<1x50x128xf32, #tpu.memory_space<vmem>> -> memref<50x128xf32, #tpu.memory_space<vmem>>
      %dma_start3A_1330 = arith.constant 0 : i32
      %dma_start3A_1331 = arith.constant 0 : i32
      %dma_start3A_1332 = tpu.memref_slice %arg4[%add3A_1323, %dma_start3A_1330, %dma_start3A_1331] : memref<2048x50x128xf32, #tpu.memory_space<hbm>> -> memref<1x50x128xf32, #tpu.memory_space<hbm>>
      %dma_start3A_1333 = tpu.memref_squeeze %dma_start3A_1332 : memref<1x50x128xf32, #tpu.memory_space<hbm>> -> memref<50x128xf32, #tpu.memory_space<hbm>>
      %dma_start3A_1334 = tpu.memref_slice %arg8[%dma_start3A_1325] : memref<8x!tpu.dma_semaphore, #tpu.memory_space<semaphore_mem>> -> memref<1x!tpu.dma_semaphore, #tpu.memory_space<semaphore_mem>>
      %dma_start3A_1335 = tpu.memref_squeeze %dma_start3A_1334 : memref<1x!tpu.dma_semaphore, #tpu.memory_space<semaphore_mem>> -> memref<!tpu.dma_semaphore, #tpu.memory_space<semaphore_mem>>
      %dma_start3A_1336 = arith.constant 0 : i32
      %dma_start3A_1337 = arith.constant 0 : i32
      %dma_start3A_1338 = tpu.memref_slice %arg4[%add3A_1323, %dma_start3A_1336, %dma_start3A_1337] : memref<2048x50x128xf32, #tpu.memory_space<hbm>> -> memref<1x50x128xf32, #tpu.memory_space<hbm>>
      %dma_start3A_1339 = tpu.memref_squeeze %dma_start3A_1338 : memref<1x50x128xf32, #tpu.memory_space<hbm>> -> memref<50x128xf32, #tpu.memory_space<hbm>>
      %dma_start3A_1340 = arith.constant 50 : i32
      %dma_start3A_1341 = arith.constant 0 : i32
      %dma_start3A_1342 = tpu.memref_slice %arg6[%dma_start3A_1324, %dma_start3A_1340, %dma_start3A_1341] : memref<8x100x128xf32, #tpu.memory_space<vmem>> -> memref<1x50x128xf32, #tpu.memory_space<vmem>>
      %dma_start3A_1343 = tpu.memref_squeeze %dma_start3A_1342 : memref<1x50x128xf32, #tpu.memory_space<vmem>> -> memref<50x128xf32, #tpu.memory_space<vmem>>
      tpu.enqueue_dma source(%dma_start3A_1343 : memref<50x128xf32, #tpu.memory_space<vmem>>) target(%dma_start3A_1339 : memref<50x128xf32, #tpu.memory_space<hbm>>) target_semaphore(%dma_start3A_1335 : memref<!tpu.dma_semaphore, #tpu.memory_space<semaphore_mem>>)
      %mul3A_1344 = arith.constant 64 : i32
      %mul3A_1345 = arith.muli %add3A, %mul3A_1344 : i32
      %mul3A_1346 = arith.constant 2 : i32
      %mul3A_1347 = arith.muli %add3A_1280, %mul3A_1346 : i32
      %add3A_1348 = arith.addi %mul3A_1345, %mul3A_1347 : i32
      %add3A_1349 = arith.constant 0 : i32
      %add3A_1350 = arith.addi %add3A_1348, %add3A_1349 : i32
      %dma_wait3A_1351 = arith.constant 2 : i32
      %dma_wait3A_1352 = arith.constant 2 : i32
      %dma_wait3A_1353 = arith.constant 0 : i32
      %dma_wait3A_1354 = arith.constant 0 : i32
      %dma_wait3A_1355 = tpu.memref_slice %arg6[%dma_wait3A_1351, %dma_wait3A_1353, %dma_wait3A_1354] : memref<8x100x128xf32, #tpu.memory_space<vmem>> -> memref<1x50x128xf32, #tpu.memory_space<vmem>>
      %dma_wait3A_1356 = tpu.memref_squeeze %dma_wait3A_1355 : memref<1x50x128xf32, #tpu.memory_space<vmem>> -> memref<50x128xf32, #tpu.memory_space<vmem>>
      %dma_wait3A_1357 = arith.constant 0 : i32
      %dma_wait3A_1358 = arith.constant 0 : i32
      %dma_wait3A_1359 = tpu.memref_slice %arg4[%add3A_1350, %dma_wait3A_1357, %dma_wait3A_1358] : memref<2048x50x128xf32, #tpu.memory_space<hbm>> -> memref<1x50x128xf32, #tpu.memory_space<hbm>>
      %dma_wait3A_1360 = tpu.memref_squeeze %dma_wait3A_1359 : memref<1x50x128xf32, #tpu.memory_space<hbm>> -> memref<50x128xf32, #tpu.memory_space<hbm>>
      %dma_wait3A_1361 = tpu.memref_slice %arg8[%dma_wait3A_1352] : memref<8x!tpu.dma_semaphore, #tpu.memory_space<semaphore_mem>> -> memref<1x!tpu.dma_semaphore, #tpu.memory_space<semaphore_mem>>
      %dma_wait3A_1362 = tpu.memref_squeeze %dma_wait3A_1361 : memref<1x!tpu.dma_semaphore, #tpu.memory_space<semaphore_mem>> -> memref<!tpu.dma_semaphore, #tpu.memory_space<semaphore_mem>>
      %dma_wait3A_1363 = arith.constant 0 : i32
      %dma_wait3A_1364 = arith.constant 0 : i32
      %dma_wait3A_1365 = tpu.memref_slice %arg4[%add3A_1350, %dma_wait3A_1363, %dma_wait3A_1364] : memref<2048x50x128xf32, #tpu.memory_space<hbm>> -> memref<1x50x128xf32, #tpu.memory_space<hbm>>
      %dma_wait3A_1366 = tpu.memref_squeeze %dma_wait3A_1365 : memref<1x50x128xf32, #tpu.memory_space<hbm>> -> memref<50x128xf32, #tpu.memory_space<hbm>>
      %dma_wait3A_1367 = arith.constant 0 : i32
      %dma_wait3A_1368 = arith.constant 0 : i32
      %dma_wait3A_1369 = tpu.memref_slice %arg6[%dma_wait3A_1351, %dma_wait3A_1367, %dma_wait3A_1368] : memref<8x100x128xf32, #tpu.memory_space<vmem>> -> memref<1x50x128xf32, #tpu.memory_space<vmem>>
      %dma_wait3A_1370 = tpu.memref_squeeze %dma_wait3A_1369 : memref<1x50x128xf32, #tpu.memory_space<vmem>> -> memref<50x128xf32, #tpu.memory_space<vmem>>
      tpu.wait_dma2 semaphore(%dma_wait3A_1362 : memref<!tpu.dma_semaphore, #tpu.memory_space<semaphore_mem>>) src(%dma_wait3A_1370 : memref<50x128xf32, #tpu.memory_space<vmem>>) dst(%dma_wait3A_1366 : memref<50x128xf32, #tpu.memory_space<hbm>>)
      %add3A_1371 = arith.constant 1 : i32
      %add3A_1372 = arith.addi %add3A_1348, %add3A_1371 : i32
      %dma_wait3A_1373 = arith.constant 2 : i32
      %dma_wait3A_1374 = arith.constant 2 : i32
      %dma_wait3A_1375 = arith.constant 50 : i32
      %dma_wait3A_1376 = arith.constant 0 : i32
      %dma_wait3A_1377 = tpu.memref_slice %arg6[%dma_wait3A_1373, %dma_wait3A_1375, %dma_wait3A_1376] : memref<8x100x128xf32, #tpu.memory_space<vmem>> -> memref<1x50x128xf32, #tpu.memory_space<vmem>>
      %dma_wait3A_1378 = tpu.memref_squeeze %dma_wait3A_1377 : memref<1x50x128xf32, #tpu.memory_space<vmem>> -> memref<50x128xf32, #tpu.memory_space<vmem>>
      %dma_wait3A_1379 = arith.constant 0 : i32
      %dma_wait3A_1380 = arith.constant 0 : i32
      %dma_wait3A_1381 = tpu.memref_slice %arg4[%add3A_1372, %dma_wait3A_1379, %dma_wait3A_1380] : memref<2048x50x128xf32, #tpu.memory_space<hbm>> -> memref<1x50x128xf32, #tpu.memory_space<hbm>>
      %dma_wait3A_1382 = tpu.memref_squeeze %dma_wait3A_1381 : memref<1x50x128xf32, #tpu.memory_space<hbm>> -> memref<50x128xf32, #tpu.memory_space<hbm>>
      %dma_wait3A_1383 = tpu.memref_slice %arg8[%dma_wait3A_1374] : memref<8x!tpu.dma_semaphore, #tpu.memory_space<semaphore_mem>> -> memref<1x!tpu.dma_semaphore, #tpu.memory_space<semaphore_mem>>
      %dma_wait3A_1384 = tpu.memref_squeeze %dma_wait3A_1383 : memref<1x!tpu.dma_semaphore, #tpu.memory_space<semaphore_mem>> -> memref<!tpu.dma_semaphore, #tpu.memory_space<semaphore_mem>>
      %dma_wait3A_1385 = arith.constant 0 : i32
      %dma_wait3A_1386 = arith.constant 0 : i32
      %dma_wait3A_1387 = tpu.memref_slice %arg4[%add3A_1372, %dma_wait3A_1385, %dma_wait3A_1386] : memref<2048x50x128xf32, #tpu.memory_space<hbm>> -> memref<1x50x128xf32, #tpu.memory_space<hbm>>
      %dma_wait3A_1388 = tpu.memref_squeeze %dma_wait3A_1387 : memref<1x50x128xf32, #tpu.memory_space<hbm>> -> memref<50x128xf32, #tpu.memory_space<hbm>>
      %dma_wait3A_1389 = arith.constant 50 : i32
      %dma_wait3A_1390 = arith.constant 0 : i32
      %dma_wait3A_1391 = tpu.memref_slice %arg6[%dma_wait3A_1373, %dma_wait3A_1389, %dma_wait3A_1390] : memref<8x100x128xf32, #tpu.memory_space<vmem>> -> memref<1x50x128xf32, #tpu.memory_space<vmem>>
      %dma_wait3A_1392 = tpu.memref_squeeze %dma_wait3A_1391 : memref<1x50x128xf32, #tpu.memory_space<vmem>> -> memref<50x128xf32, #tpu.memory_space<vmem>>
      tpu.wait_dma2 semaphore(%dma_wait3A_1384 : memref<!tpu.dma_semaphore, #tpu.memory_space<semaphore_mem>>) src(%dma_wait3A_1392 : memref<50x128xf32, #tpu.memory_space<vmem>>) dst(%dma_wait3A_1388 : memref<50x128xf32, #tpu.memory_space<hbm>>)
      %add3A_1393 = arith.constant 8 : i32
      %add3A_1394 = arith.addi %add3A_1280, %add3A_1393 : i32
      %dma_start3A_1395 = arith.constant 2 : i32
      %dma_start3A_1396 = arith.constant 2 : i32
      %dma_start3A_1397 = arith.constant 0 : i32
      %dma_start3A_1398 = arith.constant 0 : i32
      %dma_start3A_1399 = tpu.memref_slice %arg6[%dma_start3A_1395, %dma_start3A_1397, %dma_start3A_1398] : memref<8x100x128xf32, #tpu.memory_space<vmem>> -> memref<1x100x128xf32, #tpu.memory_space<vmem>>
      %dma_start3A_1400 = tpu.memref_squeeze %dma_start3A_1399 : memref<1x100x128xf32, #tpu.memory_space<vmem>> -> memref<100x128xf32, #tpu.memory_space<vmem>>
      %dma_start3A_1401 = arith.constant 0 : i32
      %dma_start3A_1402 = tpu.memref_slice %arg5[%add3A_1394, %dma_start3A_1401] : memref<32x104xi32, #tpu.memory_space<vmem>> -> memref<1x100xi32, #tpu.memory_space<vmem>>
      %dma_start3A_1403 = tpu.memref_squeeze %dma_start3A_1402 : memref<1x100xi32, #tpu.memory_space<vmem>> -> memref<100xi32, #tpu.memory_space<vmem>>
      %dma_start3A_1404 = arith.constant 0 : i32
      %dma_start3A_1405 = arith.constant 0 : i32
      %dma_start3A_1406 = tpu.memref_slice %arg2[%dma_start3A_1404, %dma_start3A_1405] : memref<100000x128xf32, #tpu.memory_space<hbm>> -> memref<100000x128xf32, #tpu.memory_space<hbm>>
      %dma_start3A_1407 = tpu.memref_slice %arg7[%dma_start3A_1396] : memref<8x!tpu.dma_semaphore, #tpu.memory_space<semaphore_mem>> -> memref<1x!tpu.dma_semaphore, #tpu.memory_space<semaphore_mem>>
      %dma_start3A_1408 = tpu.memref_squeeze %dma_start3A_1407 : memref<1x!tpu.dma_semaphore, #tpu.memory_space<semaphore_mem>> -> memref<!tpu.dma_semaphore, #tpu.memory_space<semaphore_mem>>
      tpu.enqueue_indirect_dma source(%dma_start3A_1406 : memref<100000x128xf32, #tpu.memory_space<hbm>>) target(%dma_start3A_1400 : memref<100x128xf32, #tpu.memory_space<vmem>>) offsets(%dma_start3A_1403 : memref<100xi32, #tpu.memory_space<vmem>>) semaphore(%dma_start3A_1408 : memref<!tpu.dma_semaphore, #tpu.memory_space<semaphore_mem>>)
      %mul3A_1409 = arith.constant 8 : i32
      %mul3A_1410 = arith.muli %scan3A_1012, %mul3A_1409 : i32
      %add3A_1411 = arith.constant 3 : i32
      %add3A_1412 = arith.addi %mul3A_1410, %add3A_1411 : i32
      %dma_wait3A_1413 = arith.constant 3 : i32
      %dma_wait3A_1414 = arith.constant 3 : i32
      %dma_wait3A_1415 = arith.constant 0 : i32
      %dma_wait3A_1416 = arith.constant 0 : i32
      %dma_wait3A_1417 = tpu.memref_slice %arg6[%dma_wait3A_1413, %dma_wait3A_1415, %dma_wait3A_1416] : memref<8x100x128xf32, #tpu.memory_space<vmem>> -> memref<1x100x128xf32, #tpu.memory_space<vmem>>
      %dma_wait3A_1418 = tpu.memref_squeeze %dma_wait3A_1417 : memref<1x100x128xf32, #tpu.memory_space<vmem>> -> memref<100x128xf32, #tpu.memory_space<vmem>>
      %dma_wait3A_1419 = arith.constant 0 : i32
      %dma_wait3A_1420 = tpu.memref_slice %arg5[%add3A_1412, %dma_wait3A_1419] : memref<32x104xi32, #tpu.memory_space<vmem>> -> memref<1x100xi32, #tpu.memory_space<vmem>>
      %dma_wait3A_1421 = tpu.memref_squeeze %dma_wait3A_1420 : memref<1x100xi32, #tpu.memory_space<vmem>> -> memref<100xi32, #tpu.memory_space<vmem>>
      %dma_wait3A_1422 = arith.constant 0 : i32
      %dma_wait3A_1423 = arith.constant 0 : i32
      %dma_wait3A_1424 = tpu.memref_slice %arg2[%dma_wait3A_1422, %dma_wait3A_1423] : memref<100000x128xf32, #tpu.memory_space<hbm>> -> memref<100000x128xf32, #tpu.memory_space<hbm>>
      %dma_wait3A_1425 = tpu.memref_slice %arg7[%dma_wait3A_1414] : memref<8x!tpu.dma_semaphore, #tpu.memory_space<semaphore_mem>> -> memref<1x!tpu.dma_semaphore, #tpu.memory_space<semaphore_mem>>
      %dma_wait3A_1426 = tpu.memref_squeeze %dma_wait3A_1425 : memref<1x!tpu.dma_semaphore, #tpu.memory_space<semaphore_mem>> -> memref<!tpu.dma_semaphore, #tpu.memory_space<semaphore_mem>>
      tpu.wait_indirect_dma semaphore(%dma_wait3A_1426 : memref<!tpu.dma_semaphore, #tpu.memory_space<semaphore_mem>>) src(%dma_wait3A_1424 : memref<100000x128xf32, #tpu.memory_space<hbm>>) dst(%dma_wait3A_1418 : memref<100x128xf32, #tpu.memory_space<vmem>>)
      %mul3A_1427 = arith.constant 64 : i32
      %mul3A_1428 = arith.muli %add3A, %mul3A_1427 : i32
      %mul3A_1429 = arith.constant 2 : i32
      %mul3A_1430 = arith.muli %add3A_1412, %mul3A_1429 : i32
      %add3A_1431 = arith.addi %mul3A_1428, %mul3A_1430 : i32
      %add3A_1432 = arith.constant 0 : i32
      %add3A_1433 = arith.addi %add3A_1431, %add3A_1432 : i32
      %dma_start3A_1434 = arith.constant 3 : i32
      %dma_start3A_1435 = arith.constant 3 : i32
      %dma_start3A_1436 = arith.constant 0 : i32
      %dma_start3A_1437 = arith.constant 0 : i32
      %dma_start3A_1438 = tpu.memref_slice %arg6[%dma_start3A_1434, %dma_start3A_1436, %dma_start3A_1437] : memref<8x100x128xf32, #tpu.memory_space<vmem>> -> memref<1x50x128xf32, #tpu.memory_space<vmem>>
      %dma_start3A_1439 = tpu.memref_squeeze %dma_start3A_1438 : memref<1x50x128xf32, #tpu.memory_space<vmem>> -> memref<50x128xf32, #tpu.memory_space<vmem>>
      %dma_start3A_1440 = arith.constant 0 : i32
      %dma_start3A_1441 = arith.constant 0 : i32
      %dma_start3A_1442 = tpu.memref_slice %arg4[%add3A_1433, %dma_start3A_1440, %dma_start3A_1441] : memref<2048x50x128xf32, #tpu.memory_space<hbm>> -> memref<1x50x128xf32, #tpu.memory_space<hbm>>
      %dma_start3A_1443 = tpu.memref_squeeze %dma_start3A_1442 : memref<1x50x128xf32, #tpu.memory_space<hbm>> -> memref<50x128xf32, #tpu.memory_space<hbm>>
      %dma_start3A_1444 = tpu.memref_slice %arg8[%dma_start3A_1435] : memref<8x!tpu.dma_semaphore, #tpu.memory_space<semaphore_mem>> -> memref<1x!tpu.dma_semaphore, #tpu.memory_space<semaphore_mem>>
      %dma_start3A_1445 = tpu.memref_squeeze %dma_start3A_1444 : memref<1x!tpu.dma_semaphore, #tpu.memory_space<semaphore_mem>> -> memref<!tpu.dma_semaphore, #tpu.memory_space<semaphore_mem>>
      %dma_start3A_1446 = arith.constant 0 : i32
      %dma_start3A_1447 = arith.constant 0 : i32
      %dma_start3A_1448 = tpu.memref_slice %arg4[%add3A_1433, %dma_start3A_1446, %dma_start3A_1447] : memref<2048x50x128xf32, #tpu.memory_space<hbm>> -> memref<1x50x128xf32, #tpu.memory_space<hbm>>
      %dma_start3A_1449 = tpu.memref_squeeze %dma_start3A_1448 : memref<1x50x128xf32, #tpu.memory_space<hbm>> -> memref<50x128xf32, #tpu.memory_space<hbm>>
      %dma_start3A_1450 = arith.constant 0 : i32
      %dma_start3A_1451 = arith.constant 0 : i32
      %dma_start3A_1452 = tpu.memref_slice %arg6[%dma_start3A_1434, %dma_start3A_1450, %dma_start3A_1451] : memref<8x100x128xf32, #tpu.memory_space<vmem>> -> memref<1x50x128xf32, #tpu.memory_space<vmem>>
      %dma_start3A_1453 = tpu.memref_squeeze %dma_start3A_1452 : memref<1x50x128xf32, #tpu.memory_space<vmem>> -> memref<50x128xf32, #tpu.memory_space<vmem>>
      tpu.enqueue_dma source(%dma_start3A_1453 : memref<50x128xf32, #tpu.memory_space<vmem>>) target(%dma_start3A_1449 : memref<50x128xf32, #tpu.memory_space<hbm>>) target_semaphore(%dma_start3A_1445 : memref<!tpu.dma_semaphore, #tpu.memory_space<semaphore_mem>>)
      %add3A_1454 = arith.constant 1 : i32
      %add3A_1455 = arith.addi %add3A_1431, %add3A_1454 : i32
      %dma_start3A_1456 = arith.constant 3 : i32
      %dma_start3A_1457 = arith.constant 3 : i32
      %dma_start3A_1458 = arith.constant 50 : i32
      %dma_start3A_1459 = arith.constant 0 : i32
      %dma_start3A_1460 = tpu.memref_slice %arg6[%dma_start3A_1456, %dma_start3A_1458, %dma_start3A_1459] : memref<8x100x128xf32, #tpu.memory_space<vmem>> -> memref<1x50x128xf32, #tpu.memory_space<vmem>>
      %dma_start3A_1461 = tpu.memref_squeeze %dma_start3A_1460 : memref<1x50x128xf32, #tpu.memory_space<vmem>> -> memref<50x128xf32, #tpu.memory_space<vmem>>
      %dma_start3A_1462 = arith.constant 0 : i32
      %dma_start3A_1463 = arith.constant 0 : i32
      %dma_start3A_1464 = tpu.memref_slice %arg4[%add3A_1455, %dma_start3A_1462, %dma_start3A_1463] : memref<2048x50x128xf32, #tpu.memory_space<hbm>> -> memref<1x50x128xf32, #tpu.memory_space<hbm>>
      %dma_start3A_1465 = tpu.memref_squeeze %dma_start3A_1464 : memref<1x50x128xf32, #tpu.memory_space<hbm>> -> memref<50x128xf32, #tpu.memory_space<hbm>>
      %dma_start3A_1466 = tpu.memref_slice %arg8[%dma_start3A_1457] : memref<8x!tpu.dma_semaphore, #tpu.memory_space<semaphore_mem>> -> memref<1x!tpu.dma_semaphore, #tpu.memory_space<semaphore_mem>>
      %dma_start3A_1467 = tpu.memref_squeeze %dma_start3A_1466 : memref<1x!tpu.dma_semaphore, #tpu.memory_space<semaphore_mem>> -> memref<!tpu.dma_semaphore, #tpu.memory_space<semaphore_mem>>
      %dma_start3A_1468 = arith.constant 0 : i32
      %dma_start3A_1469 = arith.constant 0 : i32
      %dma_start3A_1470 = tpu.memref_slice %arg4[%add3A_1455, %dma_start3A_1468, %dma_start3A_1469] : memref<2048x50x128xf32, #tpu.memory_space<hbm>> -> memref<1x50x128xf32, #tpu.memory_space<hbm>>
      %dma_start3A_1471 = tpu.memref_squeeze %dma_start3A_1470 : memref<1x50x128xf32, #tpu.memory_space<hbm>> -> memref<50x128xf32, #tpu.memory_space<hbm>>
      %dma_start3A_1472 = arith.constant 50 : i32
      %dma_start3A_1473 = arith.constant 0 : i32
      %dma_start3A_1474 = tpu.memref_slice %arg6[%dma_start3A_1456, %dma_start3A_1472, %dma_start3A_1473] : memref<8x100x128xf32, #tpu.memory_space<vmem>> -> memref<1x50x128xf32, #tpu.memory_space<vmem>>
      %dma_start3A_1475 = tpu.memref_squeeze %dma_start3A_1474 : memref<1x50x128xf32, #tpu.memory_space<vmem>> -> memref<50x128xf32, #tpu.memory_space<vmem>>
      tpu.enqueue_dma source(%dma_start3A_1475 : memref<50x128xf32, #tpu.memory_space<vmem>>) target(%dma_start3A_1471 : memref<50x128xf32, #tpu.memory_space<hbm>>) target_semaphore(%dma_start3A_1467 : memref<!tpu.dma_semaphore, #tpu.memory_space<semaphore_mem>>)
      %mul3A_1476 = arith.constant 64 : i32
      %mul3A_1477 = arith.muli %add3A, %mul3A_1476 : i32
      %mul3A_1478 = arith.constant 2 : i32
      %mul3A_1479 = arith.muli %add3A_1412, %mul3A_1478 : i32
      %add3A_1480 = arith.addi %mul3A_1477, %mul3A_1479 : i32
      %add3A_1481 = arith.constant 0 : i32
      %add3A_1482 = arith.addi %add3A_1480, %add3A_1481 : i32
      %dma_wait3A_1483 = arith.constant 3 : i32
      %dma_wait3A_1484 = arith.constant 3 : i32
      %dma_wait3A_1485 = arith.constant 0 : i32
      %dma_wait3A_1486 = arith.constant 0 : i32
      %dma_wait3A_1487 = tpu.memref_slice %arg6[%dma_wait3A_1483, %dma_wait3A_1485, %dma_wait3A_1486] : memref<8x100x128xf32, #tpu.memory_space<vmem>> -> memref<1x50x128xf32, #tpu.memory_space<vmem>>
      %dma_wait3A_1488 = tpu.memref_squeeze %dma_wait3A_1487 : memref<1x50x128xf32, #tpu.memory_space<vmem>> -> memref<50x128xf32, #tpu.memory_space<vmem>>
      %dma_wait3A_1489 = arith.constant 0 : i32
      %dma_wait3A_1490 = arith.constant 0 : i32
      %dma_wait3A_1491 = tpu.memref_slice %arg4[%add3A_1482, %dma_wait3A_1489, %dma_wait3A_1490] : memref<2048x50x128xf32, #tpu.memory_space<hbm>> -> memref<1x50x128xf32, #tpu.memory_space<hbm>>
      %dma_wait3A_1492 = tpu.memref_squeeze %dma_wait3A_1491 : memref<1x50x128xf32, #tpu.memory_space<hbm>> -> memref<50x128xf32, #tpu.memory_space<hbm>>
      %dma_wait3A_1493 = tpu.memref_slice %arg8[%dma_wait3A_1484] : memref<8x!tpu.dma_semaphore, #tpu.memory_space<semaphore_mem>> -> memref<1x!tpu.dma_semaphore, #tpu.memory_space<semaphore_mem>>
      %dma_wait3A_1494 = tpu.memref_squeeze %dma_wait3A_1493 : memref<1x!tpu.dma_semaphore, #tpu.memory_space<semaphore_mem>> -> memref<!tpu.dma_semaphore, #tpu.memory_space<semaphore_mem>>
      %dma_wait3A_1495 = arith.constant 0 : i32
      %dma_wait3A_1496 = arith.constant 0 : i32
      %dma_wait3A_1497 = tpu.memref_slice %arg4[%add3A_1482, %dma_wait3A_1495, %dma_wait3A_1496] : memref<2048x50x128xf32, #tpu.memory_space<hbm>> -> memref<1x50x128xf32, #tpu.memory_space<hbm>>
      %dma_wait3A_1498 = tpu.memref_squeeze %dma_wait3A_1497 : memref<1x50x128xf32, #tpu.memory_space<hbm>> -> memref<50x128xf32, #tpu.memory_space<hbm>>
      %dma_wait3A_1499 = arith.constant 0 : i32
      %dma_wait3A_1500 = arith.constant 0 : i32
      %dma_wait3A_1501 = tpu.memref_slice %arg6[%dma_wait3A_1483, %dma_wait3A_1499, %dma_wait3A_1500] : memref<8x100x128xf32, #tpu.memory_space<vmem>> -> memref<1x50x128xf32, #tpu.memory_space<vmem>>
      %dma_wait3A_1502 = tpu.memref_squeeze %dma_wait3A_1501 : memref<1x50x128xf32, #tpu.memory_space<vmem>> -> memref<50x128xf32, #tpu.memory_space<vmem>>
      tpu.wait_dma2 semaphore(%dma_wait3A_1494 : memref<!tpu.dma_semaphore, #tpu.memory_space<semaphore_mem>>) src(%dma_wait3A_1502 : memref<50x128xf32, #tpu.memory_space<vmem>>) dst(%dma_wait3A_1498 : memref<50x128xf32, #tpu.memory_space<hbm>>)
      %add3A_1503 = arith.constant 1 : i32
      %add3A_1504 = arith.addi %add3A_1480, %add3A_1503 : i32
      %dma_wait3A_1505 = arith.constant 3 : i32
      %dma_wait3A_1506 = arith.constant 3 : i32
      %dma_wait3A_1507 = arith.constant 50 : i32
      %dma_wait3A_1508 = arith.constant 0 : i32
      %dma_wait3A_1509 = tpu.memref_slice %arg6[%dma_wait3A_1505, %dma_wait3A_1507, %dma_wait3A_1508] : memref<8x100x128xf32, #tpu.memory_space<vmem>> -> memref<1x50x128xf32, #tpu.memory_space<vmem>>
      %dma_wait3A_1510 = tpu.memref_squeeze %dma_wait3A_1509 : memref<1x50x128xf32, #tpu.memory_space<vmem>> -> memref<50x128xf32, #tpu.memory_space<vmem>>
      %dma_wait3A_1511 = arith.constant 0 : i32
      %dma_wait3A_1512 = arith.constant 0 : i32
      %dma_wait3A_1513 = tpu.memref_slice %arg4[%add3A_1504, %dma_wait3A_1511, %dma_wait3A_1512] : memref<2048x50x128xf32, #tpu.memory_space<hbm>> -> memref<1x50x128xf32, #tpu.memory_space<hbm>>
      %dma_wait3A_1514 = tpu.memref_squeeze %dma_wait3A_1513 : memref<1x50x128xf32, #tpu.memory_space<hbm>> -> memref<50x128xf32, #tpu.memory_space<hbm>>
      %dma_wait3A_1515 = tpu.memref_slice %arg8[%dma_wait3A_1506] : memref<8x!tpu.dma_semaphore, #tpu.memory_space<semaphore_mem>> -> memref<1x!tpu.dma_semaphore, #tpu.memory_space<semaphore_mem>>
      %dma_wait3A_1516 = tpu.memref_squeeze %dma_wait3A_1515 : memref<1x!tpu.dma_semaphore, #tpu.memory_space<semaphore_mem>> -> memref<!tpu.dma_semaphore, #tpu.memory_space<semaphore_mem>>
      %dma_wait3A_1517 = arith.constant 0 : i32
      %dma_wait3A_1518 = arith.constant 0 : i32
      %dma_wait3A_1519 = tpu.memref_slice %arg4[%add3A_1504, %dma_wait3A_1517, %dma_wait3A_1518] : memref<2048x50x128xf32, #tpu.memory_space<hbm>> -> memref<1x50x128xf32, #tpu.memory_space<hbm>>
      %dma_wait3A_1520 = tpu.memref_squeeze %dma_wait3A_1519 : memref<1x50x128xf32, #tpu.memory_space<hbm>> -> memref<50x128xf32, #tpu.memory_space<hbm>>
      %dma_wait3A_1521 = arith.constant 50 : i32
      %dma_wait3A_1522 = arith.constant 0 : i32
      %dma_wait3A_1523 = tpu.memref_slice %arg6[%dma_wait3A_1505, %dma_wait3A_1521, %dma_wait3A_1522] : memref<8x100x128xf32, #tpu.memory_space<vmem>> -> memref<1x50x128xf32, #tpu.memory_space<vmem>>
      %dma_wait3A_1524 = tpu.memref_squeeze %dma_wait3A_1523 : memref<1x50x128xf32, #tpu.memory_space<vmem>> -> memref<50x128xf32, #tpu.memory_space<vmem>>
      tpu.wait_dma2 semaphore(%dma_wait3A_1516 : memref<!tpu.dma_semaphore, #tpu.memory_space<semaphore_mem>>) src(%dma_wait3A_1524 : memref<50x128xf32, #tpu.memory_space<vmem>>) dst(%dma_wait3A_1520 : memref<50x128xf32, #tpu.memory_space<hbm>>)
      %add3A_1525 = arith.constant 8 : i32
      %add3A_1526 = arith.addi %add3A_1412, %add3A_1525 : i32
      %dma_start3A_1527 = arith.constant 3 : i32
      %dma_start3A_1528 = arith.constant 3 : i32
      %dma_start3A_1529 = arith.constant 0 : i32
      %dma_start3A_1530 = arith.constant 0 : i32
      %dma_start3A_1531 = tpu.memref_slice %arg6[%dma_start3A_1527, %dma_start3A_1529, %dma_start3A_1530] : memref<8x100x128xf32, #tpu.memory_space<vmem>> -> memref<1x100x128xf32, #tpu.memory_space<vmem>>
      %dma_start3A_1532 = tpu.memref_squeeze %dma_start3A_1531 : memref<1x100x128xf32, #tpu.memory_space<vmem>> -> memref<100x128xf32, #tpu.memory_space<vmem>>
      %dma_start3A_1533 = arith.constant 0 : i32
      %dma_start3A_1534 = tpu.memref_slice %arg5[%add3A_1526, %dma_start3A_1533] : memref<32x104xi32, #tpu.memory_space<vmem>> -> memref<1x100xi32, #tpu.memory_space<vmem>>
      %dma_start3A_1535 = tpu.memref_squeeze %dma_start3A_1534 : memref<1x100xi32, #tpu.memory_space<vmem>> -> memref<100xi32, #tpu.memory_space<vmem>>
      %dma_start3A_1536 = arith.constant 0 : i32
      %dma_start3A_1537 = arith.constant 0 : i32
      %dma_start3A_1538 = tpu.memref_slice %arg2[%dma_start3A_1536, %dma_start3A_1537] : memref<100000x128xf32, #tpu.memory_space<hbm>> -> memref<100000x128xf32, #tpu.memory_space<hbm>>
      %dma_start3A_1539 = tpu.memref_slice %arg7[%dma_start3A_1528] : memref<8x!tpu.dma_semaphore, #tpu.memory_space<semaphore_mem>> -> memref<1x!tpu.dma_semaphore, #tpu.memory_space<semaphore_mem>>
      %dma_start3A_1540 = tpu.memref_squeeze %dma_start3A_1539 : memref<1x!tpu.dma_semaphore, #tpu.memory_space<semaphore_mem>> -> memref<!tpu.dma_semaphore, #tpu.memory_space<semaphore_mem>>
      tpu.enqueue_indirect_dma source(%dma_start3A_1538 : memref<100000x128xf32, #tpu.memory_space<hbm>>) target(%dma_start3A_1532 : memref<100x128xf32, #tpu.memory_space<vmem>>) offsets(%dma_start3A_1535 : memref<100xi32, #tpu.memory_space<vmem>>) semaphore(%dma_start3A_1540 : memref<!tpu.dma_semaphore, #tpu.memory_space<semaphore_mem>>)
      %mul3A_1541 = arith.constant 8 : i32
      %mul3A_1542 = arith.muli %scan3A_1012, %mul3A_1541 : i32
      %add3A_1543 = arith.constant 4 : i32
      %add3A_1544 = arith.addi %mul3A_1542, %add3A_1543 : i32
      %dma_wait3A_1545 = arith.constant 4 : i32
      %dma_wait3A_1546 = arith.constant 4 : i32
      %dma_wait3A_1547 = arith.constant 0 : i32
      %dma_wait3A_1548 = arith.constant 0 : i32
      %dma_wait3A_1549 = tpu.memref_slice %arg6[%dma_wait3A_1545, %dma_wait3A_1547, %dma_wait3A_1548] : memref<8x100x128xf32, #tpu.memory_space<vmem>> -> memref<1x100x128xf32, #tpu.memory_space<vmem>>
      %dma_wait3A_1550 = tpu.memref_squeeze %dma_wait3A_1549 : memref<1x100x128xf32, #tpu.memory_space<vmem>> -> memref<100x128xf32, #tpu.memory_space<vmem>>
      %dma_wait3A_1551 = arith.constant 0 : i32
      %dma_wait3A_1552 = tpu.memref_slice %arg5[%add3A_1544, %dma_wait3A_1551] : memref<32x104xi32, #tpu.memory_space<vmem>> -> memref<1x100xi32, #tpu.memory_space<vmem>>
      %dma_wait3A_1553 = tpu.memref_squeeze %dma_wait3A_1552 : memref<1x100xi32, #tpu.memory_space<vmem>> -> memref<100xi32, #tpu.memory_space<vmem>>
      %dma_wait3A_1554 = arith.constant 0 : i32
      %dma_wait3A_1555 = arith.constant 0 : i32
      %dma_wait3A_1556 = tpu.memref_slice %arg2[%dma_wait3A_1554, %dma_wait3A_1555] : memref<100000x128xf32, #tpu.memory_space<hbm>> -> memref<100000x128xf32, #tpu.memory_space<hbm>>
      %dma_wait3A_1557 = tpu.memref_slice %arg7[%dma_wait3A_1546] : memref<8x!tpu.dma_semaphore, #tpu.memory_space<semaphore_mem>> -> memref<1x!tpu.dma_semaphore, #tpu.memory_space<semaphore_mem>>
      %dma_wait3A_1558 = tpu.memref_squeeze %dma_wait3A_1557 : memref<1x!tpu.dma_semaphore, #tpu.memory_space<semaphore_mem>> -> memref<!tpu.dma_semaphore, #tpu.memory_space<semaphore_mem>>
      tpu.wait_indirect_dma semaphore(%dma_wait3A_1558 : memref<!tpu.dma_semaphore, #tpu.memory_space<semaphore_mem>>) src(%dma_wait3A_1556 : memref<100000x128xf32, #tpu.memory_space<hbm>>) dst(%dma_wait3A_1550 : memref<100x128xf32, #tpu.memory_space<vmem>>)
      %mul3A_1559 = arith.constant 64 : i32
      %mul3A_1560 = arith.muli %add3A, %mul3A_1559 : i32
      %mul3A_1561 = arith.constant 2 : i32
      %mul3A_1562 = arith.muli %add3A_1544, %mul3A_1561 : i32
      %add3A_1563 = arith.addi %mul3A_1560, %mul3A_1562 : i32
      %add3A_1564 = arith.constant 0 : i32
      %add3A_1565 = arith.addi %add3A_1563, %add3A_1564 : i32
      %dma_start3A_1566 = arith.constant 4 : i32
      %dma_start3A_1567 = arith.constant 4 : i32
      %dma_start3A_1568 = arith.constant 0 : i32
      %dma_start3A_1569 = arith.constant 0 : i32
      %dma_start3A_1570 = tpu.memref_slice %arg6[%dma_start3A_1566, %dma_start3A_1568, %dma_start3A_1569] : memref<8x100x128xf32, #tpu.memory_space<vmem>> -> memref<1x50x128xf32, #tpu.memory_space<vmem>>
      %dma_start3A_1571 = tpu.memref_squeeze %dma_start3A_1570 : memref<1x50x128xf32, #tpu.memory_space<vmem>> -> memref<50x128xf32, #tpu.memory_space<vmem>>
      %dma_start3A_1572 = arith.constant 0 : i32
      %dma_start3A_1573 = arith.constant 0 : i32
      %dma_start3A_1574 = tpu.memref_slice %arg4[%add3A_1565, %dma_start3A_1572, %dma_start3A_1573] : memref<2048x50x128xf32, #tpu.memory_space<hbm>> -> memref<1x50x128xf32, #tpu.memory_space<hbm>>
      %dma_start3A_1575 = tpu.memref_squeeze %dma_start3A_1574 : memref<1x50x128xf32, #tpu.memory_space<hbm>> -> memref<50x128xf32, #tpu.memory_space<hbm>>
      %dma_start3A_1576 = tpu.memref_slice %arg8[%dma_start3A_1567] : memref<8x!tpu.dma_semaphore, #tpu.memory_space<semaphore_mem>> -> memref<1x!tpu.dma_semaphore, #tpu.memory_space<semaphore_mem>>
      %dma_start3A_1577 = tpu.memref_squeeze %dma_start3A_1576 : memref<1x!tpu.dma_semaphore, #tpu.memory_space<semaphore_mem>> -> memref<!tpu.dma_semaphore, #tpu.memory_space<semaphore_mem>>
      %dma_start3A_1578 = arith.constant 0 : i32
      %dma_start3A_1579 = arith.constant 0 : i32
      %dma_start3A_1580 = tpu.memref_slice %arg4[%add3A_1565, %dma_start3A_1578, %dma_start3A_1579] : memref<2048x50x128xf32, #tpu.memory_space<hbm>> -> memref<1x50x128xf32, #tpu.memory_space<hbm>>
      %dma_start3A_1581 = tpu.memref_squeeze %dma_start3A_1580 : memref<1x50x128xf32, #tpu.memory_space<hbm>> -> memref<50x128xf32, #tpu.memory_space<hbm>>
      %dma_start3A_1582 = arith.constant 0 : i32
      %dma_start3A_1583 = arith.constant 0 : i32
      %dma_start3A_1584 = tpu.memref_slice %arg6[%dma_start3A_1566, %dma_start3A_1582, %dma_start3A_1583] : memref<8x100x128xf32, #tpu.memory_space<vmem>> -> memref<1x50x128xf32, #tpu.memory_space<vmem>>
      %dma_start3A_1585 = tpu.memref_squeeze %dma_start3A_1584 : memref<1x50x128xf32, #tpu.memory_space<vmem>> -> memref<50x128xf32, #tpu.memory_space<vmem>>
      tpu.enqueue_dma source(%dma_start3A_1585 : memref<50x128xf32, #tpu.memory_space<vmem>>) target(%dma_start3A_1581 : memref<50x128xf32, #tpu.memory_space<hbm>>) target_semaphore(%dma_start3A_1577 : memref<!tpu.dma_semaphore, #tpu.memory_space<semaphore_mem>>)
      %add3A_1586 = arith.constant 1 : i32
      %add3A_1587 = arith.addi %add3A_1563, %add3A_1586 : i32
      %dma_start3A_1588 = arith.constant 4 : i32
      %dma_start3A_1589 = arith.constant 4 : i32
      %dma_start3A_1590 = arith.constant 50 : i32
      %dma_start3A_1591 = arith.constant 0 : i32
      %dma_start3A_1592 = tpu.memref_slice %arg6[%dma_start3A_1588, %dma_start3A_1590, %dma_start3A_1591] : memref<8x100x128xf32, #tpu.memory_space<vmem>> -> memref<1x50x128xf32, #tpu.memory_space<vmem>>
      %dma_start3A_1593 = tpu.memref_squeeze %dma_start3A_1592 : memref<1x50x128xf32, #tpu.memory_space<vmem>> -> memref<50x128xf32, #tpu.memory_space<vmem>>
      %dma_start3A_1594 = arith.constant 0 : i32
      %dma_start3A_1595 = arith.constant 0 : i32
      %dma_start3A_1596 = tpu.memref_slice %arg4[%add3A_1587, %dma_start3A_1594, %dma_start3A_1595] : memref<2048x50x128xf32, #tpu.memory_space<hbm>> -> memref<1x50x128xf32, #tpu.memory_space<hbm>>
      %dma_start3A_1597 = tpu.memref_squeeze %dma_start3A_1596 : memref<1x50x128xf32, #tpu.memory_space<hbm>> -> memref<50x128xf32, #tpu.memory_space<hbm>>
      %dma_start3A_1598 = tpu.memref_slice %arg8[%dma_start3A_1589] : memref<8x!tpu.dma_semaphore, #tpu.memory_space<semaphore_mem>> -> memref<1x!tpu.dma_semaphore, #tpu.memory_space<semaphore_mem>>
      %dma_start3A_1599 = tpu.memref_squeeze %dma_start3A_1598 : memref<1x!tpu.dma_semaphore, #tpu.memory_space<semaphore_mem>> -> memref<!tpu.dma_semaphore, #tpu.memory_space<semaphore_mem>>
      %dma_start3A_1600 = arith.constant 0 : i32
      %dma_start3A_1601 = arith.constant 0 : i32
      %dma_start3A_1602 = tpu.memref_slice %arg4[%add3A_1587, %dma_start3A_1600, %dma_start3A_1601] : memref<2048x50x128xf32, #tpu.memory_space<hbm>> -> memref<1x50x128xf32, #tpu.memory_space<hbm>>
      %dma_start3A_1603 = tpu.memref_squeeze %dma_start3A_1602 : memref<1x50x128xf32, #tpu.memory_space<hbm>> -> memref<50x128xf32, #tpu.memory_space<hbm>>
      %dma_start3A_1604 = arith.constant 50 : i32
      %dma_start3A_1605 = arith.constant 0 : i32
      %dma_start3A_1606 = tpu.memref_slice %arg6[%dma_start3A_1588, %dma_start3A_1604, %dma_start3A_1605] : memref<8x100x128xf32, #tpu.memory_space<vmem>> -> memref<1x50x128xf32, #tpu.memory_space<vmem>>
      %dma_start3A_1607 = tpu.memref_squeeze %dma_start3A_1606 : memref<1x50x128xf32, #tpu.memory_space<vmem>> -> memref<50x128xf32, #tpu.memory_space<vmem>>
      tpu.enqueue_dma source(%dma_start3A_1607 : memref<50x128xf32, #tpu.memory_space<vmem>>) target(%dma_start3A_1603 : memref<50x128xf32, #tpu.memory_space<hbm>>) target_semaphore(%dma_start3A_1599 : memref<!tpu.dma_semaphore, #tpu.memory_space<semaphore_mem>>)
      %mul3A_1608 = arith.constant 64 : i32
      %mul3A_1609 = arith.muli %add3A, %mul3A_1608 : i32
      %mul3A_1610 = arith.constant 2 : i32
      %mul3A_1611 = arith.muli %add3A_1544, %mul3A_1610 : i32
      %add3A_1612 = arith.addi %mul3A_1609, %mul3A_1611 : i32
      %add3A_1613 = arith.constant 0 : i32
      %add3A_1614 = arith.addi %add3A_1612, %add3A_1613 : i32
      %dma_wait3A_1615 = arith.constant 4 : i32
      %dma_wait3A_1616 = arith.constant 4 : i32
      %dma_wait3A_1617 = arith.constant 0 : i32
      %dma_wait3A_1618 = arith.constant 0 : i32
      %dma_wait3A_1619 = tpu.memref_slice %arg6[%dma_wait3A_1615, %dma_wait3A_1617, %dma_wait3A_1618] : memref<8x100x128xf32, #tpu.memory_space<vmem>> -> memref<1x50x128xf32, #tpu.memory_space<vmem>>
      %dma_wait3A_1620 = tpu.memref_squeeze %dma_wait3A_1619 : memref<1x50x128xf32, #tpu.memory_space<vmem>> -> memref<50x128xf32, #tpu.memory_space<vmem>>
      %dma_wait3A_1621 = arith.constant 0 : i32
      %dma_wait3A_1622 = arith.constant 0 : i32
      %dma_wait3A_1623 = tpu.memref_slice %arg4[%add3A_1614, %dma_wait3A_1621, %dma_wait3A_1622] : memref<2048x50x128xf32, #tpu.memory_space<hbm>> -> memref<1x50x128xf32, #tpu.memory_space<hbm>>
      %dma_wait3A_1624 = tpu.memref_squeeze %dma_wait3A_1623 : memref<1x50x128xf32, #tpu.memory_space<hbm>> -> memref<50x128xf32, #tpu.memory_space<hbm>>
      %dma_wait3A_1625 = tpu.memref_slice %arg8[%dma_wait3A_1616] : memref<8x!tpu.dma_semaphore, #tpu.memory_space<semaphore_mem>> -> memref<1x!tpu.dma_semaphore, #tpu.memory_space<semaphore_mem>>
      %dma_wait3A_1626 = tpu.memref_squeeze %dma_wait3A_1625 : memref<1x!tpu.dma_semaphore, #tpu.memory_space<semaphore_mem>> -> memref<!tpu.dma_semaphore, #tpu.memory_space<semaphore_mem>>
      %dma_wait3A_1627 = arith.constant 0 : i32
      %dma_wait3A_1628 = arith.constant 0 : i32
      %dma_wait3A_1629 = tpu.memref_slice %arg4[%add3A_1614, %dma_wait3A_1627, %dma_wait3A_1628] : memref<2048x50x128xf32, #tpu.memory_space<hbm>> -> memref<1x50x128xf32, #tpu.memory_space<hbm>>
      %dma_wait3A_1630 = tpu.memref_squeeze %dma_wait3A_1629 : memref<1x50x128xf32, #tpu.memory_space<hbm>> -> memref<50x128xf32, #tpu.memory_space<hbm>>
      %dma_wait3A_1631 = arith.constant 0 : i32
      %dma_wait3A_1632 = arith.constant 0 : i32
      %dma_wait3A_1633 = tpu.memref_slice %arg6[%dma_wait3A_1615, %dma_wait3A_1631, %dma_wait3A_1632] : memref<8x100x128xf32, #tpu.memory_space<vmem>> -> memref<1x50x128xf32, #tpu.memory_space<vmem>>
      %dma_wait3A_1634 = tpu.memref_squeeze %dma_wait3A_1633 : memref<1x50x128xf32, #tpu.memory_space<vmem>> -> memref<50x128xf32, #tpu.memory_space<vmem>>
      tpu.wait_dma2 semaphore(%dma_wait3A_1626 : memref<!tpu.dma_semaphore, #tpu.memory_space<semaphore_mem>>) src(%dma_wait3A_1634 : memref<50x128xf32, #tpu.memory_space<vmem>>) dst(%dma_wait3A_1630 : memref<50x128xf32, #tpu.memory_space<hbm>>)
      %add3A_1635 = arith.constant 1 : i32
      %add3A_1636 = arith.addi %add3A_1612, %add3A_1635 : i32
      %dma_wait3A_1637 = arith.constant 4 : i32
      %dma_wait3A_1638 = arith.constant 4 : i32
      %dma_wait3A_1639 = arith.constant 50 : i32
      %dma_wait3A_1640 = arith.constant 0 : i32
      %dma_wait3A_1641 = tpu.memref_slice %arg6[%dma_wait3A_1637, %dma_wait3A_1639, %dma_wait3A_1640] : memref<8x100x128xf32, #tpu.memory_space<vmem>> -> memref<1x50x128xf32, #tpu.memory_space<vmem>>
      %dma_wait3A_1642 = tpu.memref_squeeze %dma_wait3A_1641 : memref<1x50x128xf32, #tpu.memory_space<vmem>> -> memref<50x128xf32, #tpu.memory_space<vmem>>
      %dma_wait3A_1643 = arith.constant 0 : i32
      %dma_wait3A_1644 = arith.constant 0 : i32
      %dma_wait3A_1645 = tpu.memref_slice %arg4[%add3A_1636, %dma_wait3A_1643, %dma_wait3A_1644] : memref<2048x50x128xf32, #tpu.memory_space<hbm>> -> memref<1x50x128xf32, #tpu.memory_space<hbm>>
      %dma_wait3A_1646 = tpu.memref_squeeze %dma_wait3A_1645 : memref<1x50x128xf32, #tpu.memory_space<hbm>> -> memref<50x128xf32, #tpu.memory_space<hbm>>
      %dma_wait3A_1647 = tpu.memref_slice %arg8[%dma_wait3A_1638] : memref<8x!tpu.dma_semaphore, #tpu.memory_space<semaphore_mem>> -> memref<1x!tpu.dma_semaphore, #tpu.memory_space<semaphore_mem>>
      %dma_wait3A_1648 = tpu.memref_squeeze %dma_wait3A_1647 : memref<1x!tpu.dma_semaphore, #tpu.memory_space<semaphore_mem>> -> memref<!tpu.dma_semaphore, #tpu.memory_space<semaphore_mem>>
      %dma_wait3A_1649 = arith.constant 0 : i32
      %dma_wait3A_1650 = arith.constant 0 : i32
      %dma_wait3A_1651 = tpu.memref_slice %arg4[%add3A_1636, %dma_wait3A_1649, %dma_wait3A_1650] : memref<2048x50x128xf32, #tpu.memory_space<hbm>> -> memref<1x50x128xf32, #tpu.memory_space<hbm>>
      %dma_wait3A_1652 = tpu.memref_squeeze %dma_wait3A_1651 : memref<1x50x128xf32, #tpu.memory_space<hbm>> -> memref<50x128xf32, #tpu.memory_space<hbm>>
      %dma_wait3A_1653 = arith.constant 50 : i32
      %dma_wait3A_1654 = arith.constant 0 : i32
      %dma_wait3A_1655 = tpu.memref_slice %arg6[%dma_wait3A_1637, %dma_wait3A_1653, %dma_wait3A_1654] : memref<8x100x128xf32, #tpu.memory_space<vmem>> -> memref<1x50x128xf32, #tpu.memory_space<vmem>>
      %dma_wait3A_1656 = tpu.memref_squeeze %dma_wait3A_1655 : memref<1x50x128xf32, #tpu.memory_space<vmem>> -> memref<50x128xf32, #tpu.memory_space<vmem>>
      tpu.wait_dma2 semaphore(%dma_wait3A_1648 : memref<!tpu.dma_semaphore, #tpu.memory_space<semaphore_mem>>) src(%dma_wait3A_1656 : memref<50x128xf32, #tpu.memory_space<vmem>>) dst(%dma_wait3A_1652 : memref<50x128xf32, #tpu.memory_space<hbm>>)
      %add3A_1657 = arith.constant 8 : i32
      %add3A_1658 = arith.addi %add3A_1544, %add3A_1657 : i32
      %dma_start3A_1659 = arith.constant 4 : i32
      %dma_start3A_1660 = arith.constant 4 : i32
      %dma_start3A_1661 = arith.constant 0 : i32
      %dma_start3A_1662 = arith.constant 0 : i32
      %dma_start3A_1663 = tpu.memref_slice %arg6[%dma_start3A_1659, %dma_start3A_1661, %dma_start3A_1662] : memref<8x100x128xf32, #tpu.memory_space<vmem>> -> memref<1x100x128xf32, #tpu.memory_space<vmem>>
      %dma_start3A_1664 = tpu.memref_squeeze %dma_start3A_1663 : memref<1x100x128xf32, #tpu.memory_space<vmem>> -> memref<100x128xf32, #tpu.memory_space<vmem>>
      %dma_start3A_1665 = arith.constant 0 : i32
      %dma_start3A_1666 = tpu.memref_slice %arg5[%add3A_1658, %dma_start3A_1665] : memref<32x104xi32, #tpu.memory_space<vmem>> -> memref<1x100xi32, #tpu.memory_space<vmem>>
      %dma_start3A_1667 = tpu.memref_squeeze %dma_start3A_1666 : memref<1x100xi32, #tpu.memory_space<vmem>> -> memref<100xi32, #tpu.memory_space<vmem>>
      %dma_start3A_1668 = arith.constant 0 : i32
      %dma_start3A_1669 = arith.constant 0 : i32
      %dma_start3A_1670 = tpu.memref_slice %arg2[%dma_start3A_1668, %dma_start3A_1669] : memref<100000x128xf32, #tpu.memory_space<hbm>> -> memref<100000x128xf32, #tpu.memory_space<hbm>>
      %dma_start3A_1671 = tpu.memref_slice %arg7[%dma_start3A_1660] : memref<8x!tpu.dma_semaphore, #tpu.memory_space<semaphore_mem>> -> memref<1x!tpu.dma_semaphore, #tpu.memory_space<semaphore_mem>>
      %dma_start3A_1672 = tpu.memref_squeeze %dma_start3A_1671 : memref<1x!tpu.dma_semaphore, #tpu.memory_space<semaphore_mem>> -> memref<!tpu.dma_semaphore, #tpu.memory_space<semaphore_mem>>
      tpu.enqueue_indirect_dma source(%dma_start3A_1670 : memref<100000x128xf32, #tpu.memory_space<hbm>>) target(%dma_start3A_1664 : memref<100x128xf32, #tpu.memory_space<vmem>>) offsets(%dma_start3A_1667 : memref<100xi32, #tpu.memory_space<vmem>>) semaphore(%dma_start3A_1672 : memref<!tpu.dma_semaphore, #tpu.memory_space<semaphore_mem>>)
      %mul3A_1673 = arith.constant 8 : i32
      %mul3A_1674 = arith.muli %scan3A_1012, %mul3A_1673 : i32
      %add3A_1675 = arith.constant 5 : i32
      %add3A_1676 = arith.addi %mul3A_1674, %add3A_1675 : i32
      %dma_wait3A_1677 = arith.constant 5 : i32
      %dma_wait3A_1678 = arith.constant 5 : i32
      %dma_wait3A_1679 = arith.constant 0 : i32
      %dma_wait3A_1680 = arith.constant 0 : i32
      %dma_wait3A_1681 = tpu.memref_slice %arg6[%dma_wait3A_1677, %dma_wait3A_1679, %dma_wait3A_1680] : memref<8x100x128xf32, #tpu.memory_space<vmem>> -> memref<1x100x128xf32, #tpu.memory_space<vmem>>
      %dma_wait3A_1682 = tpu.memref_squeeze %dma_wait3A_1681 : memref<1x100x128xf32, #tpu.memory_space<vmem>> -> memref<100x128xf32, #tpu.memory_space<vmem>>
      %dma_wait3A_1683 = arith.constant 0 : i32
      %dma_wait3A_1684 = tpu.memref_slice %arg5[%add3A_1676, %dma_wait3A_1683] : memref<32x104xi32, #tpu.memory_space<vmem>> -> memref<1x100xi32, #tpu.memory_space<vmem>>
      %dma_wait3A_1685 = tpu.memref_squeeze %dma_wait3A_1684 : memref<1x100xi32, #tpu.memory_space<vmem>> -> memref<100xi32, #tpu.memory_space<vmem>>
      %dma_wait3A_1686 = arith.constant 0 : i32
      %dma_wait3A_1687 = arith.constant 0 : i32
      %dma_wait3A_1688 = tpu.memref_slice %arg2[%dma_wait3A_1686, %dma_wait3A_1687] : memref<100000x128xf32, #tpu.memory_space<hbm>> -> memref<100000x128xf32, #tpu.memory_space<hbm>>
      %dma_wait3A_1689 = tpu.memref_slice %arg7[%dma_wait3A_1678] : memref<8x!tpu.dma_semaphore, #tpu.memory_space<semaphore_mem>> -> memref<1x!tpu.dma_semaphore, #tpu.memory_space<semaphore_mem>>
      %dma_wait3A_1690 = tpu.memref_squeeze %dma_wait3A_1689 : memref<1x!tpu.dma_semaphore, #tpu.memory_space<semaphore_mem>> -> memref<!tpu.dma_semaphore, #tpu.memory_space<semaphore_mem>>
      tpu.wait_indirect_dma semaphore(%dma_wait3A_1690 : memref<!tpu.dma_semaphore, #tpu.memory_space<semaphore_mem>>) src(%dma_wait3A_1688 : memref<100000x128xf32, #tpu.memory_space<hbm>>) dst(%dma_wait3A_1682 : memref<100x128xf32, #tpu.memory_space<vmem>>)
      %mul3A_1691 = arith.constant 64 : i32
      %mul3A_1692 = arith.muli %add3A, %mul3A_1691 : i32
      %mul3A_1693 = arith.constant 2 : i32
      %mul3A_1694 = arith.muli %add3A_1676, %mul3A_1693 : i32
      %add3A_1695 = arith.addi %mul3A_1692, %mul3A_1694 : i32
      %add3A_1696 = arith.constant 0 : i32
      %add3A_1697 = arith.addi %add3A_1695, %add3A_1696 : i32
      %dma_start3A_1698 = arith.constant 5 : i32
      %dma_start3A_1699 = arith.constant 5 : i32
      %dma_start3A_1700 = arith.constant 0 : i32
      %dma_start3A_1701 = arith.constant 0 : i32
      %dma_start3A_1702 = tpu.memref_slice %arg6[%dma_start3A_1698, %dma_start3A_1700, %dma_start3A_1701] : memref<8x100x128xf32, #tpu.memory_space<vmem>> -> memref<1x50x128xf32, #tpu.memory_space<vmem>>
      %dma_start3A_1703 = tpu.memref_squeeze %dma_start3A_1702 : memref<1x50x128xf32, #tpu.memory_space<vmem>> -> memref<50x128xf32, #tpu.memory_space<vmem>>
      %dma_start3A_1704 = arith.constant 0 : i32
      %dma_start3A_1705 = arith.constant 0 : i32
      %dma_start3A_1706 = tpu.memref_slice %arg4[%add3A_1697, %dma_start3A_1704, %dma_start3A_1705] : memref<2048x50x128xf32, #tpu.memory_space<hbm>> -> memref<1x50x128xf32, #tpu.memory_space<hbm>>
      %dma_start3A_1707 = tpu.memref_squeeze %dma_start3A_1706 : memref<1x50x128xf32, #tpu.memory_space<hbm>> -> memref<50x128xf32, #tpu.memory_space<hbm>>
      %dma_start3A_1708 = tpu.memref_slice %arg8[%dma_start3A_1699] : memref<8x!tpu.dma_semaphore, #tpu.memory_space<semaphore_mem>> -> memref<1x!tpu.dma_semaphore, #tpu.memory_space<semaphore_mem>>
      %dma_start3A_1709 = tpu.memref_squeeze %dma_start3A_1708 : memref<1x!tpu.dma_semaphore, #tpu.memory_space<semaphore_mem>> -> memref<!tpu.dma_semaphore, #tpu.memory_space<semaphore_mem>>
      %dma_start3A_1710 = arith.constant 0 : i32
      %dma_start3A_1711 = arith.constant 0 : i32
      %dma_start3A_1712 = tpu.memref_slice %arg4[%add3A_1697, %dma_start3A_1710, %dma_start3A_1711] : memref<2048x50x128xf32, #tpu.memory_space<hbm>> -> memref<1x50x128xf32, #tpu.memory_space<hbm>>
      %dma_start3A_1713 = tpu.memref_squeeze %dma_start3A_1712 : memref<1x50x128xf32, #tpu.memory_space<hbm>> -> memref<50x128xf32, #tpu.memory_space<hbm>>
      %dma_start3A_1714 = arith.constant 0 : i32
      %dma_start3A_1715 = arith.constant 0 : i32
      %dma_start3A_1716 = tpu.memref_slice %arg6[%dma_start3A_1698, %dma_start3A_1714, %dma_start3A_1715] : memref<8x100x128xf32, #tpu.memory_space<vmem>> -> memref<1x50x128xf32, #tpu.memory_space<vmem>>
      %dma_start3A_1717 = tpu.memref_squeeze %dma_start3A_1716 : memref<1x50x128xf32, #tpu.memory_space<vmem>> -> memref<50x128xf32, #tpu.memory_space<vmem>>
      tpu.enqueue_dma source(%dma_start3A_1717 : memref<50x128xf32, #tpu.memory_space<vmem>>) target(%dma_start3A_1713 : memref<50x128xf32, #tpu.memory_space<hbm>>) target_semaphore(%dma_start3A_1709 : memref<!tpu.dma_semaphore, #tpu.memory_space<semaphore_mem>>)
      %add3A_1718 = arith.constant 1 : i32
      %add3A_1719 = arith.addi %add3A_1695, %add3A_1718 : i32
      %dma_start3A_1720 = arith.constant 5 : i32
      %dma_start3A_1721 = arith.constant 5 : i32
      %dma_start3A_1722 = arith.constant 50 : i32
      %dma_start3A_1723 = arith.constant 0 : i32
      %dma_start3A_1724 = tpu.memref_slice %arg6[%dma_start3A_1720, %dma_start3A_1722, %dma_start3A_1723] : memref<8x100x128xf32, #tpu.memory_space<vmem>> -> memref<1x50x128xf32, #tpu.memory_space<vmem>>
      %dma_start3A_1725 = tpu.memref_squeeze %dma_start3A_1724 : memref<1x50x128xf32, #tpu.memory_space<vmem>> -> memref<50x128xf32, #tpu.memory_space<vmem>>
      %dma_start3A_1726 = arith.constant 0 : i32
      %dma_start3A_1727 = arith.constant 0 : i32
      %dma_start3A_1728 = tpu.memref_slice %arg4[%add3A_1719, %dma_start3A_1726, %dma_start3A_1727] : memref<2048x50x128xf32, #tpu.memory_space<hbm>> -> memref<1x50x128xf32, #tpu.memory_space<hbm>>
      %dma_start3A_1729 = tpu.memref_squeeze %dma_start3A_1728 : memref<1x50x128xf32, #tpu.memory_space<hbm>> -> memref<50x128xf32, #tpu.memory_space<hbm>>
      %dma_start3A_1730 = tpu.memref_slice %arg8[%dma_start3A_1721] : memref<8x!tpu.dma_semaphore, #tpu.memory_space<semaphore_mem>> -> memref<1x!tpu.dma_semaphore, #tpu.memory_space<semaphore_mem>>
      %dma_start3A_1731 = tpu.memref_squeeze %dma_start3A_1730 : memref<1x!tpu.dma_semaphore, #tpu.memory_space<semaphore_mem>> -> memref<!tpu.dma_semaphore, #tpu.memory_space<semaphore_mem>>
      %dma_start3A_1732 = arith.constant 0 : i32
      %dma_start3A_1733 = arith.constant 0 : i32
      %dma_start3A_1734 = tpu.memref_slice %arg4[%add3A_1719, %dma_start3A_1732, %dma_start3A_1733] : memref<2048x50x128xf32, #tpu.memory_space<hbm>> -> memref<1x50x128xf32, #tpu.memory_space<hbm>>
      %dma_start3A_1735 = tpu.memref_squeeze %dma_start3A_1734 : memref<1x50x128xf32, #tpu.memory_space<hbm>> -> memref<50x128xf32, #tpu.memory_space<hbm>>
      %dma_start3A_1736 = arith.constant 50 : i32
      %dma_start3A_1737 = arith.constant 0 : i32
      %dma_start3A_1738 = tpu.memref_slice %arg6[%dma_start3A_1720, %dma_start3A_1736, %dma_start3A_1737] : memref<8x100x128xf32, #tpu.memory_space<vmem>> -> memref<1x50x128xf32, #tpu.memory_space<vmem>>
      %dma_start3A_1739 = tpu.memref_squeeze %dma_start3A_1738 : memref<1x50x128xf32, #tpu.memory_space<vmem>> -> memref<50x128xf32, #tpu.memory_space<vmem>>
      tpu.enqueue_dma source(%dma_start3A_1739 : memref<50x128xf32, #tpu.memory_space<vmem>>) target(%dma_start3A_1735 : memref<50x128xf32, #tpu.memory_space<hbm>>) target_semaphore(%dma_start3A_1731 : memref<!tpu.dma_semaphore, #tpu.memory_space<semaphore_mem>>)
      %mul3A_1740 = arith.constant 64 : i32
      %mul3A_1741 = arith.muli %add3A, %mul3A_1740 : i32
      %mul3A_1742 = arith.constant 2 : i32
      %mul3A_1743 = arith.muli %add3A_1676, %mul3A_1742 : i32
      %add3A_1744 = arith.addi %mul3A_1741, %mul3A_1743 : i32
      %add3A_1745 = arith.constant 0 : i32
      %add3A_1746 = arith.addi %add3A_1744, %add3A_1745 : i32
      %dma_wait3A_1747 = arith.constant 5 : i32
      %dma_wait3A_1748 = arith.constant 5 : i32
      %dma_wait3A_1749 = arith.constant 0 : i32
      %dma_wait3A_1750 = arith.constant 0 : i32
      %dma_wait3A_1751 = tpu.memref_slice %arg6[%dma_wait3A_1747, %dma_wait3A_1749, %dma_wait3A_1750] : memref<8x100x128xf32, #tpu.memory_space<vmem>> -> memref<1x50x128xf32, #tpu.memory_space<vmem>>
      %dma_wait3A_1752 = tpu.memref_squeeze %dma_wait3A_1751 : memref<1x50x128xf32, #tpu.memory_space<vmem>> -> memref<50x128xf32, #tpu.memory_space<vmem>>
      %dma_wait3A_1753 = arith.constant 0 : i32
      %dma_wait3A_1754 = arith.constant 0 : i32
      %dma_wait3A_1755 = tpu.memref_slice %arg4[%add3A_1746, %dma_wait3A_1753, %dma_wait3A_1754] : memref<2048x50x128xf32, #tpu.memory_space<hbm>> -> memref<1x50x128xf32, #tpu.memory_space<hbm>>
      %dma_wait3A_1756 = tpu.memref_squeeze %dma_wait3A_1755 : memref<1x50x128xf32, #tpu.memory_space<hbm>> -> memref<50x128xf32, #tpu.memory_space<hbm>>
      %dma_wait3A_1757 = tpu.memref_slice %arg8[%dma_wait3A_1748] : memref<8x!tpu.dma_semaphore, #tpu.memory_space<semaphore_mem>> -> memref<1x!tpu.dma_semaphore, #tpu.memory_space<semaphore_mem>>
      %dma_wait3A_1758 = tpu.memref_squeeze %dma_wait3A_1757 : memref<1x!tpu.dma_semaphore, #tpu.memory_space<semaphore_mem>> -> memref<!tpu.dma_semaphore, #tpu.memory_space<semaphore_mem>>
      %dma_wait3A_1759 = arith.constant 0 : i32
      %dma_wait3A_1760 = arith.constant 0 : i32
      %dma_wait3A_1761 = tpu.memref_slice %arg4[%add3A_1746, %dma_wait3A_1759, %dma_wait3A_1760] : memref<2048x50x128xf32, #tpu.memory_space<hbm>> -> memref<1x50x128xf32, #tpu.memory_space<hbm>>
      %dma_wait3A_1762 = tpu.memref_squeeze %dma_wait3A_1761 : memref<1x50x128xf32, #tpu.memory_space<hbm>> -> memref<50x128xf32, #tpu.memory_space<hbm>>
      %dma_wait3A_1763 = arith.constant 0 : i32
      %dma_wait3A_1764 = arith.constant 0 : i32
      %dma_wait3A_1765 = tpu.memref_slice %arg6[%dma_wait3A_1747, %dma_wait3A_1763, %dma_wait3A_1764] : memref<8x100x128xf32, #tpu.memory_space<vmem>> -> memref<1x50x128xf32, #tpu.memory_space<vmem>>
      %dma_wait3A_1766 = tpu.memref_squeeze %dma_wait3A_1765 : memref<1x50x128xf32, #tpu.memory_space<vmem>> -> memref<50x128xf32, #tpu.memory_space<vmem>>
      tpu.wait_dma2 semaphore(%dma_wait3A_1758 : memref<!tpu.dma_semaphore, #tpu.memory_space<semaphore_mem>>) src(%dma_wait3A_1766 : memref<50x128xf32, #tpu.memory_space<vmem>>) dst(%dma_wait3A_1762 : memref<50x128xf32, #tpu.memory_space<hbm>>)
      %add3A_1767 = arith.constant 1 : i32
      %add3A_1768 = arith.addi %add3A_1744, %add3A_1767 : i32
      %dma_wait3A_1769 = arith.constant 5 : i32
      %dma_wait3A_1770 = arith.constant 5 : i32
      %dma_wait3A_1771 = arith.constant 50 : i32
      %dma_wait3A_1772 = arith.constant 0 : i32
      %dma_wait3A_1773 = tpu.memref_slice %arg6[%dma_wait3A_1769, %dma_wait3A_1771, %dma_wait3A_1772] : memref<8x100x128xf32, #tpu.memory_space<vmem>> -> memref<1x50x128xf32, #tpu.memory_space<vmem>>
      %dma_wait3A_1774 = tpu.memref_squeeze %dma_wait3A_1773 : memref<1x50x128xf32, #tpu.memory_space<vmem>> -> memref<50x128xf32, #tpu.memory_space<vmem>>
      %dma_wait3A_1775 = arith.constant 0 : i32
      %dma_wait3A_1776 = arith.constant 0 : i32
      %dma_wait3A_1777 = tpu.memref_slice %arg4[%add3A_1768, %dma_wait3A_1775, %dma_wait3A_1776] : memref<2048x50x128xf32, #tpu.memory_space<hbm>> -> memref<1x50x128xf32, #tpu.memory_space<hbm>>
      %dma_wait3A_1778 = tpu.memref_squeeze %dma_wait3A_1777 : memref<1x50x128xf32, #tpu.memory_space<hbm>> -> memref<50x128xf32, #tpu.memory_space<hbm>>
      %dma_wait3A_1779 = tpu.memref_slice %arg8[%dma_wait3A_1770] : memref<8x!tpu.dma_semaphore, #tpu.memory_space<semaphore_mem>> -> memref<1x!tpu.dma_semaphore, #tpu.memory_space<semaphore_mem>>
      %dma_wait3A_1780 = tpu.memref_squeeze %dma_wait3A_1779 : memref<1x!tpu.dma_semaphore, #tpu.memory_space<semaphore_mem>> -> memref<!tpu.dma_semaphore, #tpu.memory_space<semaphore_mem>>
      %dma_wait3A_1781 = arith.constant 0 : i32
      %dma_wait3A_1782 = arith.constant 0 : i32
      %dma_wait3A_1783 = tpu.memref_slice %arg4[%add3A_1768, %dma_wait3A_1781, %dma_wait3A_1782] : memref<2048x50x128xf32, #tpu.memory_space<hbm>> -> memref<1x50x128xf32, #tpu.memory_space<hbm>>
      %dma_wait3A_1784 = tpu.memref_squeeze %dma_wait3A_1783 : memref<1x50x128xf32, #tpu.memory_space<hbm>> -> memref<50x128xf32, #tpu.memory_space<hbm>>
      %dma_wait3A_1785 = arith.constant 50 : i32
      %dma_wait3A_1786 = arith.constant 0 : i32
      %dma_wait3A_1787 = tpu.memref_slice %arg6[%dma_wait3A_1769, %dma_wait3A_1785, %dma_wait3A_1786] : memref<8x100x128xf32, #tpu.memory_space<vmem>> -> memref<1x50x128xf32, #tpu.memory_space<vmem>>
      %dma_wait3A_1788 = tpu.memref_squeeze %dma_wait3A_1787 : memref<1x50x128xf32, #tpu.memory_space<vmem>> -> memref<50x128xf32, #tpu.memory_space<vmem>>
      tpu.wait_dma2 semaphore(%dma_wait3A_1780 : memref<!tpu.dma_semaphore, #tpu.memory_space<semaphore_mem>>) src(%dma_wait3A_1788 : memref<50x128xf32, #tpu.memory_space<vmem>>) dst(%dma_wait3A_1784 : memref<50x128xf32, #tpu.memory_space<hbm>>)
      %add3A_1789 = arith.constant 8 : i32
      %add3A_1790 = arith.addi %add3A_1676, %add3A_1789 : i32
      %dma_start3A_1791 = arith.constant 5 : i32
      %dma_start3A_1792 = arith.constant 5 : i32
      %dma_start3A_1793 = arith.constant 0 : i32
      %dma_start3A_1794 = arith.constant 0 : i32
      %dma_start3A_1795 = tpu.memref_slice %arg6[%dma_start3A_1791, %dma_start3A_1793, %dma_start3A_1794] : memref<8x100x128xf32, #tpu.memory_space<vmem>> -> memref<1x100x128xf32, #tpu.memory_space<vmem>>
      %dma_start3A_1796 = tpu.memref_squeeze %dma_start3A_1795 : memref<1x100x128xf32, #tpu.memory_space<vmem>> -> memref<100x128xf32, #tpu.memory_space<vmem>>
      %dma_start3A_1797 = arith.constant 0 : i32
      %dma_start3A_1798 = tpu.memref_slice %arg5[%add3A_1790, %dma_start3A_1797] : memref<32x104xi32, #tpu.memory_space<vmem>> -> memref<1x100xi32, #tpu.memory_space<vmem>>
      %dma_start3A_1799 = tpu.memref_squeeze %dma_start3A_1798 : memref<1x100xi32, #tpu.memory_space<vmem>> -> memref<100xi32, #tpu.memory_space<vmem>>
      %dma_start3A_1800 = arith.constant 0 : i32
      %dma_start3A_1801 = arith.constant 0 : i32
      %dma_start3A_1802 = tpu.memref_slice %arg2[%dma_start3A_1800, %dma_start3A_1801] : memref<100000x128xf32, #tpu.memory_space<hbm>> -> memref<100000x128xf32, #tpu.memory_space<hbm>>
      %dma_start3A_1803 = tpu.memref_slice %arg7[%dma_start3A_1792] : memref<8x!tpu.dma_semaphore, #tpu.memory_space<semaphore_mem>> -> memref<1x!tpu.dma_semaphore, #tpu.memory_space<semaphore_mem>>
      %dma_start3A_1804 = tpu.memref_squeeze %dma_start3A_1803 : memref<1x!tpu.dma_semaphore, #tpu.memory_space<semaphore_mem>> -> memref<!tpu.dma_semaphore, #tpu.memory_space<semaphore_mem>>
      tpu.enqueue_indirect_dma source(%dma_start3A_1802 : memref<100000x128xf32, #tpu.memory_space<hbm>>) target(%dma_start3A_1796 : memref<100x128xf32, #tpu.memory_space<vmem>>) offsets(%dma_start3A_1799 : memref<100xi32, #tpu.memory_space<vmem>>) semaphore(%dma_start3A_1804 : memref<!tpu.dma_semaphore, #tpu.memory_space<semaphore_mem>>)
      %mul3A_1805 = arith.constant 8 : i32
      %mul3A_1806 = arith.muli %scan3A_1012, %mul3A_1805 : i32
      %add3A_1807 = arith.constant 6 : i32
      %add3A_1808 = arith.addi %mul3A_1806, %add3A_1807 : i32
      %dma_wait3A_1809 = arith.constant 6 : i32
      %dma_wait3A_1810 = arith.constant 6 : i32
      %dma_wait3A_1811 = arith.constant 0 : i32
      %dma_wait3A_1812 = arith.constant 0 : i32
      %dma_wait3A_1813 = tpu.memref_slice %arg6[%dma_wait3A_1809, %dma_wait3A_1811, %dma_wait3A_1812] : memref<8x100x128xf32, #tpu.memory_space<vmem>> -> memref<1x100x128xf32, #tpu.memory_space<vmem>>
      %dma_wait3A_1814 = tpu.memref_squeeze %dma_wait3A_1813 : memref<1x100x128xf32, #tpu.memory_space<vmem>> -> memref<100x128xf32, #tpu.memory_space<vmem>>
      %dma_wait3A_1815 = arith.constant 0 : i32
      %dma_wait3A_1816 = tpu.memref_slice %arg5[%add3A_1808, %dma_wait3A_1815] : memref<32x104xi32, #tpu.memory_space<vmem>> -> memref<1x100xi32, #tpu.memory_space<vmem>>
      %dma_wait3A_1817 = tpu.memref_squeeze %dma_wait3A_1816 : memref<1x100xi32, #tpu.memory_space<vmem>> -> memref<100xi32, #tpu.memory_space<vmem>>
      %dma_wait3A_1818 = arith.constant 0 : i32
      %dma_wait3A_1819 = arith.constant 0 : i32
      %dma_wait3A_1820 = tpu.memref_slice %arg2[%dma_wait3A_1818, %dma_wait3A_1819] : memref<100000x128xf32, #tpu.memory_space<hbm>> -> memref<100000x128xf32, #tpu.memory_space<hbm>>
      %dma_wait3A_1821 = tpu.memref_slice %arg7[%dma_wait3A_1810] : memref<8x!tpu.dma_semaphore, #tpu.memory_space<semaphore_mem>> -> memref<1x!tpu.dma_semaphore, #tpu.memory_space<semaphore_mem>>
      %dma_wait3A_1822 = tpu.memref_squeeze %dma_wait3A_1821 : memref<1x!tpu.dma_semaphore, #tpu.memory_space<semaphore_mem>> -> memref<!tpu.dma_semaphore, #tpu.memory_space<semaphore_mem>>
      tpu.wait_indirect_dma semaphore(%dma_wait3A_1822 : memref<!tpu.dma_semaphore, #tpu.memory_space<semaphore_mem>>) src(%dma_wait3A_1820 : memref<100000x128xf32, #tpu.memory_space<hbm>>) dst(%dma_wait3A_1814 : memref<100x128xf32, #tpu.memory_space<vmem>>)
      %mul3A_1823 = arith.constant 64 : i32
      %mul3A_1824 = arith.muli %add3A, %mul3A_1823 : i32
      %mul3A_1825 = arith.constant 2 : i32
      %mul3A_1826 = arith.muli %add3A_1808, %mul3A_1825 : i32
      %add3A_1827 = arith.addi %mul3A_1824, %mul3A_1826 : i32
      %add3A_1828 = arith.constant 0 : i32
      %add3A_1829 = arith.addi %add3A_1827, %add3A_1828 : i32
      %dma_start3A_1830 = arith.constant 6 : i32
      %dma_start3A_1831 = arith.constant 6 : i32
      %dma_start3A_1832 = arith.constant 0 : i32
      %dma_start3A_1833 = arith.constant 0 : i32
      %dma_start3A_1834 = tpu.memref_slice %arg6[%dma_start3A_1830, %dma_start3A_1832, %dma_start3A_1833] : memref<8x100x128xf32, #tpu.memory_space<vmem>> -> memref<1x50x128xf32, #tpu.memory_space<vmem>>
      %dma_start3A_1835 = tpu.memref_squeeze %dma_start3A_1834 : memref<1x50x128xf32, #tpu.memory_space<vmem>> -> memref<50x128xf32, #tpu.memory_space<vmem>>
      %dma_start3A_1836 = arith.constant 0 : i32
      %dma_start3A_1837 = arith.constant 0 : i32
      %dma_start3A_1838 = tpu.memref_slice %arg4[%add3A_1829, %dma_start3A_1836, %dma_start3A_1837] : memref<2048x50x128xf32, #tpu.memory_space<hbm>> -> memref<1x50x128xf32, #tpu.memory_space<hbm>>
      %dma_start3A_1839 = tpu.memref_squeeze %dma_start3A_1838 : memref<1x50x128xf32, #tpu.memory_space<hbm>> -> memref<50x128xf32, #tpu.memory_space<hbm>>
      %dma_start3A_1840 = tpu.memref_slice %arg8[%dma_start3A_1831] : memref<8x!tpu.dma_semaphore, #tpu.memory_space<semaphore_mem>> -> memref<1x!tpu.dma_semaphore, #tpu.memory_space<semaphore_mem>>
      %dma_start3A_1841 = tpu.memref_squeeze %dma_start3A_1840 : memref<1x!tpu.dma_semaphore, #tpu.memory_space<semaphore_mem>> -> memref<!tpu.dma_semaphore, #tpu.memory_space<semaphore_mem>>
      %dma_start3A_1842 = arith.constant 0 : i32
      %dma_start3A_1843 = arith.constant 0 : i32
      %dma_start3A_1844 = tpu.memref_slice %arg4[%add3A_1829, %dma_start3A_1842, %dma_start3A_1843] : memref<2048x50x128xf32, #tpu.memory_space<hbm>> -> memref<1x50x128xf32, #tpu.memory_space<hbm>>
      %dma_start3A_1845 = tpu.memref_squeeze %dma_start3A_1844 : memref<1x50x128xf32, #tpu.memory_space<hbm>> -> memref<50x128xf32, #tpu.memory_space<hbm>>
      %dma_start3A_1846 = arith.constant 0 : i32
      %dma_start3A_1847 = arith.constant 0 : i32
      %dma_start3A_1848 = tpu.memref_slice %arg6[%dma_start3A_1830, %dma_start3A_1846, %dma_start3A_1847] : memref<8x100x128xf32, #tpu.memory_space<vmem>> -> memref<1x50x128xf32, #tpu.memory_space<vmem>>
      %dma_start3A_1849 = tpu.memref_squeeze %dma_start3A_1848 : memref<1x50x128xf32, #tpu.memory_space<vmem>> -> memref<50x128xf32, #tpu.memory_space<vmem>>
      tpu.enqueue_dma source(%dma_start3A_1849 : memref<50x128xf32, #tpu.memory_space<vmem>>) target(%dma_start3A_1845 : memref<50x128xf32, #tpu.memory_space<hbm>>) target_semaphore(%dma_start3A_1841 : memref<!tpu.dma_semaphore, #tpu.memory_space<semaphore_mem>>)
      %add3A_1850 = arith.constant 1 : i32
      %add3A_1851 = arith.addi %add3A_1827, %add3A_1850 : i32
      %dma_start3A_1852 = arith.constant 6 : i32
      %dma_start3A_1853 = arith.constant 6 : i32
      %dma_start3A_1854 = arith.constant 50 : i32
      %dma_start3A_1855 = arith.constant 0 : i32
      %dma_start3A_1856 = tpu.memref_slice %arg6[%dma_start3A_1852, %dma_start3A_1854, %dma_start3A_1855] : memref<8x100x128xf32, #tpu.memory_space<vmem>> -> memref<1x50x128xf32, #tpu.memory_space<vmem>>
      %dma_start3A_1857 = tpu.memref_squeeze %dma_start3A_1856 : memref<1x50x128xf32, #tpu.memory_space<vmem>> -> memref<50x128xf32, #tpu.memory_space<vmem>>
      %dma_start3A_1858 = arith.constant 0 : i32
      %dma_start3A_1859 = arith.constant 0 : i32
      %dma_start3A_1860 = tpu.memref_slice %arg4[%add3A_1851, %dma_start3A_1858, %dma_start3A_1859] : memref<2048x50x128xf32, #tpu.memory_space<hbm>> -> memref<1x50x128xf32, #tpu.memory_space<hbm>>
      %dma_start3A_1861 = tpu.memref_squeeze %dma_start3A_1860 : memref<1x50x128xf32, #tpu.memory_space<hbm>> -> memref<50x128xf32, #tpu.memory_space<hbm>>
      %dma_start3A_1862 = tpu.memref_slice %arg8[%dma_start3A_1853] : memref<8x!tpu.dma_semaphore, #tpu.memory_space<semaphore_mem>> -> memref<1x!tpu.dma_semaphore, #tpu.memory_space<semaphore_mem>>
      %dma_start3A_1863 = tpu.memref_squeeze %dma_start3A_1862 : memref<1x!tpu.dma_semaphore, #tpu.memory_space<semaphore_mem>> -> memref<!tpu.dma_semaphore, #tpu.memory_space<semaphore_mem>>
      %dma_start3A_1864 = arith.constant 0 : i32
      %dma_start3A_1865 = arith.constant 0 : i32
      %dma_start3A_1866 = tpu.memref_slice %arg4[%add3A_1851, %dma_start3A_1864, %dma_start3A_1865] : memref<2048x50x128xf32, #tpu.memory_space<hbm>> -> memref<1x50x128xf32, #tpu.memory_space<hbm>>
      %dma_start3A_1867 = tpu.memref_squeeze %dma_start3A_1866 : memref<1x50x128xf32, #tpu.memory_space<hbm>> -> memref<50x128xf32, #tpu.memory_space<hbm>>
      %dma_start3A_1868 = arith.constant 50 : i32
      %dma_start3A_1869 = arith.constant 0 : i32
      %dma_start3A_1870 = tpu.memref_slice %arg6[%dma_start3A_1852, %dma_start3A_1868, %dma_start3A_1869] : memref<8x100x128xf32, #tpu.memory_space<vmem>> -> memref<1x50x128xf32, #tpu.memory_space<vmem>>
      %dma_start3A_1871 = tpu.memref_squeeze %dma_start3A_1870 : memref<1x50x128xf32, #tpu.memory_space<vmem>> -> memref<50x128xf32, #tpu.memory_space<vmem>>
      tpu.enqueue_dma source(%dma_start3A_1871 : memref<50x128xf32, #tpu.memory_space<vmem>>) target(%dma_start3A_1867 : memref<50x128xf32, #tpu.memory_space<hbm>>) target_semaphore(%dma_start3A_1863 : memref<!tpu.dma_semaphore, #tpu.memory_space<semaphore_mem>>)
      %mul3A_1872 = arith.constant 64 : i32
      %mul3A_1873 = arith.muli %add3A, %mul3A_1872 : i32
      %mul3A_1874 = arith.constant 2 : i32
      %mul3A_1875 = arith.muli %add3A_1808, %mul3A_1874 : i32
      %add3A_1876 = arith.addi %mul3A_1873, %mul3A_1875 : i32
      %add3A_1877 = arith.constant 0 : i32
      %add3A_1878 = arith.addi %add3A_1876, %add3A_1877 : i32
      %dma_wait3A_1879 = arith.constant 6 : i32
      %dma_wait3A_1880 = arith.constant 6 : i32
      %dma_wait3A_1881 = arith.constant 0 : i32
      %dma_wait3A_1882 = arith.constant 0 : i32
      %dma_wait3A_1883 = tpu.memref_slice %arg6[%dma_wait3A_1879, %dma_wait3A_1881, %dma_wait3A_1882] : memref<8x100x128xf32, #tpu.memory_space<vmem>> -> memref<1x50x128xf32, #tpu.memory_space<vmem>>
      %dma_wait3A_1884 = tpu.memref_squeeze %dma_wait3A_1883 : memref<1x50x128xf32, #tpu.memory_space<vmem>> -> memref<50x128xf32, #tpu.memory_space<vmem>>
      %dma_wait3A_1885 = arith.constant 0 : i32
      %dma_wait3A_1886 = arith.constant 0 : i32
      %dma_wait3A_1887 = tpu.memref_slice %arg4[%add3A_1878, %dma_wait3A_1885, %dma_wait3A_1886] : memref<2048x50x128xf32, #tpu.memory_space<hbm>> -> memref<1x50x128xf32, #tpu.memory_space<hbm>>
      %dma_wait3A_1888 = tpu.memref_squeeze %dma_wait3A_1887 : memref<1x50x128xf32, #tpu.memory_space<hbm>> -> memref<50x128xf32, #tpu.memory_space<hbm>>
      %dma_wait3A_1889 = tpu.memref_slice %arg8[%dma_wait3A_1880] : memref<8x!tpu.dma_semaphore, #tpu.memory_space<semaphore_mem>> -> memref<1x!tpu.dma_semaphore, #tpu.memory_space<semaphore_mem>>
      %dma_wait3A_1890 = tpu.memref_squeeze %dma_wait3A_1889 : memref<1x!tpu.dma_semaphore, #tpu.memory_space<semaphore_mem>> -> memref<!tpu.dma_semaphore, #tpu.memory_space<semaphore_mem>>
      %dma_wait3A_1891 = arith.constant 0 : i32
      %dma_wait3A_1892 = arith.constant 0 : i32
      %dma_wait3A_1893 = tpu.memref_slice %arg4[%add3A_1878, %dma_wait3A_1891, %dma_wait3A_1892] : memref<2048x50x128xf32, #tpu.memory_space<hbm>> -> memref<1x50x128xf32, #tpu.memory_space<hbm>>
      %dma_wait3A_1894 = tpu.memref_squeeze %dma_wait3A_1893 : memref<1x50x128xf32, #tpu.memory_space<hbm>> -> memref<50x128xf32, #tpu.memory_space<hbm>>
      %dma_wait3A_1895 = arith.constant 0 : i32
      %dma_wait3A_1896 = arith.constant 0 : i32
      %dma_wait3A_1897 = tpu.memref_slice %arg6[%dma_wait3A_1879, %dma_wait3A_1895, %dma_wait3A_1896] : memref<8x100x128xf32, #tpu.memory_space<vmem>> -> memref<1x50x128xf32, #tpu.memory_space<vmem>>
      %dma_wait3A_1898 = tpu.memref_squeeze %dma_wait3A_1897 : memref<1x50x128xf32, #tpu.memory_space<vmem>> -> memref<50x128xf32, #tpu.memory_space<vmem>>
      tpu.wait_dma2 semaphore(%dma_wait3A_1890 : memref<!tpu.dma_semaphore, #tpu.memory_space<semaphore_mem>>) src(%dma_wait3A_1898 : memref<50x128xf32, #tpu.memory_space<vmem>>) dst(%dma_wait3A_1894 : memref<50x128xf32, #tpu.memory_space<hbm>>)
      %add3A_1899 = arith.constant 1 : i32
      %add3A_1900 = arith.addi %add3A_1876, %add3A_1899 : i32
      %dma_wait3A_1901 = arith.constant 6 : i32
      %dma_wait3A_1902 = arith.constant 6 : i32
      %dma_wait3A_1903 = arith.constant 50 : i32
      %dma_wait3A_1904 = arith.constant 0 : i32
      %dma_wait3A_1905 = tpu.memref_slice %arg6[%dma_wait3A_1901, %dma_wait3A_1903, %dma_wait3A_1904] : memref<8x100x128xf32, #tpu.memory_space<vmem>> -> memref<1x50x128xf32, #tpu.memory_space<vmem>>
      %dma_wait3A_1906 = tpu.memref_squeeze %dma_wait3A_1905 : memref<1x50x128xf32, #tpu.memory_space<vmem>> -> memref<50x128xf32, #tpu.memory_space<vmem>>
      %dma_wait3A_1907 = arith.constant 0 : i32
      %dma_wait3A_1908 = arith.constant 0 : i32
      %dma_wait3A_1909 = tpu.memref_slice %arg4[%add3A_1900, %dma_wait3A_1907, %dma_wait3A_1908] : memref<2048x50x128xf32, #tpu.memory_space<hbm>> -> memref<1x50x128xf32, #tpu.memory_space<hbm>>
      %dma_wait3A_1910 = tpu.memref_squeeze %dma_wait3A_1909 : memref<1x50x128xf32, #tpu.memory_space<hbm>> -> memref<50x128xf32, #tpu.memory_space<hbm>>
      %dma_wait3A_1911 = tpu.memref_slice %arg8[%dma_wait3A_1902] : memref<8x!tpu.dma_semaphore, #tpu.memory_space<semaphore_mem>> -> memref<1x!tpu.dma_semaphore, #tpu.memory_space<semaphore_mem>>
      %dma_wait3A_1912 = tpu.memref_squeeze %dma_wait3A_1911 : memref<1x!tpu.dma_semaphore, #tpu.memory_space<semaphore_mem>> -> memref<!tpu.dma_semaphore, #tpu.memory_space<semaphore_mem>>
      %dma_wait3A_1913 = arith.constant 0 : i32
      %dma_wait3A_1914 = arith.constant 0 : i32
      %dma_wait3A_1915 = tpu.memref_slice %arg4[%add3A_1900, %dma_wait3A_1913, %dma_wait3A_1914] : memref<2048x50x128xf32, #tpu.memory_space<hbm>> -> memref<1x50x128xf32, #tpu.memory_space<hbm>>
      %dma_wait3A_1916 = tpu.memref_squeeze %dma_wait3A_1915 : memref<1x50x128xf32, #tpu.memory_space<hbm>> -> memref<50x128xf32, #tpu.memory_space<hbm>>
      %dma_wait3A_1917 = arith.constant 50 : i32
      %dma_wait3A_1918 = arith.constant 0 : i32
      %dma_wait3A_1919 = tpu.memref_slice %arg6[%dma_wait3A_1901, %dma_wait3A_1917, %dma_wait3A_1918] : memref<8x100x128xf32, #tpu.memory_space<vmem>> -> memref<1x50x128xf32, #tpu.memory_space<vmem>>
      %dma_wait3A_1920 = tpu.memref_squeeze %dma_wait3A_1919 : memref<1x50x128xf32, #tpu.memory_space<vmem>> -> memref<50x128xf32, #tpu.memory_space<vmem>>
      tpu.wait_dma2 semaphore(%dma_wait3A_1912 : memref<!tpu.dma_semaphore, #tpu.memory_space<semaphore_mem>>) src(%dma_wait3A_1920 : memref<50x128xf32, #tpu.memory_space<vmem>>) dst(%dma_wait3A_1916 : memref<50x128xf32, #tpu.memory_space<hbm>>)
      %add3A_1921 = arith.constant 8 : i32
      %add3A_1922 = arith.addi %add3A_1808, %add3A_1921 : i32
      %dma_start3A_1923 = arith.constant 6 : i32
      %dma_start3A_1924 = arith.constant 6 : i32
      %dma_start3A_1925 = arith.constant 0 : i32
      %dma_start3A_1926 = arith.constant 0 : i32
      %dma_start3A_1927 = tpu.memref_slice %arg6[%dma_start3A_1923, %dma_start3A_1925, %dma_start3A_1926] : memref<8x100x128xf32, #tpu.memory_space<vmem>> -> memref<1x100x128xf32, #tpu.memory_space<vmem>>
      %dma_start3A_1928 = tpu.memref_squeeze %dma_start3A_1927 : memref<1x100x128xf32, #tpu.memory_space<vmem>> -> memref<100x128xf32, #tpu.memory_space<vmem>>
      %dma_start3A_1929 = arith.constant 0 : i32
      %dma_start3A_1930 = tpu.memref_slice %arg5[%add3A_1922, %dma_start3A_1929] : memref<32x104xi32, #tpu.memory_space<vmem>> -> memref<1x100xi32, #tpu.memory_space<vmem>>
      %dma_start3A_1931 = tpu.memref_squeeze %dma_start3A_1930 : memref<1x100xi32, #tpu.memory_space<vmem>> -> memref<100xi32, #tpu.memory_space<vmem>>
      %dma_start3A_1932 = arith.constant 0 : i32
      %dma_start3A_1933 = arith.constant 0 : i32
      %dma_start3A_1934 = tpu.memref_slice %arg2[%dma_start3A_1932, %dma_start3A_1933] : memref<100000x128xf32, #tpu.memory_space<hbm>> -> memref<100000x128xf32, #tpu.memory_space<hbm>>
      %dma_start3A_1935 = tpu.memref_slice %arg7[%dma_start3A_1924] : memref<8x!tpu.dma_semaphore, #tpu.memory_space<semaphore_mem>> -> memref<1x!tpu.dma_semaphore, #tpu.memory_space<semaphore_mem>>
      %dma_start3A_1936 = tpu.memref_squeeze %dma_start3A_1935 : memref<1x!tpu.dma_semaphore, #tpu.memory_space<semaphore_mem>> -> memref<!tpu.dma_semaphore, #tpu.memory_space<semaphore_mem>>
      tpu.enqueue_indirect_dma source(%dma_start3A_1934 : memref<100000x128xf32, #tpu.memory_space<hbm>>) target(%dma_start3A_1928 : memref<100x128xf32, #tpu.memory_space<vmem>>) offsets(%dma_start3A_1931 : memref<100xi32, #tpu.memory_space<vmem>>) semaphore(%dma_start3A_1936 : memref<!tpu.dma_semaphore, #tpu.memory_space<semaphore_mem>>)
      %mul3A_1937 = arith.constant 8 : i32
      %mul3A_1938 = arith.muli %scan3A_1012, %mul3A_1937 : i32
      %add3A_1939 = arith.constant 7 : i32
      %add3A_1940 = arith.addi %mul3A_1938, %add3A_1939 : i32
      %dma_wait3A_1941 = arith.constant 7 : i32
      %dma_wait3A_1942 = arith.constant 7 : i32
      %dma_wait3A_1943 = arith.constant 0 : i32
      %dma_wait3A_1944 = arith.constant 0 : i32
      %dma_wait3A_1945 = tpu.memref_slice %arg6[%dma_wait3A_1941, %dma_wait3A_1943, %dma_wait3A_1944] : memref<8x100x128xf32, #tpu.memory_space<vmem>> -> memref<1x100x128xf32, #tpu.memory_space<vmem>>
      %dma_wait3A_1946 = tpu.memref_squeeze %dma_wait3A_1945 : memref<1x100x128xf32, #tpu.memory_space<vmem>> -> memref<100x128xf32, #tpu.memory_space<vmem>>
      %dma_wait3A_1947 = arith.constant 0 : i32
      %dma_wait3A_1948 = tpu.memref_slice %arg5[%add3A_1940, %dma_wait3A_1947] : memref<32x104xi32, #tpu.memory_space<vmem>> -> memref<1x100xi32, #tpu.memory_space<vmem>>
      %dma_wait3A_1949 = tpu.memref_squeeze %dma_wait3A_1948 : memref<1x100xi32, #tpu.memory_space<vmem>> -> memref<100xi32, #tpu.memory_space<vmem>>
      %dma_wait3A_1950 = arith.constant 0 : i32
      %dma_wait3A_1951 = arith.constant 0 : i32
      %dma_wait3A_1952 = tpu.memref_slice %arg2[%dma_wait3A_1950, %dma_wait3A_1951] : memref<100000x128xf32, #tpu.memory_space<hbm>> -> memref<100000x128xf32, #tpu.memory_space<hbm>>
      %dma_wait3A_1953 = tpu.memref_slice %arg7[%dma_wait3A_1942] : memref<8x!tpu.dma_semaphore, #tpu.memory_space<semaphore_mem>> -> memref<1x!tpu.dma_semaphore, #tpu.memory_space<semaphore_mem>>
      %dma_wait3A_1954 = tpu.memref_squeeze %dma_wait3A_1953 : memref<1x!tpu.dma_semaphore, #tpu.memory_space<semaphore_mem>> -> memref<!tpu.dma_semaphore, #tpu.memory_space<semaphore_mem>>
      tpu.wait_indirect_dma semaphore(%dma_wait3A_1954 : memref<!tpu.dma_semaphore, #tpu.memory_space<semaphore_mem>>) src(%dma_wait3A_1952 : memref<100000x128xf32, #tpu.memory_space<hbm>>) dst(%dma_wait3A_1946 : memref<100x128xf32, #tpu.memory_space<vmem>>)
      %mul3A_1955 = arith.constant 64 : i32
      %mul3A_1956 = arith.muli %add3A, %mul3A_1955 : i32
      %mul3A_1957 = arith.constant 2 : i32
      %mul3A_1958 = arith.muli %add3A_1940, %mul3A_1957 : i32
      %add3A_1959 = arith.addi %mul3A_1956, %mul3A_1958 : i32
      %add3A_1960 = arith.constant 0 : i32
      %add3A_1961 = arith.addi %add3A_1959, %add3A_1960 : i32
      %dma_start3A_1962 = arith.constant 7 : i32
      %dma_start3A_1963 = arith.constant 7 : i32
      %dma_start3A_1964 = arith.constant 0 : i32
      %dma_start3A_1965 = arith.constant 0 : i32
      %dma_start3A_1966 = tpu.memref_slice %arg6[%dma_start3A_1962, %dma_start3A_1964, %dma_start3A_1965] : memref<8x100x128xf32, #tpu.memory_space<vmem>> -> memref<1x50x128xf32, #tpu.memory_space<vmem>>
      %dma_start3A_1967 = tpu.memref_squeeze %dma_start3A_1966 : memref<1x50x128xf32, #tpu.memory_space<vmem>> -> memref<50x128xf32, #tpu.memory_space<vmem>>
      %dma_start3A_1968 = arith.constant 0 : i32
      %dma_start3A_1969 = arith.constant 0 : i32
      %dma_start3A_1970 = tpu.memref_slice %arg4[%add3A_1961, %dma_start3A_1968, %dma_start3A_1969] : memref<2048x50x128xf32, #tpu.memory_space<hbm>> -> memref<1x50x128xf32, #tpu.memory_space<hbm>>
      %dma_start3A_1971 = tpu.memref_squeeze %dma_start3A_1970 : memref<1x50x128xf32, #tpu.memory_space<hbm>> -> memref<50x128xf32, #tpu.memory_space<hbm>>
      %dma_start3A_1972 = tpu.memref_slice %arg8[%dma_start3A_1963] : memref<8x!tpu.dma_semaphore, #tpu.memory_space<semaphore_mem>> -> memref<1x!tpu.dma_semaphore, #tpu.memory_space<semaphore_mem>>
      %dma_start3A_1973 = tpu.memref_squeeze %dma_start3A_1972 : memref<1x!tpu.dma_semaphore, #tpu.memory_space<semaphore_mem>> -> memref<!tpu.dma_semaphore, #tpu.memory_space<semaphore_mem>>
      %dma_start3A_1974 = arith.constant 0 : i32
      %dma_start3A_1975 = arith.constant 0 : i32
      %dma_start3A_1976 = tpu.memref_slice %arg4[%add3A_1961, %dma_start3A_1974, %dma_start3A_1975] : memref<2048x50x128xf32, #tpu.memory_space<hbm>> -> memref<1x50x128xf32, #tpu.memory_space<hbm>>
      %dma_start3A_1977 = tpu.memref_squeeze %dma_start3A_1976 : memref<1x50x128xf32, #tpu.memory_space<hbm>> -> memref<50x128xf32, #tpu.memory_space<hbm>>
      %dma_start3A_1978 = arith.constant 0 : i32
      %dma_start3A_1979 = arith.constant 0 : i32
      %dma_start3A_1980 = tpu.memref_slice %arg6[%dma_start3A_1962, %dma_start3A_1978, %dma_start3A_1979] : memref<8x100x128xf32, #tpu.memory_space<vmem>> -> memref<1x50x128xf32, #tpu.memory_space<vmem>>
      %dma_start3A_1981 = tpu.memref_squeeze %dma_start3A_1980 : memref<1x50x128xf32, #tpu.memory_space<vmem>> -> memref<50x128xf32, #tpu.memory_space<vmem>>
      tpu.enqueue_dma source(%dma_start3A_1981 : memref<50x128xf32, #tpu.memory_space<vmem>>) target(%dma_start3A_1977 : memref<50x128xf32, #tpu.memory_space<hbm>>) target_semaphore(%dma_start3A_1973 : memref<!tpu.dma_semaphore, #tpu.memory_space<semaphore_mem>>)
      %add3A_1982 = arith.constant 1 : i32
      %add3A_1983 = arith.addi %add3A_1959, %add3A_1982 : i32
      %dma_start3A_1984 = arith.constant 7 : i32
      %dma_start3A_1985 = arith.constant 7 : i32
      %dma_start3A_1986 = arith.constant 50 : i32
      %dma_start3A_1987 = arith.constant 0 : i32
      %dma_start3A_1988 = tpu.memref_slice %arg6[%dma_start3A_1984, %dma_start3A_1986, %dma_start3A_1987] : memref<8x100x128xf32, #tpu.memory_space<vmem>> -> memref<1x50x128xf32, #tpu.memory_space<vmem>>
      %dma_start3A_1989 = tpu.memref_squeeze %dma_start3A_1988 : memref<1x50x128xf32, #tpu.memory_space<vmem>> -> memref<50x128xf32, #tpu.memory_space<vmem>>
      %dma_start3A_1990 = arith.constant 0 : i32
      %dma_start3A_1991 = arith.constant 0 : i32
      %dma_start3A_1992 = tpu.memref_slice %arg4[%add3A_1983, %dma_start3A_1990, %dma_start3A_1991] : memref<2048x50x128xf32, #tpu.memory_space<hbm>> -> memref<1x50x128xf32, #tpu.memory_space<hbm>>
      %dma_start3A_1993 = tpu.memref_squeeze %dma_start3A_1992 : memref<1x50x128xf32, #tpu.memory_space<hbm>> -> memref<50x128xf32, #tpu.memory_space<hbm>>
      %dma_start3A_1994 = tpu.memref_slice %arg8[%dma_start3A_1985] : memref<8x!tpu.dma_semaphore, #tpu.memory_space<semaphore_mem>> -> memref<1x!tpu.dma_semaphore, #tpu.memory_space<semaphore_mem>>
      %dma_start3A_1995 = tpu.memref_squeeze %dma_start3A_1994 : memref<1x!tpu.dma_semaphore, #tpu.memory_space<semaphore_mem>> -> memref<!tpu.dma_semaphore, #tpu.memory_space<semaphore_mem>>
      %dma_start3A_1996 = arith.constant 0 : i32
      %dma_start3A_1997 = arith.constant 0 : i32
      %dma_start3A_1998 = tpu.memref_slice %arg4[%add3A_1983, %dma_start3A_1996, %dma_start3A_1997] : memref<2048x50x128xf32, #tpu.memory_space<hbm>> -> memref<1x50x128xf32, #tpu.memory_space<hbm>>
      %dma_start3A_1999 = tpu.memref_squeeze %dma_start3A_1998 : memref<1x50x128xf32, #tpu.memory_space<hbm>> -> memref<50x128xf32, #tpu.memory_space<hbm>>
      %dma_start3A_2000 = arith.constant 50 : i32
      %dma_start3A_2001 = arith.constant 0 : i32
      %dma_start3A_2002 = tpu.memref_slice %arg6[%dma_start3A_1984, %dma_start3A_2000, %dma_start3A_2001] : memref<8x100x128xf32, #tpu.memory_space<vmem>> -> memref<1x50x128xf32, #tpu.memory_space<vmem>>
      %dma_start3A_2003 = tpu.memref_squeeze %dma_start3A_2002 : memref<1x50x128xf32, #tpu.memory_space<vmem>> -> memref<50x128xf32, #tpu.memory_space<vmem>>
      tpu.enqueue_dma source(%dma_start3A_2003 : memref<50x128xf32, #tpu.memory_space<vmem>>) target(%dma_start3A_1999 : memref<50x128xf32, #tpu.memory_space<hbm>>) target_semaphore(%dma_start3A_1995 : memref<!tpu.dma_semaphore, #tpu.memory_space<semaphore_mem>>)
      %mul3A_2004 = arith.constant 64 : i32
      %mul3A_2005 = arith.muli %add3A, %mul3A_2004 : i32
      %mul3A_2006 = arith.constant 2 : i32
      %mul3A_2007 = arith.muli %add3A_1940, %mul3A_2006 : i32
      %add3A_2008 = arith.addi %mul3A_2005, %mul3A_2007 : i32
      %add3A_2009 = arith.constant 0 : i32
      %add3A_2010 = arith.addi %add3A_2008, %add3A_2009 : i32
      %dma_wait3A_2011 = arith.constant 7 : i32
      %dma_wait3A_2012 = arith.constant 7 : i32
      %dma_wait3A_2013 = arith.constant 0 : i32
      %dma_wait3A_2014 = arith.constant 0 : i32
      %dma_wait3A_2015 = tpu.memref_slice %arg6[%dma_wait3A_2011, %dma_wait3A_2013, %dma_wait3A_2014] : memref<8x100x128xf32, #tpu.memory_space<vmem>> -> memref<1x50x128xf32, #tpu.memory_space<vmem>>
      %dma_wait3A_2016 = tpu.memref_squeeze %dma_wait3A_2015 : memref<1x50x128xf32, #tpu.memory_space<vmem>> -> memref<50x128xf32, #tpu.memory_space<vmem>>
      %dma_wait3A_2017 = arith.constant 0 : i32
      %dma_wait3A_2018 = arith.constant 0 : i32
      %dma_wait3A_2019 = tpu.memref_slice %arg4[%add3A_2010, %dma_wait3A_2017, %dma_wait3A_2018] : memref<2048x50x128xf32, #tpu.memory_space<hbm>> -> memref<1x50x128xf32, #tpu.memory_space<hbm>>
      %dma_wait3A_2020 = tpu.memref_squeeze %dma_wait3A_2019 : memref<1x50x128xf32, #tpu.memory_space<hbm>> -> memref<50x128xf32, #tpu.memory_space<hbm>>
      %dma_wait3A_2021 = tpu.memref_slice %arg8[%dma_wait3A_2012] : memref<8x!tpu.dma_semaphore, #tpu.memory_space<semaphore_mem>> -> memref<1x!tpu.dma_semaphore, #tpu.memory_space<semaphore_mem>>
      %dma_wait3A_2022 = tpu.memref_squeeze %dma_wait3A_2021 : memref<1x!tpu.dma_semaphore, #tpu.memory_space<semaphore_mem>> -> memref<!tpu.dma_semaphore, #tpu.memory_space<semaphore_mem>>
      %dma_wait3A_2023 = arith.constant 0 : i32
      %dma_wait3A_2024 = arith.constant 0 : i32
      %dma_wait3A_2025 = tpu.memref_slice %arg4[%add3A_2010, %dma_wait3A_2023, %dma_wait3A_2024] : memref<2048x50x128xf32, #tpu.memory_space<hbm>> -> memref<1x50x128xf32, #tpu.memory_space<hbm>>
      %dma_wait3A_2026 = tpu.memref_squeeze %dma_wait3A_2025 : memref<1x50x128xf32, #tpu.memory_space<hbm>> -> memref<50x128xf32, #tpu.memory_space<hbm>>
      %dma_wait3A_2027 = arith.constant 0 : i32
      %dma_wait3A_2028 = arith.constant 0 : i32
      %dma_wait3A_2029 = tpu.memref_slice %arg6[%dma_wait3A_2011, %dma_wait3A_2027, %dma_wait3A_2028] : memref<8x100x128xf32, #tpu.memory_space<vmem>> -> memref<1x50x128xf32, #tpu.memory_space<vmem>>
      %dma_wait3A_2030 = tpu.memref_squeeze %dma_wait3A_2029 : memref<1x50x128xf32, #tpu.memory_space<vmem>> -> memref<50x128xf32, #tpu.memory_space<vmem>>
      tpu.wait_dma2 semaphore(%dma_wait3A_2022 : memref<!tpu.dma_semaphore, #tpu.memory_space<semaphore_mem>>) src(%dma_wait3A_2030 : memref<50x128xf32, #tpu.memory_space<vmem>>) dst(%dma_wait3A_2026 : memref<50x128xf32, #tpu.memory_space<hbm>>)
      %add3A_2031 = arith.constant 1 : i32
      %add3A_2032 = arith.addi %add3A_2008, %add3A_2031 : i32
      %dma_wait3A_2033 = arith.constant 7 : i32
      %dma_wait3A_2034 = arith.constant 7 : i32
      %dma_wait3A_2035 = arith.constant 50 : i32
      %dma_wait3A_2036 = arith.constant 0 : i32
      %dma_wait3A_2037 = tpu.memref_slice %arg6[%dma_wait3A_2033, %dma_wait3A_2035, %dma_wait3A_2036] : memref<8x100x128xf32, #tpu.memory_space<vmem>> -> memref<1x50x128xf32, #tpu.memory_space<vmem>>
      %dma_wait3A_2038 = tpu.memref_squeeze %dma_wait3A_2037 : memref<1x50x128xf32, #tpu.memory_space<vmem>> -> memref<50x128xf32, #tpu.memory_space<vmem>>
      %dma_wait3A_2039 = arith.constant 0 : i32
      %dma_wait3A_2040 = arith.constant 0 : i32
      %dma_wait3A_2041 = tpu.memref_slice %arg4[%add3A_2032, %dma_wait3A_2039, %dma_wait3A_2040] : memref<2048x50x128xf32, #tpu.memory_space<hbm>> -> memref<1x50x128xf32, #tpu.memory_space<hbm>>
      %dma_wait3A_2042 = tpu.memref_squeeze %dma_wait3A_2041 : memref<1x50x128xf32, #tpu.memory_space<hbm>> -> memref<50x128xf32, #tpu.memory_space<hbm>>
      %dma_wait3A_2043 = tpu.memref_slice %arg8[%dma_wait3A_2034] : memref<8x!tpu.dma_semaphore, #tpu.memory_space<semaphore_mem>> -> memref<1x!tpu.dma_semaphore, #tpu.memory_space<semaphore_mem>>
      %dma_wait3A_2044 = tpu.memref_squeeze %dma_wait3A_2043 : memref<1x!tpu.dma_semaphore, #tpu.memory_space<semaphore_mem>> -> memref<!tpu.dma_semaphore, #tpu.memory_space<semaphore_mem>>
      %dma_wait3A_2045 = arith.constant 0 : i32
      %dma_wait3A_2046 = arith.constant 0 : i32
      %dma_wait3A_2047 = tpu.memref_slice %arg4[%add3A_2032, %dma_wait3A_2045, %dma_wait3A_2046] : memref<2048x50x128xf32, #tpu.memory_space<hbm>> -> memref<1x50x128xf32, #tpu.memory_space<hbm>>
      %dma_wait3A_2048 = tpu.memref_squeeze %dma_wait3A_2047 : memref<1x50x128xf32, #tpu.memory_space<hbm>> -> memref<50x128xf32, #tpu.memory_space<hbm>>
      %dma_wait3A_2049 = arith.constant 50 : i32
      %dma_wait3A_2050 = arith.constant 0 : i32
      %dma_wait3A_2051 = tpu.memref_slice %arg6[%dma_wait3A_2033, %dma_wait3A_2049, %dma_wait3A_2050] : memref<8x100x128xf32, #tpu.memory_space<vmem>> -> memref<1x50x128xf32, #tpu.memory_space<vmem>>
      %dma_wait3A_2052 = tpu.memref_squeeze %dma_wait3A_2051 : memref<1x50x128xf32, #tpu.memory_space<vmem>> -> memref<50x128xf32, #tpu.memory_space<vmem>>
      tpu.wait_dma2 semaphore(%dma_wait3A_2044 : memref<!tpu.dma_semaphore, #tpu.memory_space<semaphore_mem>>) src(%dma_wait3A_2052 : memref<50x128xf32, #tpu.memory_space<vmem>>) dst(%dma_wait3A_2048 : memref<50x128xf32, #tpu.memory_space<hbm>>)
      %add3A_2053 = arith.constant 8 : i32
      %add3A_2054 = arith.addi %add3A_1940, %add3A_2053 : i32
      %dma_start3A_2055 = arith.constant 7 : i32
      %dma_start3A_2056 = arith.constant 7 : i32
      %dma_start3A_2057 = arith.constant 0 : i32
      %dma_start3A_2058 = arith.constant 0 : i32
      %dma_start3A_2059 = tpu.memref_slice %arg6[%dma_start3A_2055, %dma_start3A_2057, %dma_start3A_2058] : memref<8x100x128xf32, #tpu.memory_space<vmem>> -> memref<1x100x128xf32, #tpu.memory_space<vmem>>
      %dma_start3A_2060 = tpu.memref_squeeze %dma_start3A_2059 : memref<1x100x128xf32, #tpu.memory_space<vmem>> -> memref<100x128xf32, #tpu.memory_space<vmem>>
      %dma_start3A_2061 = arith.constant 0 : i32
      %dma_start3A_2062 = tpu.memref_slice %arg5[%add3A_2054, %dma_start3A_2061] : memref<32x104xi32, #tpu.memory_space<vmem>> -> memref<1x100xi32, #tpu.memory_space<vmem>>
      %dma_start3A_2063 = tpu.memref_squeeze %dma_start3A_2062 : memref<1x100xi32, #tpu.memory_space<vmem>> -> memref<100xi32, #tpu.memory_space<vmem>>
      %dma_start3A_2064 = arith.constant 0 : i32
      %dma_start3A_2065 = arith.constant 0 : i32
      %dma_start3A_2066 = tpu.memref_slice %arg2[%dma_start3A_2064, %dma_start3A_2065] : memref<100000x128xf32, #tpu.memory_space<hbm>> -> memref<100000x128xf32, #tpu.memory_space<hbm>>
      %dma_start3A_2067 = tpu.memref_slice %arg7[%dma_start3A_2056] : memref<8x!tpu.dma_semaphore, #tpu.memory_space<semaphore_mem>> -> memref<1x!tpu.dma_semaphore, #tpu.memory_space<semaphore_mem>>
      %dma_start3A_2068 = tpu.memref_squeeze %dma_start3A_2067 : memref<1x!tpu.dma_semaphore, #tpu.memory_space<semaphore_mem>> -> memref<!tpu.dma_semaphore, #tpu.memory_space<semaphore_mem>>
      tpu.enqueue_indirect_dma source(%dma_start3A_2066 : memref<100000x128xf32, #tpu.memory_space<hbm>>) target(%dma_start3A_2060 : memref<100x128xf32, #tpu.memory_space<vmem>>) offsets(%dma_start3A_2063 : memref<100xi32, #tpu.memory_space<vmem>>) semaphore(%dma_start3A_2068 : memref<!tpu.dma_semaphore, #tpu.memory_space<semaphore_mem>>)
    }
    %scan3A_124 = arith.constant 3 : i32
    %dma_wait3A = arith.constant 24 : i32
    %dma_wait3A_125 = arith.constant 0 : i32
    %dma_wait3A_126 = arith.constant 0 : i32
    %dma_wait3A_127 = arith.constant 0 : i32
    %dma_wait3A_128 = arith.constant 0 : i32
    %dma_wait3A_129 = tpu.memref_slice %arg6[%dma_wait3A_125, %dma_wait3A_127, %dma_wait3A_128] : memref<8x100x128xf32, #tpu.memory_space<vmem>> -> memref<1x100x128xf32, #tpu.memory_space<vmem>>
    %dma_wait3A_130 = tpu.memref_squeeze %dma_wait3A_129 : memref<1x100x128xf32, #tpu.memory_space<vmem>> -> memref<100x128xf32, #tpu.memory_space<vmem>>
    %dma_wait3A_131 = arith.constant 0 : i32
    %dma_wait3A_132 = tpu.memref_slice %arg5[%dma_wait3A, %dma_wait3A_131] : memref<32x104xi32, #tpu.memory_space<vmem>> -> memref<1x100xi32, #tpu.memory_space<vmem>>
    %dma_wait3A_133 = tpu.memref_squeeze %dma_wait3A_132 : memref<1x100xi32, #tpu.memory_space<vmem>> -> memref<100xi32, #tpu.memory_space<vmem>>
    %dma_wait3A_134 = arith.constant 0 : i32
    %dma_wait3A_135 = arith.constant 0 : i32
    %dma_wait3A_136 = tpu.memref_slice %arg2[%dma_wait3A_134, %dma_wait3A_135] : memref<100000x128xf32, #tpu.memory_space<hbm>> -> memref<100000x128xf32, #tpu.memory_space<hbm>>
    %dma_wait3A_137 = tpu.memref_slice %arg7[%dma_wait3A_126] : memref<8x!tpu.dma_semaphore, #tpu.memory_space<semaphore_mem>> -> memref<1x!tpu.dma_semaphore, #tpu.memory_space<semaphore_mem>>
    %dma_wait3A_138 = tpu.memref_squeeze %dma_wait3A_137 : memref<1x!tpu.dma_semaphore, #tpu.memory_space<semaphore_mem>> -> memref<!tpu.dma_semaphore, #tpu.memory_space<semaphore_mem>>
    tpu.wait_indirect_dma semaphore(%dma_wait3A_138 : memref<!tpu.dma_semaphore, #tpu.memory_space<semaphore_mem>>) src(%dma_wait3A_136 : memref<100000x128xf32, #tpu.memory_space<hbm>>) dst(%dma_wait3A_130 : memref<100x128xf32, #tpu.memory_space<vmem>>)
    %mul3A_139 = arith.constant 64 : i32
    %mul3A_140 = arith.muli %add3A, %mul3A_139 : i32
    %add3A_141 = arith.constant 48 : i32
    %add3A_142 = arith.addi %mul3A_140, %add3A_141 : i32
    %add3A_143 = arith.constant 0 : i32
    %add3A_144 = arith.addi %add3A_142, %add3A_143 : i32
    %dma_start3A_145 = arith.constant 0 : i32
    %dma_start3A_146 = arith.constant 0 : i32
    %dma_start3A_147 = arith.constant 0 : i32
    %dma_start3A_148 = arith.constant 0 : i32
    %dma_start3A_149 = tpu.memref_slice %arg6[%dma_start3A_145, %dma_start3A_147, %dma_start3A_148] : memref<8x100x128xf32, #tpu.memory_space<vmem>> -> memref<1x50x128xf32, #tpu.memory_space<vmem>>
    %dma_start3A_150 = tpu.memref_squeeze %dma_start3A_149 : memref<1x50x128xf32, #tpu.memory_space<vmem>> -> memref<50x128xf32, #tpu.memory_space<vmem>>
    %dma_start3A_151 = arith.constant 0 : i32
    %dma_start3A_152 = arith.constant 0 : i32
    %dma_start3A_153 = tpu.memref_slice %arg4[%add3A_144, %dma_start3A_151, %dma_start3A_152] : memref<2048x50x128xf32, #tpu.memory_space<hbm>> -> memref<1x50x128xf32, #tpu.memory_space<hbm>>
    %dma_start3A_154 = tpu.memref_squeeze %dma_start3A_153 : memref<1x50x128xf32, #tpu.memory_space<hbm>> -> memref<50x128xf32, #tpu.memory_space<hbm>>
    %dma_start3A_155 = tpu.memref_slice %arg8[%dma_start3A_146] : memref<8x!tpu.dma_semaphore, #tpu.memory_space<semaphore_mem>> -> memref<1x!tpu.dma_semaphore, #tpu.memory_space<semaphore_mem>>
    %dma_start3A_156 = tpu.memref_squeeze %dma_start3A_155 : memref<1x!tpu.dma_semaphore, #tpu.memory_space<semaphore_mem>> -> memref<!tpu.dma_semaphore, #tpu.memory_space<semaphore_mem>>
    %dma_start3A_157 = arith.constant 0 : i32
    %dma_start3A_158 = arith.constant 0 : i32
    %dma_start3A_159 = tpu.memref_slice %arg4[%add3A_144, %dma_start3A_157, %dma_start3A_158] : memref<2048x50x128xf32, #tpu.memory_space<hbm>> -> memref<1x50x128xf32, #tpu.memory_space<hbm>>
    %dma_start3A_160 = tpu.memref_squeeze %dma_start3A_159 : memref<1x50x128xf32, #tpu.memory_space<hbm>> -> memref<50x128xf32, #tpu.memory_space<hbm>>
    %dma_start3A_161 = arith.constant 0 : i32
    %dma_start3A_162 = arith.constant 0 : i32
    %dma_start3A_163 = tpu.memref_slice %arg6[%dma_start3A_145, %dma_start3A_161, %dma_start3A_162] : memref<8x100x128xf32, #tpu.memory_space<vmem>> -> memref<1x50x128xf32, #tpu.memory_space<vmem>>
    %dma_start3A_164 = tpu.memref_squeeze %dma_start3A_163 : memref<1x50x128xf32, #tpu.memory_space<vmem>> -> memref<50x128xf32, #tpu.memory_space<vmem>>
    tpu.enqueue_dma source(%dma_start3A_164 : memref<50x128xf32, #tpu.memory_space<vmem>>) target(%dma_start3A_160 : memref<50x128xf32, #tpu.memory_space<hbm>>) target_semaphore(%dma_start3A_156 : memref<!tpu.dma_semaphore, #tpu.memory_space<semaphore_mem>>)
    %add3A_165 = arith.constant 1 : i32
    %add3A_166 = arith.addi %add3A_142, %add3A_165 : i32
    %dma_start3A_167 = arith.constant 0 : i32
    %dma_start3A_168 = arith.constant 0 : i32
    %dma_start3A_169 = arith.constant 50 : i32
    %dma_start3A_170 = arith.constant 0 : i32
    %dma_start3A_171 = tpu.memref_slice %arg6[%dma_start3A_167, %dma_start3A_169, %dma_start3A_170] : memref<8x100x128xf32, #tpu.memory_space<vmem>> -> memref<1x50x128xf32, #tpu.memory_space<vmem>>
    %dma_start3A_172 = tpu.memref_squeeze %dma_start3A_171 : memref<1x50x128xf32, #tpu.memory_space<vmem>> -> memref<50x128xf32, #tpu.memory_space<vmem>>
    %dma_start3A_173 = arith.constant 0 : i32
    %dma_start3A_174 = arith.constant 0 : i32
    %dma_start3A_175 = tpu.memref_slice %arg4[%add3A_166, %dma_start3A_173, %dma_start3A_174] : memref<2048x50x128xf32, #tpu.memory_space<hbm>> -> memref<1x50x128xf32, #tpu.memory_space<hbm>>
    %dma_start3A_176 = tpu.memref_squeeze %dma_start3A_175 : memref<1x50x128xf32, #tpu.memory_space<hbm>> -> memref<50x128xf32, #tpu.memory_space<hbm>>
    %dma_start3A_177 = tpu.memref_slice %arg8[%dma_start3A_168] : memref<8x!tpu.dma_semaphore, #tpu.memory_space<semaphore_mem>> -> memref<1x!tpu.dma_semaphore, #tpu.memory_space<semaphore_mem>>
    %dma_start3A_178 = tpu.memref_squeeze %dma_start3A_177 : memref<1x!tpu.dma_semaphore, #tpu.memory_space<semaphore_mem>> -> memref<!tpu.dma_semaphore, #tpu.memory_space<semaphore_mem>>
    %dma_start3A_179 = arith.constant 0 : i32
    %dma_start3A_180 = arith.constant 0 : i32
    %dma_start3A_181 = tpu.memref_slice %arg4[%add3A_166, %dma_start3A_179, %dma_start3A_180] : memref<2048x50x128xf32, #tpu.memory_space<hbm>> -> memref<1x50x128xf32, #tpu.memory_space<hbm>>
    %dma_start3A_182 = tpu.memref_squeeze %dma_start3A_181 : memref<1x50x128xf32, #tpu.memory_space<hbm>> -> memref<50x128xf32, #tpu.memory_space<hbm>>
    %dma_start3A_183 = arith.constant 50 : i32
    %dma_start3A_184 = arith.constant 0 : i32
    %dma_start3A_185 = tpu.memref_slice %arg6[%dma_start3A_167, %dma_start3A_183, %dma_start3A_184] : memref<8x100x128xf32, #tpu.memory_space<vmem>> -> memref<1x50x128xf32, #tpu.memory_space<vmem>>
    %dma_start3A_186 = tpu.memref_squeeze %dma_start3A_185 : memref<1x50x128xf32, #tpu.memory_space<vmem>> -> memref<50x128xf32, #tpu.memory_space<vmem>>
    tpu.enqueue_dma source(%dma_start3A_186 : memref<50x128xf32, #tpu.memory_space<vmem>>) target(%dma_start3A_182 : memref<50x128xf32, #tpu.memory_space<hbm>>) target_semaphore(%dma_start3A_178 : memref<!tpu.dma_semaphore, #tpu.memory_space<semaphore_mem>>)
    %dma_wait3A_187 = arith.constant 25 : i32
    %dma_wait3A_188 = arith.constant 1 : i32
    %dma_wait3A_189 = arith.constant 1 : i32
    %dma_wait3A_190 = arith.constant 0 : i32
    %dma_wait3A_191 = arith.constant 0 : i32
    %dma_wait3A_192 = tpu.memref_slice %arg6[%dma_wait3A_188, %dma_wait3A_190, %dma_wait3A_191] : memref<8x100x128xf32, #tpu.memory_space<vmem>> -> memref<1x100x128xf32, #tpu.memory_space<vmem>>
    %dma_wait3A_193 = tpu.memref_squeeze %dma_wait3A_192 : memref<1x100x128xf32, #tpu.memory_space<vmem>> -> memref<100x128xf32, #tpu.memory_space<vmem>>
    %dma_wait3A_194 = arith.constant 0 : i32
    %dma_wait3A_195 = tpu.memref_slice %arg5[%dma_wait3A_187, %dma_wait3A_194] : memref<32x104xi32, #tpu.memory_space<vmem>> -> memref<1x100xi32, #tpu.memory_space<vmem>>
    %dma_wait3A_196 = tpu.memref_squeeze %dma_wait3A_195 : memref<1x100xi32, #tpu.memory_space<vmem>> -> memref<100xi32, #tpu.memory_space<vmem>>
    %dma_wait3A_197 = arith.constant 0 : i32
    %dma_wait3A_198 = arith.constant 0 : i32
    %dma_wait3A_199 = tpu.memref_slice %arg2[%dma_wait3A_197, %dma_wait3A_198] : memref<100000x128xf32, #tpu.memory_space<hbm>> -> memref<100000x128xf32, #tpu.memory_space<hbm>>
    %dma_wait3A_200 = tpu.memref_slice %arg7[%dma_wait3A_189] : memref<8x!tpu.dma_semaphore, #tpu.memory_space<semaphore_mem>> -> memref<1x!tpu.dma_semaphore, #tpu.memory_space<semaphore_mem>>
    %dma_wait3A_201 = tpu.memref_squeeze %dma_wait3A_200 : memref<1x!tpu.dma_semaphore, #tpu.memory_space<semaphore_mem>> -> memref<!tpu.dma_semaphore, #tpu.memory_space<semaphore_mem>>
    tpu.wait_indirect_dma semaphore(%dma_wait3A_201 : memref<!tpu.dma_semaphore, #tpu.memory_space<semaphore_mem>>) src(%dma_wait3A_199 : memref<100000x128xf32, #tpu.memory_space<hbm>>) dst(%dma_wait3A_193 : memref<100x128xf32, #tpu.memory_space<vmem>>)
    %mul3A_202 = arith.constant 64 : i32
    %mul3A_203 = arith.muli %add3A, %mul3A_202 : i32
    %add3A_204 = arith.constant 50 : i32
    %add3A_205 = arith.addi %mul3A_203, %add3A_204 : i32
    %add3A_206 = arith.constant 0 : i32
    %add3A_207 = arith.addi %add3A_205, %add3A_206 : i32
    %dma_start3A_208 = arith.constant 1 : i32
    %dma_start3A_209 = arith.constant 1 : i32
    %dma_start3A_210 = arith.constant 0 : i32
    %dma_start3A_211 = arith.constant 0 : i32
    %dma_start3A_212 = tpu.memref_slice %arg6[%dma_start3A_208, %dma_start3A_210, %dma_start3A_211] : memref<8x100x128xf32, #tpu.memory_space<vmem>> -> memref<1x50x128xf32, #tpu.memory_space<vmem>>
    %dma_start3A_213 = tpu.memref_squeeze %dma_start3A_212 : memref<1x50x128xf32, #tpu.memory_space<vmem>> -> memref<50x128xf32, #tpu.memory_space<vmem>>
    %dma_start3A_214 = arith.constant 0 : i32
    %dma_start3A_215 = arith.constant 0 : i32
    %dma_start3A_216 = tpu.memref_slice %arg4[%add3A_207, %dma_start3A_214, %dma_start3A_215] : memref<2048x50x128xf32, #tpu.memory_space<hbm>> -> memref<1x50x128xf32, #tpu.memory_space<hbm>>
    %dma_start3A_217 = tpu.memref_squeeze %dma_start3A_216 : memref<1x50x128xf32, #tpu.memory_space<hbm>> -> memref<50x128xf32, #tpu.memory_space<hbm>>
    %dma_start3A_218 = tpu.memref_slice %arg8[%dma_start3A_209] : memref<8x!tpu.dma_semaphore, #tpu.memory_space<semaphore_mem>> -> memref<1x!tpu.dma_semaphore, #tpu.memory_space<semaphore_mem>>
    %dma_start3A_219 = tpu.memref_squeeze %dma_start3A_218 : memref<1x!tpu.dma_semaphore, #tpu.memory_space<semaphore_mem>> -> memref<!tpu.dma_semaphore, #tpu.memory_space<semaphore_mem>>
    %dma_start3A_220 = arith.constant 0 : i32
    %dma_start3A_221 = arith.constant 0 : i32
    %dma_start3A_222 = tpu.memref_slice %arg4[%add3A_207, %dma_start3A_220, %dma_start3A_221] : memref<2048x50x128xf32, #tpu.memory_space<hbm>> -> memref<1x50x128xf32, #tpu.memory_space<hbm>>
    %dma_start3A_223 = tpu.memref_squeeze %dma_start3A_222 : memref<1x50x128xf32, #tpu.memory_space<hbm>> -> memref<50x128xf32, #tpu.memory_space<hbm>>
    %dma_start3A_224 = arith.constant 0 : i32
    %dma_start3A_225 = arith.constant 0 : i32
    %dma_start3A_226 = tpu.memref_slice %arg6[%dma_start3A_208, %dma_start3A_224, %dma_start3A_225] : memref<8x100x128xf32, #tpu.memory_space<vmem>> -> memref<1x50x128xf32, #tpu.memory_space<vmem>>
    %dma_start3A_227 = tpu.memref_squeeze %dma_start3A_226 : memref<1x50x128xf32, #tpu.memory_space<vmem>> -> memref<50x128xf32, #tpu.memory_space<vmem>>
    tpu.enqueue_dma source(%dma_start3A_227 : memref<50x128xf32, #tpu.memory_space<vmem>>) target(%dma_start3A_223 : memref<50x128xf32, #tpu.memory_space<hbm>>) target_semaphore(%dma_start3A_219 : memref<!tpu.dma_semaphore, #tpu.memory_space<semaphore_mem>>)
    %add3A_228 = arith.constant 1 : i32
    %add3A_229 = arith.addi %add3A_205, %add3A_228 : i32
    %dma_start3A_230 = arith.constant 1 : i32
    %dma_start3A_231 = arith.constant 1 : i32
    %dma_start3A_232 = arith.constant 50 : i32
    %dma_start3A_233 = arith.constant 0 : i32
    %dma_start3A_234 = tpu.memref_slice %arg6[%dma_start3A_230, %dma_start3A_232, %dma_start3A_233] : memref<8x100x128xf32, #tpu.memory_space<vmem>> -> memref<1x50x128xf32, #tpu.memory_space<vmem>>
    %dma_start3A_235 = tpu.memref_squeeze %dma_start3A_234 : memref<1x50x128xf32, #tpu.memory_space<vmem>> -> memref<50x128xf32, #tpu.memory_space<vmem>>
    %dma_start3A_236 = arith.constant 0 : i32
    %dma_start3A_237 = arith.constant 0 : i32
    %dma_start3A_238 = tpu.memref_slice %arg4[%add3A_229, %dma_start3A_236, %dma_start3A_237] : memref<2048x50x128xf32, #tpu.memory_space<hbm>> -> memref<1x50x128xf32, #tpu.memory_space<hbm>>
    %dma_start3A_239 = tpu.memref_squeeze %dma_start3A_238 : memref<1x50x128xf32, #tpu.memory_space<hbm>> -> memref<50x128xf32, #tpu.memory_space<hbm>>
    %dma_start3A_240 = tpu.memref_slice %arg8[%dma_start3A_231] : memref<8x!tpu.dma_semaphore, #tpu.memory_space<semaphore_mem>> -> memref<1x!tpu.dma_semaphore, #tpu.memory_space<semaphore_mem>>
    %dma_start3A_241 = tpu.memref_squeeze %dma_start3A_240 : memref<1x!tpu.dma_semaphore, #tpu.memory_space<semaphore_mem>> -> memref<!tpu.dma_semaphore, #tpu.memory_space<semaphore_mem>>
    %dma_start3A_242 = arith.constant 0 : i32
    %dma_start3A_243 = arith.constant 0 : i32
    %dma_start3A_244 = tpu.memref_slice %arg4[%add3A_229, %dma_start3A_242, %dma_start3A_243] : memref<2048x50x128xf32, #tpu.memory_space<hbm>> -> memref<1x50x128xf32, #tpu.memory_space<hbm>>
    %dma_start3A_245 = tpu.memref_squeeze %dma_start3A_244 : memref<1x50x128xf32, #tpu.memory_space<hbm>> -> memref<50x128xf32, #tpu.memory_space<hbm>>
    %dma_start3A_246 = arith.constant 50 : i32
    %dma_start3A_247 = arith.constant 0 : i32
    %dma_start3A_248 = tpu.memref_slice %arg6[%dma_start3A_230, %dma_start3A_246, %dma_start3A_247] : memref<8x100x128xf32, #tpu.memory_space<vmem>> -> memref<1x50x128xf32, #tpu.memory_space<vmem>>
    %dma_start3A_249 = tpu.memref_squeeze %dma_start3A_248 : memref<1x50x128xf32, #tpu.memory_space<vmem>> -> memref<50x128xf32, #tpu.memory_space<vmem>>
    tpu.enqueue_dma source(%dma_start3A_249 : memref<50x128xf32, #tpu.memory_space<vmem>>) target(%dma_start3A_245 : memref<50x128xf32, #tpu.memory_space<hbm>>) target_semaphore(%dma_start3A_241 : memref<!tpu.dma_semaphore, #tpu.memory_space<semaphore_mem>>)
    %dma_wait3A_250 = arith.constant 26 : i32
    %dma_wait3A_251 = arith.constant 2 : i32
    %dma_wait3A_252 = arith.constant 2 : i32
    %dma_wait3A_253 = arith.constant 0 : i32
    %dma_wait3A_254 = arith.constant 0 : i32
    %dma_wait3A_255 = tpu.memref_slice %arg6[%dma_wait3A_251, %dma_wait3A_253, %dma_wait3A_254] : memref<8x100x128xf32, #tpu.memory_space<vmem>> -> memref<1x100x128xf32, #tpu.memory_space<vmem>>
    %dma_wait3A_256 = tpu.memref_squeeze %dma_wait3A_255 : memref<1x100x128xf32, #tpu.memory_space<vmem>> -> memref<100x128xf32, #tpu.memory_space<vmem>>
    %dma_wait3A_257 = arith.constant 0 : i32
    %dma_wait3A_258 = tpu.memref_slice %arg5[%dma_wait3A_250, %dma_wait3A_257] : memref<32x104xi32, #tpu.memory_space<vmem>> -> memref<1x100xi32, #tpu.memory_space<vmem>>
    %dma_wait3A_259 = tpu.memref_squeeze %dma_wait3A_258 : memref<1x100xi32, #tpu.memory_space<vmem>> -> memref<100xi32, #tpu.memory_space<vmem>>
    %dma_wait3A_260 = arith.constant 0 : i32
    %dma_wait3A_261 = arith.constant 0 : i32
    %dma_wait3A_262 = tpu.memref_slice %arg2[%dma_wait3A_260, %dma_wait3A_261] : memref<100000x128xf32, #tpu.memory_space<hbm>> -> memref<100000x128xf32, #tpu.memory_space<hbm>>
    %dma_wait3A_263 = tpu.memref_slice %arg7[%dma_wait3A_252] : memref<8x!tpu.dma_semaphore, #tpu.memory_space<semaphore_mem>> -> memref<1x!tpu.dma_semaphore, #tpu.memory_space<semaphore_mem>>
    %dma_wait3A_264 = tpu.memref_squeeze %dma_wait3A_263 : memref<1x!tpu.dma_semaphore, #tpu.memory_space<semaphore_mem>> -> memref<!tpu.dma_semaphore, #tpu.memory_space<semaphore_mem>>
    tpu.wait_indirect_dma semaphore(%dma_wait3A_264 : memref<!tpu.dma_semaphore, #tpu.memory_space<semaphore_mem>>) src(%dma_wait3A_262 : memref<100000x128xf32, #tpu.memory_space<hbm>>) dst(%dma_wait3A_256 : memref<100x128xf32, #tpu.memory_space<vmem>>)
    %mul3A_265 = arith.constant 64 : i32
    %mul3A_266 = arith.muli %add3A, %mul3A_265 : i32
    %add3A_267 = arith.constant 52 : i32
    %add3A_268 = arith.addi %mul3A_266, %add3A_267 : i32
    %add3A_269 = arith.constant 0 : i32
    %add3A_270 = arith.addi %add3A_268, %add3A_269 : i32
    %dma_start3A_271 = arith.constant 2 : i32
    %dma_start3A_272 = arith.constant 2 : i32
    %dma_start3A_273 = arith.constant 0 : i32
    %dma_start3A_274 = arith.constant 0 : i32
    %dma_start3A_275 = tpu.memref_slice %arg6[%dma_start3A_271, %dma_start3A_273, %dma_start3A_274] : memref<8x100x128xf32, #tpu.memory_space<vmem>> -> memref<1x50x128xf32, #tpu.memory_space<vmem>>
    %dma_start3A_276 = tpu.memref_squeeze %dma_start3A_275 : memref<1x50x128xf32, #tpu.memory_space<vmem>> -> memref<50x128xf32, #tpu.memory_space<vmem>>
    %dma_start3A_277 = arith.constant 0 : i32
    %dma_start3A_278 = arith.constant 0 : i32
    %dma_start3A_279 = tpu.memref_slice %arg4[%add3A_270, %dma_start3A_277, %dma_start3A_278] : memref<2048x50x128xf32, #tpu.memory_space<hbm>> -> memref<1x50x128xf32, #tpu.memory_space<hbm>>
    %dma_start3A_280 = tpu.memref_squeeze %dma_start3A_279 : memref<1x50x128xf32, #tpu.memory_space<hbm>> -> memref<50x128xf32, #tpu.memory_space<hbm>>
    %dma_start3A_281 = tpu.memref_slice %arg8[%dma_start3A_272] : memref<8x!tpu.dma_semaphore, #tpu.memory_space<semaphore_mem>> -> memref<1x!tpu.dma_semaphore, #tpu.memory_space<semaphore_mem>>
    %dma_start3A_282 = tpu.memref_squeeze %dma_start3A_281 : memref<1x!tpu.dma_semaphore, #tpu.memory_space<semaphore_mem>> -> memref<!tpu.dma_semaphore, #tpu.memory_space<semaphore_mem>>
    %dma_start3A_283 = arith.constant 0 : i32
    %dma_start3A_284 = arith.constant 0 : i32
    %dma_start3A_285 = tpu.memref_slice %arg4[%add3A_270, %dma_start3A_283, %dma_start3A_284] : memref<2048x50x128xf32, #tpu.memory_space<hbm>> -> memref<1x50x128xf32, #tpu.memory_space<hbm>>
    %dma_start3A_286 = tpu.memref_squeeze %dma_start3A_285 : memref<1x50x128xf32, #tpu.memory_space<hbm>> -> memref<50x128xf32, #tpu.memory_space<hbm>>
    %dma_start3A_287 = arith.constant 0 : i32
    %dma_start3A_288 = arith.constant 0 : i32
    %dma_start3A_289 = tpu.memref_slice %arg6[%dma_start3A_271, %dma_start3A_287, %dma_start3A_288] : memref<8x100x128xf32, #tpu.memory_space<vmem>> -> memref<1x50x128xf32, #tpu.memory_space<vmem>>
    %dma_start3A_290 = tpu.memref_squeeze %dma_start3A_289 : memref<1x50x128xf32, #tpu.memory_space<vmem>> -> memref<50x128xf32, #tpu.memory_space<vmem>>
    tpu.enqueue_dma source(%dma_start3A_290 : memref<50x128xf32, #tpu.memory_space<vmem>>) target(%dma_start3A_286 : memref<50x128xf32, #tpu.memory_space<hbm>>) target_semaphore(%dma_start3A_282 : memref<!tpu.dma_semaphore, #tpu.memory_space<semaphore_mem>>)
    %add3A_291 = arith.constant 1 : i32
    %add3A_292 = arith.addi %add3A_268, %add3A_291 : i32
    %dma_start3A_293 = arith.constant 2 : i32
    %dma_start3A_294 = arith.constant 2 : i32
    %dma_start3A_295 = arith.constant 50 : i32
    %dma_start3A_296 = arith.constant 0 : i32
    %dma_start3A_297 = tpu.memref_slice %arg6[%dma_start3A_293, %dma_start3A_295, %dma_start3A_296] : memref<8x100x128xf32, #tpu.memory_space<vmem>> -> memref<1x50x128xf32, #tpu.memory_space<vmem>>
    %dma_start3A_298 = tpu.memref_squeeze %dma_start3A_297 : memref<1x50x128xf32, #tpu.memory_space<vmem>> -> memref<50x128xf32, #tpu.memory_space<vmem>>
    %dma_start3A_299 = arith.constant 0 : i32
    %dma_start3A_300 = arith.constant 0 : i32
    %dma_start3A_301 = tpu.memref_slice %arg4[%add3A_292, %dma_start3A_299, %dma_start3A_300] : memref<2048x50x128xf32, #tpu.memory_space<hbm>> -> memref<1x50x128xf32, #tpu.memory_space<hbm>>
    %dma_start3A_302 = tpu.memref_squeeze %dma_start3A_301 : memref<1x50x128xf32, #tpu.memory_space<hbm>> -> memref<50x128xf32, #tpu.memory_space<hbm>>
    %dma_start3A_303 = tpu.memref_slice %arg8[%dma_start3A_294] : memref<8x!tpu.dma_semaphore, #tpu.memory_space<semaphore_mem>> -> memref<1x!tpu.dma_semaphore, #tpu.memory_space<semaphore_mem>>
    %dma_start3A_304 = tpu.memref_squeeze %dma_start3A_303 : memref<1x!tpu.dma_semaphore, #tpu.memory_space<semaphore_mem>> -> memref<!tpu.dma_semaphore, #tpu.memory_space<semaphore_mem>>
    %dma_start3A_305 = arith.constant 0 : i32
    %dma_start3A_306 = arith.constant 0 : i32
    %dma_start3A_307 = tpu.memref_slice %arg4[%add3A_292, %dma_start3A_305, %dma_start3A_306] : memref<2048x50x128xf32, #tpu.memory_space<hbm>> -> memref<1x50x128xf32, #tpu.memory_space<hbm>>
    %dma_start3A_308 = tpu.memref_squeeze %dma_start3A_307 : memref<1x50x128xf32, #tpu.memory_space<hbm>> -> memref<50x128xf32, #tpu.memory_space<hbm>>
    %dma_start3A_309 = arith.constant 50 : i32
    %dma_start3A_310 = arith.constant 0 : i32
    %dma_start3A_311 = tpu.memref_slice %arg6[%dma_start3A_293, %dma_start3A_309, %dma_start3A_310] : memref<8x100x128xf32, #tpu.memory_space<vmem>> -> memref<1x50x128xf32, #tpu.memory_space<vmem>>
    %dma_start3A_312 = tpu.memref_squeeze %dma_start3A_311 : memref<1x50x128xf32, #tpu.memory_space<vmem>> -> memref<50x128xf32, #tpu.memory_space<vmem>>
    tpu.enqueue_dma source(%dma_start3A_312 : memref<50x128xf32, #tpu.memory_space<vmem>>) target(%dma_start3A_308 : memref<50x128xf32, #tpu.memory_space<hbm>>) target_semaphore(%dma_start3A_304 : memref<!tpu.dma_semaphore, #tpu.memory_space<semaphore_mem>>)
    %dma_wait3A_313 = arith.constant 27 : i32
    %dma_wait3A_314 = arith.constant 3 : i32
    %dma_wait3A_315 = arith.constant 3 : i32
    %dma_wait3A_316 = arith.constant 0 : i32
    %dma_wait3A_317 = arith.constant 0 : i32
    %dma_wait3A_318 = tpu.memref_slice %arg6[%dma_wait3A_314, %dma_wait3A_316, %dma_wait3A_317] : memref<8x100x128xf32, #tpu.memory_space<vmem>> -> memref<1x100x128xf32, #tpu.memory_space<vmem>>
    %dma_wait3A_319 = tpu.memref_squeeze %dma_wait3A_318 : memref<1x100x128xf32, #tpu.memory_space<vmem>> -> memref<100x128xf32, #tpu.memory_space<vmem>>
    %dma_wait3A_320 = arith.constant 0 : i32
    %dma_wait3A_321 = tpu.memref_slice %arg5[%dma_wait3A_313, %dma_wait3A_320] : memref<32x104xi32, #tpu.memory_space<vmem>> -> memref<1x100xi32, #tpu.memory_space<vmem>>
    %dma_wait3A_322 = tpu.memref_squeeze %dma_wait3A_321 : memref<1x100xi32, #tpu.memory_space<vmem>> -> memref<100xi32, #tpu.memory_space<vmem>>
    %dma_wait3A_323 = arith.constant 0 : i32
    %dma_wait3A_324 = arith.constant 0 : i32
    %dma_wait3A_325 = tpu.memref_slice %arg2[%dma_wait3A_323, %dma_wait3A_324] : memref<100000x128xf32, #tpu.memory_space<hbm>> -> memref<100000x128xf32, #tpu.memory_space<hbm>>
    %dma_wait3A_326 = tpu.memref_slice %arg7[%dma_wait3A_315] : memref<8x!tpu.dma_semaphore, #tpu.memory_space<semaphore_mem>> -> memref<1x!tpu.dma_semaphore, #tpu.memory_space<semaphore_mem>>
    %dma_wait3A_327 = tpu.memref_squeeze %dma_wait3A_326 : memref<1x!tpu.dma_semaphore, #tpu.memory_space<semaphore_mem>> -> memref<!tpu.dma_semaphore, #tpu.memory_space<semaphore_mem>>
    tpu.wait_indirect_dma semaphore(%dma_wait3A_327 : memref<!tpu.dma_semaphore, #tpu.memory_space<semaphore_mem>>) src(%dma_wait3A_325 : memref<100000x128xf32, #tpu.memory_space<hbm>>) dst(%dma_wait3A_319 : memref<100x128xf32, #tpu.memory_space<vmem>>)
    %mul3A_328 = arith.constant 64 : i32
    %mul3A_329 = arith.muli %add3A, %mul3A_328 : i32
    %add3A_330 = arith.constant 54 : i32
    %add3A_331 = arith.addi %mul3A_329, %add3A_330 : i32
    %add3A_332 = arith.constant 0 : i32
    %add3A_333 = arith.addi %add3A_331, %add3A_332 : i32
    %dma_start3A_334 = arith.constant 3 : i32
    %dma_start3A_335 = arith.constant 3 : i32
    %dma_start3A_336 = arith.constant 0 : i32
    %dma_start3A_337 = arith.constant 0 : i32
    %dma_start3A_338 = tpu.memref_slice %arg6[%dma_start3A_334, %dma_start3A_336, %dma_start3A_337] : memref<8x100x128xf32, #tpu.memory_space<vmem>> -> memref<1x50x128xf32, #tpu.memory_space<vmem>>
    %dma_start3A_339 = tpu.memref_squeeze %dma_start3A_338 : memref<1x50x128xf32, #tpu.memory_space<vmem>> -> memref<50x128xf32, #tpu.memory_space<vmem>>
    %dma_start3A_340 = arith.constant 0 : i32
    %dma_start3A_341 = arith.constant 0 : i32
    %dma_start3A_342 = tpu.memref_slice %arg4[%add3A_333, %dma_start3A_340, %dma_start3A_341] : memref<2048x50x128xf32, #tpu.memory_space<hbm>> -> memref<1x50x128xf32, #tpu.memory_space<hbm>>
    %dma_start3A_343 = tpu.memref_squeeze %dma_start3A_342 : memref<1x50x128xf32, #tpu.memory_space<hbm>> -> memref<50x128xf32, #tpu.memory_space<hbm>>
    %dma_start3A_344 = tpu.memref_slice %arg8[%dma_start3A_335] : memref<8x!tpu.dma_semaphore, #tpu.memory_space<semaphore_mem>> -> memref<1x!tpu.dma_semaphore, #tpu.memory_space<semaphore_mem>>
    %dma_start3A_345 = tpu.memref_squeeze %dma_start3A_344 : memref<1x!tpu.dma_semaphore, #tpu.memory_space<semaphore_mem>> -> memref<!tpu.dma_semaphore, #tpu.memory_space<semaphore_mem>>
    %dma_start3A_346 = arith.constant 0 : i32
    %dma_start3A_347 = arith.constant 0 : i32
    %dma_start3A_348 = tpu.memref_slice %arg4[%add3A_333, %dma_start3A_346, %dma_start3A_347] : memref<2048x50x128xf32, #tpu.memory_space<hbm>> -> memref<1x50x128xf32, #tpu.memory_space<hbm>>
    %dma_start3A_349 = tpu.memref_squeeze %dma_start3A_348 : memref<1x50x128xf32, #tpu.memory_space<hbm>> -> memref<50x128xf32, #tpu.memory_space<hbm>>
    %dma_start3A_350 = arith.constant 0 : i32
    %dma_start3A_351 = arith.constant 0 : i32
    %dma_start3A_352 = tpu.memref_slice %arg6[%dma_start3A_334, %dma_start3A_350, %dma_start3A_351] : memref<8x100x128xf32, #tpu.memory_space<vmem>> -> memref<1x50x128xf32, #tpu.memory_space<vmem>>
    %dma_start3A_353 = tpu.memref_squeeze %dma_start3A_352 : memref<1x50x128xf32, #tpu.memory_space<vmem>> -> memref<50x128xf32, #tpu.memory_space<vmem>>
    tpu.enqueue_dma source(%dma_start3A_353 : memref<50x128xf32, #tpu.memory_space<vmem>>) target(%dma_start3A_349 : memref<50x128xf32, #tpu.memory_space<hbm>>) target_semaphore(%dma_start3A_345 : memref<!tpu.dma_semaphore, #tpu.memory_space<semaphore_mem>>)
    %add3A_354 = arith.constant 1 : i32
    %add3A_355 = arith.addi %add3A_331, %add3A_354 : i32
    %dma_start3A_356 = arith.constant 3 : i32
    %dma_start3A_357 = arith.constant 3 : i32
    %dma_start3A_358 = arith.constant 50 : i32
    %dma_start3A_359 = arith.constant 0 : i32
    %dma_start3A_360 = tpu.memref_slice %arg6[%dma_start3A_356, %dma_start3A_358, %dma_start3A_359] : memref<8x100x128xf32, #tpu.memory_space<vmem>> -> memref<1x50x128xf32, #tpu.memory_space<vmem>>
    %dma_start3A_361 = tpu.memref_squeeze %dma_start3A_360 : memref<1x50x128xf32, #tpu.memory_space<vmem>> -> memref<50x128xf32, #tpu.memory_space<vmem>>
    %dma_start3A_362 = arith.constant 0 : i32
    %dma_start3A_363 = arith.constant 0 : i32
    %dma_start3A_364 = tpu.memref_slice %arg4[%add3A_355, %dma_start3A_362, %dma_start3A_363] : memref<2048x50x128xf32, #tpu.memory_space<hbm>> -> memref<1x50x128xf32, #tpu.memory_space<hbm>>
    %dma_start3A_365 = tpu.memref_squeeze %dma_start3A_364 : memref<1x50x128xf32, #tpu.memory_space<hbm>> -> memref<50x128xf32, #tpu.memory_space<hbm>>
    %dma_start3A_366 = tpu.memref_slice %arg8[%dma_start3A_357] : memref<8x!tpu.dma_semaphore, #tpu.memory_space<semaphore_mem>> -> memref<1x!tpu.dma_semaphore, #tpu.memory_space<semaphore_mem>>
    %dma_start3A_367 = tpu.memref_squeeze %dma_start3A_366 : memref<1x!tpu.dma_semaphore, #tpu.memory_space<semaphore_mem>> -> memref<!tpu.dma_semaphore, #tpu.memory_space<semaphore_mem>>
    %dma_start3A_368 = arith.constant 0 : i32
    %dma_start3A_369 = arith.constant 0 : i32
    %dma_start3A_370 = tpu.memref_slice %arg4[%add3A_355, %dma_start3A_368, %dma_start3A_369] : memref<2048x50x128xf32, #tpu.memory_space<hbm>> -> memref<1x50x128xf32, #tpu.memory_space<hbm>>
    %dma_start3A_371 = tpu.memref_squeeze %dma_start3A_370 : memref<1x50x128xf32, #tpu.memory_space<hbm>> -> memref<50x128xf32, #tpu.memory_space<hbm>>
    %dma_start3A_372 = arith.constant 50 : i32
    %dma_start3A_373 = arith.constant 0 : i32
    %dma_start3A_374 = tpu.memref_slice %arg6[%dma_start3A_356, %dma_start3A_372, %dma_start3A_373] : memref<8x100x128xf32, #tpu.memory_space<vmem>> -> memref<1x50x128xf32, #tpu.memory_space<vmem>>
    %dma_start3A_375 = tpu.memref_squeeze %dma_start3A_374 : memref<1x50x128xf32, #tpu.memory_space<vmem>> -> memref<50x128xf32, #tpu.memory_space<vmem>>
    tpu.enqueue_dma source(%dma_start3A_375 : memref<50x128xf32, #tpu.memory_space<vmem>>) target(%dma_start3A_371 : memref<50x128xf32, #tpu.memory_space<hbm>>) target_semaphore(%dma_start3A_367 : memref<!tpu.dma_semaphore, #tpu.memory_space<semaphore_mem>>)
    %dma_wait3A_376 = arith.constant 28 : i32
    %dma_wait3A_377 = arith.constant 4 : i32
    %dma_wait3A_378 = arith.constant 4 : i32
    %dma_wait3A_379 = arith.constant 0 : i32
    %dma_wait3A_380 = arith.constant 0 : i32
    %dma_wait3A_381 = tpu.memref_slice %arg6[%dma_wait3A_377, %dma_wait3A_379, %dma_wait3A_380] : memref<8x100x128xf32, #tpu.memory_space<vmem>> -> memref<1x100x128xf32, #tpu.memory_space<vmem>>
    %dma_wait3A_382 = tpu.memref_squeeze %dma_wait3A_381 : memref<1x100x128xf32, #tpu.memory_space<vmem>> -> memref<100x128xf32, #tpu.memory_space<vmem>>
    %dma_wait3A_383 = arith.constant 0 : i32
    %dma_wait3A_384 = tpu.memref_slice %arg5[%dma_wait3A_376, %dma_wait3A_383] : memref<32x104xi32, #tpu.memory_space<vmem>> -> memref<1x100xi32, #tpu.memory_space<vmem>>
    %dma_wait3A_385 = tpu.memref_squeeze %dma_wait3A_384 : memref<1x100xi32, #tpu.memory_space<vmem>> -> memref<100xi32, #tpu.memory_space<vmem>>
    %dma_wait3A_386 = arith.constant 0 : i32
    %dma_wait3A_387 = arith.constant 0 : i32
    %dma_wait3A_388 = tpu.memref_slice %arg2[%dma_wait3A_386, %dma_wait3A_387] : memref<100000x128xf32, #tpu.memory_space<hbm>> -> memref<100000x128xf32, #tpu.memory_space<hbm>>
    %dma_wait3A_389 = tpu.memref_slice %arg7[%dma_wait3A_378] : memref<8x!tpu.dma_semaphore, #tpu.memory_space<semaphore_mem>> -> memref<1x!tpu.dma_semaphore, #tpu.memory_space<semaphore_mem>>
    %dma_wait3A_390 = tpu.memref_squeeze %dma_wait3A_389 : memref<1x!tpu.dma_semaphore, #tpu.memory_space<semaphore_mem>> -> memref<!tpu.dma_semaphore, #tpu.memory_space<semaphore_mem>>
    tpu.wait_indirect_dma semaphore(%dma_wait3A_390 : memref<!tpu.dma_semaphore, #tpu.memory_space<semaphore_mem>>) src(%dma_wait3A_388 : memref<100000x128xf32, #tpu.memory_space<hbm>>) dst(%dma_wait3A_382 : memref<100x128xf32, #tpu.memory_space<vmem>>)
    %mul3A_391 = arith.constant 64 : i32
    %mul3A_392 = arith.muli %add3A, %mul3A_391 : i32
    %add3A_393 = arith.constant 56 : i32
    %add3A_394 = arith.addi %mul3A_392, %add3A_393 : i32
    %add3A_395 = arith.constant 0 : i32
    %add3A_396 = arith.addi %add3A_394, %add3A_395 : i32
    %dma_start3A_397 = arith.constant 4 : i32
    %dma_start3A_398 = arith.constant 4 : i32
    %dma_start3A_399 = arith.constant 0 : i32
    %dma_start3A_400 = arith.constant 0 : i32
    %dma_start3A_401 = tpu.memref_slice %arg6[%dma_start3A_397, %dma_start3A_399, %dma_start3A_400] : memref<8x100x128xf32, #tpu.memory_space<vmem>> -> memref<1x50x128xf32, #tpu.memory_space<vmem>>
    %dma_start3A_402 = tpu.memref_squeeze %dma_start3A_401 : memref<1x50x128xf32, #tpu.memory_space<vmem>> -> memref<50x128xf32, #tpu.memory_space<vmem>>
    %dma_start3A_403 = arith.constant 0 : i32
    %dma_start3A_404 = arith.constant 0 : i32
    %dma_start3A_405 = tpu.memref_slice %arg4[%add3A_396, %dma_start3A_403, %dma_start3A_404] : memref<2048x50x128xf32, #tpu.memory_space<hbm>> -> memref<1x50x128xf32, #tpu.memory_space<hbm>>
    %dma_start3A_406 = tpu.memref_squeeze %dma_start3A_405 : memref<1x50x128xf32, #tpu.memory_space<hbm>> -> memref<50x128xf32, #tpu.memory_space<hbm>>
    %dma_start3A_407 = tpu.memref_slice %arg8[%dma_start3A_398] : memref<8x!tpu.dma_semaphore, #tpu.memory_space<semaphore_mem>> -> memref<1x!tpu.dma_semaphore, #tpu.memory_space<semaphore_mem>>
    %dma_start3A_408 = tpu.memref_squeeze %dma_start3A_407 : memref<1x!tpu.dma_semaphore, #tpu.memory_space<semaphore_mem>> -> memref<!tpu.dma_semaphore, #tpu.memory_space<semaphore_mem>>
    %dma_start3A_409 = arith.constant 0 : i32
    %dma_start3A_410 = arith.constant 0 : i32
    %dma_start3A_411 = tpu.memref_slice %arg4[%add3A_396, %dma_start3A_409, %dma_start3A_410] : memref<2048x50x128xf32, #tpu.memory_space<hbm>> -> memref<1x50x128xf32, #tpu.memory_space<hbm>>
    %dma_start3A_412 = tpu.memref_squeeze %dma_start3A_411 : memref<1x50x128xf32, #tpu.memory_space<hbm>> -> memref<50x128xf32, #tpu.memory_space<hbm>>
    %dma_start3A_413 = arith.constant 0 : i32
    %dma_start3A_414 = arith.constant 0 : i32
    %dma_start3A_415 = tpu.memref_slice %arg6[%dma_start3A_397, %dma_start3A_413, %dma_start3A_414] : memref<8x100x128xf32, #tpu.memory_space<vmem>> -> memref<1x50x128xf32, #tpu.memory_space<vmem>>
    %dma_start3A_416 = tpu.memref_squeeze %dma_start3A_415 : memref<1x50x128xf32, #tpu.memory_space<vmem>> -> memref<50x128xf32, #tpu.memory_space<vmem>>
    tpu.enqueue_dma source(%dma_start3A_416 : memref<50x128xf32, #tpu.memory_space<vmem>>) target(%dma_start3A_412 : memref<50x128xf32, #tpu.memory_space<hbm>>) target_semaphore(%dma_start3A_408 : memref<!tpu.dma_semaphore, #tpu.memory_space<semaphore_mem>>)
    %add3A_417 = arith.constant 1 : i32
    %add3A_418 = arith.addi %add3A_394, %add3A_417 : i32
    %dma_start3A_419 = arith.constant 4 : i32
    %dma_start3A_420 = arith.constant 4 : i32
    %dma_start3A_421 = arith.constant 50 : i32
    %dma_start3A_422 = arith.constant 0 : i32
    %dma_start3A_423 = tpu.memref_slice %arg6[%dma_start3A_419, %dma_start3A_421, %dma_start3A_422] : memref<8x100x128xf32, #tpu.memory_space<vmem>> -> memref<1x50x128xf32, #tpu.memory_space<vmem>>
    %dma_start3A_424 = tpu.memref_squeeze %dma_start3A_423 : memref<1x50x128xf32, #tpu.memory_space<vmem>> -> memref<50x128xf32, #tpu.memory_space<vmem>>
    %dma_start3A_425 = arith.constant 0 : i32
    %dma_start3A_426 = arith.constant 0 : i32
    %dma_start3A_427 = tpu.memref_slice %arg4[%add3A_418, %dma_start3A_425, %dma_start3A_426] : memref<2048x50x128xf32, #tpu.memory_space<hbm>> -> memref<1x50x128xf32, #tpu.memory_space<hbm>>
    %dma_start3A_428 = tpu.memref_squeeze %dma_start3A_427 : memref<1x50x128xf32, #tpu.memory_space<hbm>> -> memref<50x128xf32, #tpu.memory_space<hbm>>
    %dma_start3A_429 = tpu.memref_slice %arg8[%dma_start3A_420] : memref<8x!tpu.dma_semaphore, #tpu.memory_space<semaphore_mem>> -> memref<1x!tpu.dma_semaphore, #tpu.memory_space<semaphore_mem>>
    %dma_start3A_430 = tpu.memref_squeeze %dma_start3A_429 : memref<1x!tpu.dma_semaphore, #tpu.memory_space<semaphore_mem>> -> memref<!tpu.dma_semaphore, #tpu.memory_space<semaphore_mem>>
    %dma_start3A_431 = arith.constant 0 : i32
    %dma_start3A_432 = arith.constant 0 : i32
    %dma_start3A_433 = tpu.memref_slice %arg4[%add3A_418, %dma_start3A_431, %dma_start3A_432] : memref<2048x50x128xf32, #tpu.memory_space<hbm>> -> memref<1x50x128xf32, #tpu.memory_space<hbm>>
    %dma_start3A_434 = tpu.memref_squeeze %dma_start3A_433 : memref<1x50x128xf32, #tpu.memory_space<hbm>> -> memref<50x128xf32, #tpu.memory_space<hbm>>
    %dma_start3A_435 = arith.constant 50 : i32
    %dma_start3A_436 = arith.constant 0 : i32
    %dma_start3A_437 = tpu.memref_slice %arg6[%dma_start3A_419, %dma_start3A_435, %dma_start3A_436] : memref<8x100x128xf32, #tpu.memory_space<vmem>> -> memref<1x50x128xf32, #tpu.memory_space<vmem>>
    %dma_start3A_438 = tpu.memref_squeeze %dma_start3A_437 : memref<1x50x128xf32, #tpu.memory_space<vmem>> -> memref<50x128xf32, #tpu.memory_space<vmem>>
    tpu.enqueue_dma source(%dma_start3A_438 : memref<50x128xf32, #tpu.memory_space<vmem>>) target(%dma_start3A_434 : memref<50x128xf32, #tpu.memory_space<hbm>>) target_semaphore(%dma_start3A_430 : memref<!tpu.dma_semaphore, #tpu.memory_space<semaphore_mem>>)
    %dma_wait3A_439 = arith.constant 29 : i32
    %dma_wait3A_440 = arith.constant 5 : i32
    %dma_wait3A_441 = arith.constant 5 : i32
    %dma_wait3A_442 = arith.constant 0 : i32
    %dma_wait3A_443 = arith.constant 0 : i32
    %dma_wait3A_444 = tpu.memref_slice %arg6[%dma_wait3A_440, %dma_wait3A_442, %dma_wait3A_443] : memref<8x100x128xf32, #tpu.memory_space<vmem>> -> memref<1x100x128xf32, #tpu.memory_space<vmem>>
    %dma_wait3A_445 = tpu.memref_squeeze %dma_wait3A_444 : memref<1x100x128xf32, #tpu.memory_space<vmem>> -> memref<100x128xf32, #tpu.memory_space<vmem>>
    %dma_wait3A_446 = arith.constant 0 : i32
    %dma_wait3A_447 = tpu.memref_slice %arg5[%dma_wait3A_439, %dma_wait3A_446] : memref<32x104xi32, #tpu.memory_space<vmem>> -> memref<1x100xi32, #tpu.memory_space<vmem>>
    %dma_wait3A_448 = tpu.memref_squeeze %dma_wait3A_447 : memref<1x100xi32, #tpu.memory_space<vmem>> -> memref<100xi32, #tpu.memory_space<vmem>>
    %dma_wait3A_449 = arith.constant 0 : i32
    %dma_wait3A_450 = arith.constant 0 : i32
    %dma_wait3A_451 = tpu.memref_slice %arg2[%dma_wait3A_449, %dma_wait3A_450] : memref<100000x128xf32, #tpu.memory_space<hbm>> -> memref<100000x128xf32, #tpu.memory_space<hbm>>
    %dma_wait3A_452 = tpu.memref_slice %arg7[%dma_wait3A_441] : memref<8x!tpu.dma_semaphore, #tpu.memory_space<semaphore_mem>> -> memref<1x!tpu.dma_semaphore, #tpu.memory_space<semaphore_mem>>
    %dma_wait3A_453 = tpu.memref_squeeze %dma_wait3A_452 : memref<1x!tpu.dma_semaphore, #tpu.memory_space<semaphore_mem>> -> memref<!tpu.dma_semaphore, #tpu.memory_space<semaphore_mem>>
    tpu.wait_indirect_dma semaphore(%dma_wait3A_453 : memref<!tpu.dma_semaphore, #tpu.memory_space<semaphore_mem>>) src(%dma_wait3A_451 : memref<100000x128xf32, #tpu.memory_space<hbm>>) dst(%dma_wait3A_445 : memref<100x128xf32, #tpu.memory_space<vmem>>)
    %mul3A_454 = arith.constant 64 : i32
    %mul3A_455 = arith.muli %add3A, %mul3A_454 : i32
    %add3A_456 = arith.constant 58 : i32
    %add3A_457 = arith.addi %mul3A_455, %add3A_456 : i32
    %add3A_458 = arith.constant 0 : i32
    %add3A_459 = arith.addi %add3A_457, %add3A_458 : i32
    %dma_start3A_460 = arith.constant 5 : i32
    %dma_start3A_461 = arith.constant 5 : i32
    %dma_start3A_462 = arith.constant 0 : i32
    %dma_start3A_463 = arith.constant 0 : i32
    %dma_start3A_464 = tpu.memref_slice %arg6[%dma_start3A_460, %dma_start3A_462, %dma_start3A_463] : memref<8x100x128xf32, #tpu.memory_space<vmem>> -> memref<1x50x128xf32, #tpu.memory_space<vmem>>
    %dma_start3A_465 = tpu.memref_squeeze %dma_start3A_464 : memref<1x50x128xf32, #tpu.memory_space<vmem>> -> memref<50x128xf32, #tpu.memory_space<vmem>>
    %dma_start3A_466 = arith.constant 0 : i32
    %dma_start3A_467 = arith.constant 0 : i32
    %dma_start3A_468 = tpu.memref_slice %arg4[%add3A_459, %dma_start3A_466, %dma_start3A_467] : memref<2048x50x128xf32, #tpu.memory_space<hbm>> -> memref<1x50x128xf32, #tpu.memory_space<hbm>>
    %dma_start3A_469 = tpu.memref_squeeze %dma_start3A_468 : memref<1x50x128xf32, #tpu.memory_space<hbm>> -> memref<50x128xf32, #tpu.memory_space<hbm>>
    %dma_start3A_470 = tpu.memref_slice %arg8[%dma_start3A_461] : memref<8x!tpu.dma_semaphore, #tpu.memory_space<semaphore_mem>> -> memref<1x!tpu.dma_semaphore, #tpu.memory_space<semaphore_mem>>
    %dma_start3A_471 = tpu.memref_squeeze %dma_start3A_470 : memref<1x!tpu.dma_semaphore, #tpu.memory_space<semaphore_mem>> -> memref<!tpu.dma_semaphore, #tpu.memory_space<semaphore_mem>>
    %dma_start3A_472 = arith.constant 0 : i32
    %dma_start3A_473 = arith.constant 0 : i32
    %dma_start3A_474 = tpu.memref_slice %arg4[%add3A_459, %dma_start3A_472, %dma_start3A_473] : memref<2048x50x128xf32, #tpu.memory_space<hbm>> -> memref<1x50x128xf32, #tpu.memory_space<hbm>>
    %dma_start3A_475 = tpu.memref_squeeze %dma_start3A_474 : memref<1x50x128xf32, #tpu.memory_space<hbm>> -> memref<50x128xf32, #tpu.memory_space<hbm>>
    %dma_start3A_476 = arith.constant 0 : i32
    %dma_start3A_477 = arith.constant 0 : i32
    %dma_start3A_478 = tpu.memref_slice %arg6[%dma_start3A_460, %dma_start3A_476, %dma_start3A_477] : memref<8x100x128xf32, #tpu.memory_space<vmem>> -> memref<1x50x128xf32, #tpu.memory_space<vmem>>
    %dma_start3A_479 = tpu.memref_squeeze %dma_start3A_478 : memref<1x50x128xf32, #tpu.memory_space<vmem>> -> memref<50x128xf32, #tpu.memory_space<vmem>>
    tpu.enqueue_dma source(%dma_start3A_479 : memref<50x128xf32, #tpu.memory_space<vmem>>) target(%dma_start3A_475 : memref<50x128xf32, #tpu.memory_space<hbm>>) target_semaphore(%dma_start3A_471 : memref<!tpu.dma_semaphore, #tpu.memory_space<semaphore_mem>>)
    %add3A_480 = arith.constant 1 : i32
    %add3A_481 = arith.addi %add3A_457, %add3A_480 : i32
    %dma_start3A_482 = arith.constant 5 : i32
    %dma_start3A_483 = arith.constant 5 : i32
    %dma_start3A_484 = arith.constant 50 : i32
    %dma_start3A_485 = arith.constant 0 : i32
    %dma_start3A_486 = tpu.memref_slice %arg6[%dma_start3A_482, %dma_start3A_484, %dma_start3A_485] : memref<8x100x128xf32, #tpu.memory_space<vmem>> -> memref<1x50x128xf32, #tpu.memory_space<vmem>>
    %dma_start3A_487 = tpu.memref_squeeze %dma_start3A_486 : memref<1x50x128xf32, #tpu.memory_space<vmem>> -> memref<50x128xf32, #tpu.memory_space<vmem>>
    %dma_start3A_488 = arith.constant 0 : i32
    %dma_start3A_489 = arith.constant 0 : i32
    %dma_start3A_490 = tpu.memref_slice %arg4[%add3A_481, %dma_start3A_488, %dma_start3A_489] : memref<2048x50x128xf32, #tpu.memory_space<hbm>> -> memref<1x50x128xf32, #tpu.memory_space<hbm>>
    %dma_start3A_491 = tpu.memref_squeeze %dma_start3A_490 : memref<1x50x128xf32, #tpu.memory_space<hbm>> -> memref<50x128xf32, #tpu.memory_space<hbm>>
    %dma_start3A_492 = tpu.memref_slice %arg8[%dma_start3A_483] : memref<8x!tpu.dma_semaphore, #tpu.memory_space<semaphore_mem>> -> memref<1x!tpu.dma_semaphore, #tpu.memory_space<semaphore_mem>>
    %dma_start3A_493 = tpu.memref_squeeze %dma_start3A_492 : memref<1x!tpu.dma_semaphore, #tpu.memory_space<semaphore_mem>> -> memref<!tpu.dma_semaphore, #tpu.memory_space<semaphore_mem>>
    %dma_start3A_494 = arith.constant 0 : i32
    %dma_start3A_495 = arith.constant 0 : i32
    %dma_start3A_496 = tpu.memref_slice %arg4[%add3A_481, %dma_start3A_494, %dma_start3A_495] : memref<2048x50x128xf32, #tpu.memory_space<hbm>> -> memref<1x50x128xf32, #tpu.memory_space<hbm>>
    %dma_start3A_497 = tpu.memref_squeeze %dma_start3A_496 : memref<1x50x128xf32, #tpu.memory_space<hbm>> -> memref<50x128xf32, #tpu.memory_space<hbm>>
    %dma_start3A_498 = arith.constant 50 : i32
    %dma_start3A_499 = arith.constant 0 : i32
    %dma_start3A_500 = tpu.memref_slice %arg6[%dma_start3A_482, %dma_start3A_498, %dma_start3A_499] : memref<8x100x128xf32, #tpu.memory_space<vmem>> -> memref<1x50x128xf32, #tpu.memory_space<vmem>>
    %dma_start3A_501 = tpu.memref_squeeze %dma_start3A_500 : memref<1x50x128xf32, #tpu.memory_space<vmem>> -> memref<50x128xf32, #tpu.memory_space<vmem>>
    tpu.enqueue_dma source(%dma_start3A_501 : memref<50x128xf32, #tpu.memory_space<vmem>>) target(%dma_start3A_497 : memref<50x128xf32, #tpu.memory_space<hbm>>) target_semaphore(%dma_start3A_493 : memref<!tpu.dma_semaphore, #tpu.memory_space<semaphore_mem>>)
    %dma_wait3A_502 = arith.constant 30 : i32
    %dma_wait3A_503 = arith.constant 6 : i32
    %dma_wait3A_504 = arith.constant 6 : i32
    %dma_wait3A_505 = arith.constant 0 : i32
    %dma_wait3A_506 = arith.constant 0 : i32
    %dma_wait3A_507 = tpu.memref_slice %arg6[%dma_wait3A_503, %dma_wait3A_505, %dma_wait3A_506] : memref<8x100x128xf32, #tpu.memory_space<vmem>> -> memref<1x100x128xf32, #tpu.memory_space<vmem>>
    %dma_wait3A_508 = tpu.memref_squeeze %dma_wait3A_507 : memref<1x100x128xf32, #tpu.memory_space<vmem>> -> memref<100x128xf32, #tpu.memory_space<vmem>>
    %dma_wait3A_509 = arith.constant 0 : i32
    %dma_wait3A_510 = tpu.memref_slice %arg5[%dma_wait3A_502, %dma_wait3A_509] : memref<32x104xi32, #tpu.memory_space<vmem>> -> memref<1x100xi32, #tpu.memory_space<vmem>>
    %dma_wait3A_511 = tpu.memref_squeeze %dma_wait3A_510 : memref<1x100xi32, #tpu.memory_space<vmem>> -> memref<100xi32, #tpu.memory_space<vmem>>
    %dma_wait3A_512 = arith.constant 0 : i32
    %dma_wait3A_513 = arith.constant 0 : i32
    %dma_wait3A_514 = tpu.memref_slice %arg2[%dma_wait3A_512, %dma_wait3A_513] : memref<100000x128xf32, #tpu.memory_space<hbm>> -> memref<100000x128xf32, #tpu.memory_space<hbm>>
    %dma_wait3A_515 = tpu.memref_slice %arg7[%dma_wait3A_504] : memref<8x!tpu.dma_semaphore, #tpu.memory_space<semaphore_mem>> -> memref<1x!tpu.dma_semaphore, #tpu.memory_space<semaphore_mem>>
    %dma_wait3A_516 = tpu.memref_squeeze %dma_wait3A_515 : memref<1x!tpu.dma_semaphore, #tpu.memory_space<semaphore_mem>> -> memref<!tpu.dma_semaphore, #tpu.memory_space<semaphore_mem>>
    tpu.wait_indirect_dma semaphore(%dma_wait3A_516 : memref<!tpu.dma_semaphore, #tpu.memory_space<semaphore_mem>>) src(%dma_wait3A_514 : memref<100000x128xf32, #tpu.memory_space<hbm>>) dst(%dma_wait3A_508 : memref<100x128xf32, #tpu.memory_space<vmem>>)
    %mul3A_517 = arith.constant 64 : i32
    %mul3A_518 = arith.muli %add3A, %mul3A_517 : i32
    %add3A_519 = arith.constant 60 : i32
    %add3A_520 = arith.addi %mul3A_518, %add3A_519 : i32
    %add3A_521 = arith.constant 0 : i32
    %add3A_522 = arith.addi %add3A_520, %add3A_521 : i32
    %dma_start3A_523 = arith.constant 6 : i32
    %dma_start3A_524 = arith.constant 6 : i32
    %dma_start3A_525 = arith.constant 0 : i32
    %dma_start3A_526 = arith.constant 0 : i32
    %dma_start3A_527 = tpu.memref_slice %arg6[%dma_start3A_523, %dma_start3A_525, %dma_start3A_526] : memref<8x100x128xf32, #tpu.memory_space<vmem>> -> memref<1x50x128xf32, #tpu.memory_space<vmem>>
    %dma_start3A_528 = tpu.memref_squeeze %dma_start3A_527 : memref<1x50x128xf32, #tpu.memory_space<vmem>> -> memref<50x128xf32, #tpu.memory_space<vmem>>
    %dma_start3A_529 = arith.constant 0 : i32
    %dma_start3A_530 = arith.constant 0 : i32
    %dma_start3A_531 = tpu.memref_slice %arg4[%add3A_522, %dma_start3A_529, %dma_start3A_530] : memref<2048x50x128xf32, #tpu.memory_space<hbm>> -> memref<1x50x128xf32, #tpu.memory_space<hbm>>
    %dma_start3A_532 = tpu.memref_squeeze %dma_start3A_531 : memref<1x50x128xf32, #tpu.memory_space<hbm>> -> memref<50x128xf32, #tpu.memory_space<hbm>>
    %dma_start3A_533 = tpu.memref_slice %arg8[%dma_start3A_524] : memref<8x!tpu.dma_semaphore, #tpu.memory_space<semaphore_mem>> -> memref<1x!tpu.dma_semaphore, #tpu.memory_space<semaphore_mem>>
    %dma_start3A_534 = tpu.memref_squeeze %dma_start3A_533 : memref<1x!tpu.dma_semaphore, #tpu.memory_space<semaphore_mem>> -> memref<!tpu.dma_semaphore, #tpu.memory_space<semaphore_mem>>
    %dma_start3A_535 = arith.constant 0 : i32
    %dma_start3A_536 = arith.constant 0 : i32
    %dma_start3A_537 = tpu.memref_slice %arg4[%add3A_522, %dma_start3A_535, %dma_start3A_536] : memref<2048x50x128xf32, #tpu.memory_space<hbm>> -> memref<1x50x128xf32, #tpu.memory_space<hbm>>
    %dma_start3A_538 = tpu.memref_squeeze %dma_start3A_537 : memref<1x50x128xf32, #tpu.memory_space<hbm>> -> memref<50x128xf32, #tpu.memory_space<hbm>>
    %dma_start3A_539 = arith.constant 0 : i32
    %dma_start3A_540 = arith.constant 0 : i32
    %dma_start3A_541 = tpu.memref_slice %arg6[%dma_start3A_523, %dma_start3A_539, %dma_start3A_540] : memref<8x100x128xf32, #tpu.memory_space<vmem>> -> memref<1x50x128xf32, #tpu.memory_space<vmem>>
    %dma_start3A_542 = tpu.memref_squeeze %dma_start3A_541 : memref<1x50x128xf32, #tpu.memory_space<vmem>> -> memref<50x128xf32, #tpu.memory_space<vmem>>
    tpu.enqueue_dma source(%dma_start3A_542 : memref<50x128xf32, #tpu.memory_space<vmem>>) target(%dma_start3A_538 : memref<50x128xf32, #tpu.memory_space<hbm>>) target_semaphore(%dma_start3A_534 : memref<!tpu.dma_semaphore, #tpu.memory_space<semaphore_mem>>)
    %add3A_543 = arith.constant 1 : i32
    %add3A_544 = arith.addi %add3A_520, %add3A_543 : i32
    %dma_start3A_545 = arith.constant 6 : i32
    %dma_start3A_546 = arith.constant 6 : i32
    %dma_start3A_547 = arith.constant 50 : i32
    %dma_start3A_548 = arith.constant 0 : i32
    %dma_start3A_549 = tpu.memref_slice %arg6[%dma_start3A_545, %dma_start3A_547, %dma_start3A_548] : memref<8x100x128xf32, #tpu.memory_space<vmem>> -> memref<1x50x128xf32, #tpu.memory_space<vmem>>
    %dma_start3A_550 = tpu.memref_squeeze %dma_start3A_549 : memref<1x50x128xf32, #tpu.memory_space<vmem>> -> memref<50x128xf32, #tpu.memory_space<vmem>>
    %dma_start3A_551 = arith.constant 0 : i32
    %dma_start3A_552 = arith.constant 0 : i32
    %dma_start3A_553 = tpu.memref_slice %arg4[%add3A_544, %dma_start3A_551, %dma_start3A_552] : memref<2048x50x128xf32, #tpu.memory_space<hbm>> -> memref<1x50x128xf32, #tpu.memory_space<hbm>>
    %dma_start3A_554 = tpu.memref_squeeze %dma_start3A_553 : memref<1x50x128xf32, #tpu.memory_space<hbm>> -> memref<50x128xf32, #tpu.memory_space<hbm>>
    %dma_start3A_555 = tpu.memref_slice %arg8[%dma_start3A_546] : memref<8x!tpu.dma_semaphore, #tpu.memory_space<semaphore_mem>> -> memref<1x!tpu.dma_semaphore, #tpu.memory_space<semaphore_mem>>
    %dma_start3A_556 = tpu.memref_squeeze %dma_start3A_555 : memref<1x!tpu.dma_semaphore, #tpu.memory_space<semaphore_mem>> -> memref<!tpu.dma_semaphore, #tpu.memory_space<semaphore_mem>>
    %dma_start3A_557 = arith.constant 0 : i32
    %dma_start3A_558 = arith.constant 0 : i32
    %dma_start3A_559 = tpu.memref_slice %arg4[%add3A_544, %dma_start3A_557, %dma_start3A_558] : memref<2048x50x128xf32, #tpu.memory_space<hbm>> -> memref<1x50x128xf32, #tpu.memory_space<hbm>>
    %dma_start3A_560 = tpu.memref_squeeze %dma_start3A_559 : memref<1x50x128xf32, #tpu.memory_space<hbm>> -> memref<50x128xf32, #tpu.memory_space<hbm>>
    %dma_start3A_561 = arith.constant 50 : i32
    %dma_start3A_562 = arith.constant 0 : i32
    %dma_start3A_563 = tpu.memref_slice %arg6[%dma_start3A_545, %dma_start3A_561, %dma_start3A_562] : memref<8x100x128xf32, #tpu.memory_space<vmem>> -> memref<1x50x128xf32, #tpu.memory_space<vmem>>
    %dma_start3A_564 = tpu.memref_squeeze %dma_start3A_563 : memref<1x50x128xf32, #tpu.memory_space<vmem>> -> memref<50x128xf32, #tpu.memory_space<vmem>>
    tpu.enqueue_dma source(%dma_start3A_564 : memref<50x128xf32, #tpu.memory_space<vmem>>) target(%dma_start3A_560 : memref<50x128xf32, #tpu.memory_space<hbm>>) target_semaphore(%dma_start3A_556 : memref<!tpu.dma_semaphore, #tpu.memory_space<semaphore_mem>>)
    %dma_wait3A_565 = arith.constant 31 : i32
    %dma_wait3A_566 = arith.constant 7 : i32
    %dma_wait3A_567 = arith.constant 7 : i32
    %dma_wait3A_568 = arith.constant 0 : i32
    %dma_wait3A_569 = arith.constant 0 : i32
    %dma_wait3A_570 = tpu.memref_slice %arg6[%dma_wait3A_566, %dma_wait3A_568, %dma_wait3A_569] : memref<8x100x128xf32, #tpu.memory_space<vmem>> -> memref<1x100x128xf32, #tpu.memory_space<vmem>>
    %dma_wait3A_571 = tpu.memref_squeeze %dma_wait3A_570 : memref<1x100x128xf32, #tpu.memory_space<vmem>> -> memref<100x128xf32, #tpu.memory_space<vmem>>
    %dma_wait3A_572 = arith.constant 0 : i32
    %dma_wait3A_573 = tpu.memref_slice %arg5[%dma_wait3A_565, %dma_wait3A_572] : memref<32x104xi32, #tpu.memory_space<vmem>> -> memref<1x100xi32, #tpu.memory_space<vmem>>
    %dma_wait3A_574 = tpu.memref_squeeze %dma_wait3A_573 : memref<1x100xi32, #tpu.memory_space<vmem>> -> memref<100xi32, #tpu.memory_space<vmem>>
    %dma_wait3A_575 = arith.constant 0 : i32
    %dma_wait3A_576 = arith.constant 0 : i32
    %dma_wait3A_577 = tpu.memref_slice %arg2[%dma_wait3A_575, %dma_wait3A_576] : memref<100000x128xf32, #tpu.memory_space<hbm>> -> memref<100000x128xf32, #tpu.memory_space<hbm>>
    %dma_wait3A_578 = tpu.memref_slice %arg7[%dma_wait3A_567] : memref<8x!tpu.dma_semaphore, #tpu.memory_space<semaphore_mem>> -> memref<1x!tpu.dma_semaphore, #tpu.memory_space<semaphore_mem>>
    %dma_wait3A_579 = tpu.memref_squeeze %dma_wait3A_578 : memref<1x!tpu.dma_semaphore, #tpu.memory_space<semaphore_mem>> -> memref<!tpu.dma_semaphore, #tpu.memory_space<semaphore_mem>>
    tpu.wait_indirect_dma semaphore(%dma_wait3A_579 : memref<!tpu.dma_semaphore, #tpu.memory_space<semaphore_mem>>) src(%dma_wait3A_577 : memref<100000x128xf32, #tpu.memory_space<hbm>>) dst(%dma_wait3A_571 : memref<100x128xf32, #tpu.memory_space<vmem>>)
    %mul3A_580 = arith.constant 64 : i32
    %mul3A_581 = arith.muli %add3A, %mul3A_580 : i32
    %add3A_582 = arith.constant 62 : i32
    %add3A_583 = arith.addi %mul3A_581, %add3A_582 : i32
    %add3A_584 = arith.constant 0 : i32
    %add3A_585 = arith.addi %add3A_583, %add3A_584 : i32
    %dma_start3A_586 = arith.constant 7 : i32
    %dma_start3A_587 = arith.constant 7 : i32
    %dma_start3A_588 = arith.constant 0 : i32
    %dma_start3A_589 = arith.constant 0 : i32
    %dma_start3A_590 = tpu.memref_slice %arg6[%dma_start3A_586, %dma_start3A_588, %dma_start3A_589] : memref<8x100x128xf32, #tpu.memory_space<vmem>> -> memref<1x50x128xf32, #tpu.memory_space<vmem>>
    %dma_start3A_591 = tpu.memref_squeeze %dma_start3A_590 : memref<1x50x128xf32, #tpu.memory_space<vmem>> -> memref<50x128xf32, #tpu.memory_space<vmem>>
    %dma_start3A_592 = arith.constant 0 : i32
    %dma_start3A_593 = arith.constant 0 : i32
    %dma_start3A_594 = tpu.memref_slice %arg4[%add3A_585, %dma_start3A_592, %dma_start3A_593] : memref<2048x50x128xf32, #tpu.memory_space<hbm>> -> memref<1x50x128xf32, #tpu.memory_space<hbm>>
    %dma_start3A_595 = tpu.memref_squeeze %dma_start3A_594 : memref<1x50x128xf32, #tpu.memory_space<hbm>> -> memref<50x128xf32, #tpu.memory_space<hbm>>
    %dma_start3A_596 = tpu.memref_slice %arg8[%dma_start3A_587] : memref<8x!tpu.dma_semaphore, #tpu.memory_space<semaphore_mem>> -> memref<1x!tpu.dma_semaphore, #tpu.memory_space<semaphore_mem>>
    %dma_start3A_597 = tpu.memref_squeeze %dma_start3A_596 : memref<1x!tpu.dma_semaphore, #tpu.memory_space<semaphore_mem>> -> memref<!tpu.dma_semaphore, #tpu.memory_space<semaphore_mem>>
    %dma_start3A_598 = arith.constant 0 : i32
    %dma_start3A_599 = arith.constant 0 : i32
    %dma_start3A_600 = tpu.memref_slice %arg4[%add3A_585, %dma_start3A_598, %dma_start3A_599] : memref<2048x50x128xf32, #tpu.memory_space<hbm>> -> memref<1x50x128xf32, #tpu.memory_space<hbm>>
    %dma_start3A_601 = tpu.memref_squeeze %dma_start3A_600 : memref<1x50x128xf32, #tpu.memory_space<hbm>> -> memref<50x128xf32, #tpu.memory_space<hbm>>
    %dma_start3A_602 = arith.constant 0 : i32
    %dma_start3A_603 = arith.constant 0 : i32
    %dma_start3A_604 = tpu.memref_slice %arg6[%dma_start3A_586, %dma_start3A_602, %dma_start3A_603] : memref<8x100x128xf32, #tpu.memory_space<vmem>> -> memref<1x50x128xf32, #tpu.memory_space<vmem>>
    %dma_start3A_605 = tpu.memref_squeeze %dma_start3A_604 : memref<1x50x128xf32, #tpu.memory_space<vmem>> -> memref<50x128xf32, #tpu.memory_space<vmem>>
    tpu.enqueue_dma source(%dma_start3A_605 : memref<50x128xf32, #tpu.memory_space<vmem>>) target(%dma_start3A_601 : memref<50x128xf32, #tpu.memory_space<hbm>>) target_semaphore(%dma_start3A_597 : memref<!tpu.dma_semaphore, #tpu.memory_space<semaphore_mem>>)
    %add3A_606 = arith.constant 1 : i32
    %add3A_607 = arith.addi %add3A_583, %add3A_606 : i32
    %dma_start3A_608 = arith.constant 7 : i32
    %dma_start3A_609 = arith.constant 7 : i32
    %dma_start3A_610 = arith.constant 50 : i32
    %dma_start3A_611 = arith.constant 0 : i32
    %dma_start3A_612 = tpu.memref_slice %arg6[%dma_start3A_608, %dma_start3A_610, %dma_start3A_611] : memref<8x100x128xf32, #tpu.memory_space<vmem>> -> memref<1x50x128xf32, #tpu.memory_space<vmem>>
    %dma_start3A_613 = tpu.memref_squeeze %dma_start3A_612 : memref<1x50x128xf32, #tpu.memory_space<vmem>> -> memref<50x128xf32, #tpu.memory_space<vmem>>
    %dma_start3A_614 = arith.constant 0 : i32
    %dma_start3A_615 = arith.constant 0 : i32
    %dma_start3A_616 = tpu.memref_slice %arg4[%add3A_607, %dma_start3A_614, %dma_start3A_615] : memref<2048x50x128xf32, #tpu.memory_space<hbm>> -> memref<1x50x128xf32, #tpu.memory_space<hbm>>
    %dma_start3A_617 = tpu.memref_squeeze %dma_start3A_616 : memref<1x50x128xf32, #tpu.memory_space<hbm>> -> memref<50x128xf32, #tpu.memory_space<hbm>>
    %dma_start3A_618 = tpu.memref_slice %arg8[%dma_start3A_609] : memref<8x!tpu.dma_semaphore, #tpu.memory_space<semaphore_mem>> -> memref<1x!tpu.dma_semaphore, #tpu.memory_space<semaphore_mem>>
    %dma_start3A_619 = tpu.memref_squeeze %dma_start3A_618 : memref<1x!tpu.dma_semaphore, #tpu.memory_space<semaphore_mem>> -> memref<!tpu.dma_semaphore, #tpu.memory_space<semaphore_mem>>
    %dma_start3A_620 = arith.constant 0 : i32
    %dma_start3A_621 = arith.constant 0 : i32
    %dma_start3A_622 = tpu.memref_slice %arg4[%add3A_607, %dma_start3A_620, %dma_start3A_621] : memref<2048x50x128xf32, #tpu.memory_space<hbm>> -> memref<1x50x128xf32, #tpu.memory_space<hbm>>
    %dma_start3A_623 = tpu.memref_squeeze %dma_start3A_622 : memref<1x50x128xf32, #tpu.memory_space<hbm>> -> memref<50x128xf32, #tpu.memory_space<hbm>>
    %dma_start3A_624 = arith.constant 50 : i32
    %dma_start3A_625 = arith.constant 0 : i32
    %dma_start3A_626 = tpu.memref_slice %arg6[%dma_start3A_608, %dma_start3A_624, %dma_start3A_625] : memref<8x100x128xf32, #tpu.memory_space<vmem>> -> memref<1x50x128xf32, #tpu.memory_space<vmem>>
    %dma_start3A_627 = tpu.memref_squeeze %dma_start3A_626 : memref<1x50x128xf32, #tpu.memory_space<vmem>> -> memref<50x128xf32, #tpu.memory_space<vmem>>
    tpu.enqueue_dma source(%dma_start3A_627 : memref<50x128xf32, #tpu.memory_space<vmem>>) target(%dma_start3A_623 : memref<50x128xf32, #tpu.memory_space<hbm>>) target_semaphore(%dma_start3A_619 : memref<!tpu.dma_semaphore, #tpu.memory_space<semaphore_mem>>)
    %mul3A_628 = arith.constant 64 : i32
    %mul3A_629 = arith.muli %add3A, %mul3A_628 : i32
    %add3A_630 = arith.constant 48 : i32
    %add3A_631 = arith.addi %mul3A_629, %add3A_630 : i32
    %add3A_632 = arith.constant 0 : i32
    %add3A_633 = arith.addi %add3A_631, %add3A_632 : i32
    %dma_wait3A_634 = arith.constant 0 : i32
    %dma_wait3A_635 = arith.constant 0 : i32
    %dma_wait3A_636 = arith.constant 0 : i32
    %dma_wait3A_637 = arith.constant 0 : i32
    %dma_wait3A_638 = tpu.memref_slice %arg6[%dma_wait3A_634, %dma_wait3A_636, %dma_wait3A_637] : memref<8x100x128xf32, #tpu.memory_space<vmem>> -> memref<1x50x128xf32, #tpu.memory_space<vmem>>
    %dma_wait3A_639 = tpu.memref_squeeze %dma_wait3A_638 : memref<1x50x128xf32, #tpu.memory_space<vmem>> -> memref<50x128xf32, #tpu.memory_space<vmem>>
    %dma_wait3A_640 = arith.constant 0 : i32
    %dma_wait3A_641 = arith.constant 0 : i32
    %dma_wait3A_642 = tpu.memref_slice %arg4[%add3A_633, %dma_wait3A_640, %dma_wait3A_641] : memref<2048x50x128xf32, #tpu.memory_space<hbm>> -> memref<1x50x128xf32, #tpu.memory_space<hbm>>
    %dma_wait3A_643 = tpu.memref_squeeze %dma_wait3A_642 : memref<1x50x128xf32, #tpu.memory_space<hbm>> -> memref<50x128xf32, #tpu.memory_space<hbm>>
    %dma_wait3A_644 = tpu.memref_slice %arg8[%dma_wait3A_635] : memref<8x!tpu.dma_semaphore, #tpu.memory_space<semaphore_mem>> -> memref<1x!tpu.dma_semaphore, #tpu.memory_space<semaphore_mem>>
    %dma_wait3A_645 = tpu.memref_squeeze %dma_wait3A_644 : memref<1x!tpu.dma_semaphore, #tpu.memory_space<semaphore_mem>> -> memref<!tpu.dma_semaphore, #tpu.memory_space<semaphore_mem>>
    %dma_wait3A_646 = arith.constant 0 : i32
    %dma_wait3A_647 = arith.constant 0 : i32
    %dma_wait3A_648 = tpu.memref_slice %arg4[%add3A_633, %dma_wait3A_646, %dma_wait3A_647] : memref<2048x50x128xf32, #tpu.memory_space<hbm>> -> memref<1x50x128xf32, #tpu.memory_space<hbm>>
    %dma_wait3A_649 = tpu.memref_squeeze %dma_wait3A_648 : memref<1x50x128xf32, #tpu.memory_space<hbm>> -> memref<50x128xf32, #tpu.memory_space<hbm>>
    %dma_wait3A_650 = arith.constant 0 : i32
    %dma_wait3A_651 = arith.constant 0 : i32
    %dma_wait3A_652 = tpu.memref_slice %arg6[%dma_wait3A_634, %dma_wait3A_650, %dma_wait3A_651] : memref<8x100x128xf32, #tpu.memory_space<vmem>> -> memref<1x50x128xf32, #tpu.memory_space<vmem>>
    %dma_wait3A_653 = tpu.memref_squeeze %dma_wait3A_652 : memref<1x50x128xf32, #tpu.memory_space<vmem>> -> memref<50x128xf32, #tpu.memory_space<vmem>>
    tpu.wait_dma2 semaphore(%dma_wait3A_645 : memref<!tpu.dma_semaphore, #tpu.memory_space<semaphore_mem>>) src(%dma_wait3A_653 : memref<50x128xf32, #tpu.memory_space<vmem>>) dst(%dma_wait3A_649 : memref<50x128xf32, #tpu.memory_space<hbm>>)
    %add3A_654 = arith.constant 1 : i32
    %add3A_655 = arith.addi %add3A_631, %add3A_654 : i32
    %dma_wait3A_656 = arith.constant 0 : i32
    %dma_wait3A_657 = arith.constant 0 : i32
    %dma_wait3A_658 = arith.constant 50 : i32
    %dma_wait3A_659 = arith.constant 0 : i32
    %dma_wait3A_660 = tpu.memref_slice %arg6[%dma_wait3A_656, %dma_wait3A_658, %dma_wait3A_659] : memref<8x100x128xf32, #tpu.memory_space<vmem>> -> memref<1x50x128xf32, #tpu.memory_space<vmem>>
    %dma_wait3A_661 = tpu.memref_squeeze %dma_wait3A_660 : memref<1x50x128xf32, #tpu.memory_space<vmem>> -> memref<50x128xf32, #tpu.memory_space<vmem>>
    %dma_wait3A_662 = arith.constant 0 : i32
    %dma_wait3A_663 = arith.constant 0 : i32
    %dma_wait3A_664 = tpu.memref_slice %arg4[%add3A_655, %dma_wait3A_662, %dma_wait3A_663] : memref<2048x50x128xf32, #tpu.memory_space<hbm>> -> memref<1x50x128xf32, #tpu.memory_space<hbm>>
    %dma_wait3A_665 = tpu.memref_squeeze %dma_wait3A_664 : memref<1x50x128xf32, #tpu.memory_space<hbm>> -> memref<50x128xf32, #tpu.memory_space<hbm>>
    %dma_wait3A_666 = tpu.memref_slice %arg8[%dma_wait3A_657] : memref<8x!tpu.dma_semaphore, #tpu.memory_space<semaphore_mem>> -> memref<1x!tpu.dma_semaphore, #tpu.memory_space<semaphore_mem>>
    %dma_wait3A_667 = tpu.memref_squeeze %dma_wait3A_666 : memref<1x!tpu.dma_semaphore, #tpu.memory_space<semaphore_mem>> -> memref<!tpu.dma_semaphore, #tpu.memory_space<semaphore_mem>>
    %dma_wait3A_668 = arith.constant 0 : i32
    %dma_wait3A_669 = arith.constant 0 : i32
    %dma_wait3A_670 = tpu.memref_slice %arg4[%add3A_655, %dma_wait3A_668, %dma_wait3A_669] : memref<2048x50x128xf32, #tpu.memory_space<hbm>> -> memref<1x50x128xf32, #tpu.memory_space<hbm>>
    %dma_wait3A_671 = tpu.memref_squeeze %dma_wait3A_670 : memref<1x50x128xf32, #tpu.memory_space<hbm>> -> memref<50x128xf32, #tpu.memory_space<hbm>>
    %dma_wait3A_672 = arith.constant 50 : i32
    %dma_wait3A_673 = arith.constant 0 : i32
    %dma_wait3A_674 = tpu.memref_slice %arg6[%dma_wait3A_656, %dma_wait3A_672, %dma_wait3A_673] : memref<8x100x128xf32, #tpu.memory_space<vmem>> -> memref<1x50x128xf32, #tpu.memory_space<vmem>>
    %dma_wait3A_675 = tpu.memref_squeeze %dma_wait3A_674 : memref<1x50x128xf32, #tpu.memory_space<vmem>> -> memref<50x128xf32, #tpu.memory_space<vmem>>
    tpu.wait_dma2 semaphore(%dma_wait3A_667 : memref<!tpu.dma_semaphore, #tpu.memory_space<semaphore_mem>>) src(%dma_wait3A_675 : memref<50x128xf32, #tpu.memory_space<vmem>>) dst(%dma_wait3A_671 : memref<50x128xf32, #tpu.memory_space<hbm>>)
    %mul3A_676 = arith.constant 64 : i32
    %mul3A_677 = arith.muli %add3A, %mul3A_676 : i32
    %add3A_678 = arith.constant 50 : i32
    %add3A_679 = arith.addi %mul3A_677, %add3A_678 : i32
    %add3A_680 = arith.constant 0 : i32
    %add3A_681 = arith.addi %add3A_679, %add3A_680 : i32
    %dma_wait3A_682 = arith.constant 1 : i32
    %dma_wait3A_683 = arith.constant 1 : i32
    %dma_wait3A_684 = arith.constant 0 : i32
    %dma_wait3A_685 = arith.constant 0 : i32
    %dma_wait3A_686 = tpu.memref_slice %arg6[%dma_wait3A_682, %dma_wait3A_684, %dma_wait3A_685] : memref<8x100x128xf32, #tpu.memory_space<vmem>> -> memref<1x50x128xf32, #tpu.memory_space<vmem>>
    %dma_wait3A_687 = tpu.memref_squeeze %dma_wait3A_686 : memref<1x50x128xf32, #tpu.memory_space<vmem>> -> memref<50x128xf32, #tpu.memory_space<vmem>>
    %dma_wait3A_688 = arith.constant 0 : i32
    %dma_wait3A_689 = arith.constant 0 : i32
    %dma_wait3A_690 = tpu.memref_slice %arg4[%add3A_681, %dma_wait3A_688, %dma_wait3A_689] : memref<2048x50x128xf32, #tpu.memory_space<hbm>> -> memref<1x50x128xf32, #tpu.memory_space<hbm>>
    %dma_wait3A_691 = tpu.memref_squeeze %dma_wait3A_690 : memref<1x50x128xf32, #tpu.memory_space<hbm>> -> memref<50x128xf32, #tpu.memory_space<hbm>>
    %dma_wait3A_692 = tpu.memref_slice %arg8[%dma_wait3A_683] : memref<8x!tpu.dma_semaphore, #tpu.memory_space<semaphore_mem>> -> memref<1x!tpu.dma_semaphore, #tpu.memory_space<semaphore_mem>>
    %dma_wait3A_693 = tpu.memref_squeeze %dma_wait3A_692 : memref<1x!tpu.dma_semaphore, #tpu.memory_space<semaphore_mem>> -> memref<!tpu.dma_semaphore, #tpu.memory_space<semaphore_mem>>
    %dma_wait3A_694 = arith.constant 0 : i32
    %dma_wait3A_695 = arith.constant 0 : i32
    %dma_wait3A_696 = tpu.memref_slice %arg4[%add3A_681, %dma_wait3A_694, %dma_wait3A_695] : memref<2048x50x128xf32, #tpu.memory_space<hbm>> -> memref<1x50x128xf32, #tpu.memory_space<hbm>>
    %dma_wait3A_697 = tpu.memref_squeeze %dma_wait3A_696 : memref<1x50x128xf32, #tpu.memory_space<hbm>> -> memref<50x128xf32, #tpu.memory_space<hbm>>
    %dma_wait3A_698 = arith.constant 0 : i32
    %dma_wait3A_699 = arith.constant 0 : i32
    %dma_wait3A_700 = tpu.memref_slice %arg6[%dma_wait3A_682, %dma_wait3A_698, %dma_wait3A_699] : memref<8x100x128xf32, #tpu.memory_space<vmem>> -> memref<1x50x128xf32, #tpu.memory_space<vmem>>
    %dma_wait3A_701 = tpu.memref_squeeze %dma_wait3A_700 : memref<1x50x128xf32, #tpu.memory_space<vmem>> -> memref<50x128xf32, #tpu.memory_space<vmem>>
    tpu.wait_dma2 semaphore(%dma_wait3A_693 : memref<!tpu.dma_semaphore, #tpu.memory_space<semaphore_mem>>) src(%dma_wait3A_701 : memref<50x128xf32, #tpu.memory_space<vmem>>) dst(%dma_wait3A_697 : memref<50x128xf32, #tpu.memory_space<hbm>>)
    %add3A_702 = arith.constant 1 : i32
    %add3A_703 = arith.addi %add3A_679, %add3A_702 : i32
    %dma_wait3A_704 = arith.constant 1 : i32
    %dma_wait3A_705 = arith.constant 1 : i32
    %dma_wait3A_706 = arith.constant 50 : i32
    %dma_wait3A_707 = arith.constant 0 : i32
    %dma_wait3A_708 = tpu.memref_slice %arg6[%dma_wait3A_704, %dma_wait3A_706, %dma_wait3A_707] : memref<8x100x128xf32, #tpu.memory_space<vmem>> -> memref<1x50x128xf32, #tpu.memory_space<vmem>>
    %dma_wait3A_709 = tpu.memref_squeeze %dma_wait3A_708 : memref<1x50x128xf32, #tpu.memory_space<vmem>> -> memref<50x128xf32, #tpu.memory_space<vmem>>
    %dma_wait3A_710 = arith.constant 0 : i32
    %dma_wait3A_711 = arith.constant 0 : i32
    %dma_wait3A_712 = tpu.memref_slice %arg4[%add3A_703, %dma_wait3A_710, %dma_wait3A_711] : memref<2048x50x128xf32, #tpu.memory_space<hbm>> -> memref<1x50x128xf32, #tpu.memory_space<hbm>>
    %dma_wait3A_713 = tpu.memref_squeeze %dma_wait3A_712 : memref<1x50x128xf32, #tpu.memory_space<hbm>> -> memref<50x128xf32, #tpu.memory_space<hbm>>
    %dma_wait3A_714 = tpu.memref_slice %arg8[%dma_wait3A_705] : memref<8x!tpu.dma_semaphore, #tpu.memory_space<semaphore_mem>> -> memref<1x!tpu.dma_semaphore, #tpu.memory_space<semaphore_mem>>
    %dma_wait3A_715 = tpu.memref_squeeze %dma_wait3A_714 : memref<1x!tpu.dma_semaphore, #tpu.memory_space<semaphore_mem>> -> memref<!tpu.dma_semaphore, #tpu.memory_space<semaphore_mem>>
    %dma_wait3A_716 = arith.constant 0 : i32
    %dma_wait3A_717 = arith.constant 0 : i32
    %dma_wait3A_718 = tpu.memref_slice %arg4[%add3A_703, %dma_wait3A_716, %dma_wait3A_717] : memref<2048x50x128xf32, #tpu.memory_space<hbm>> -> memref<1x50x128xf32, #tpu.memory_space<hbm>>
    %dma_wait3A_719 = tpu.memref_squeeze %dma_wait3A_718 : memref<1x50x128xf32, #tpu.memory_space<hbm>> -> memref<50x128xf32, #tpu.memory_space<hbm>>
    %dma_wait3A_720 = arith.constant 50 : i32
    %dma_wait3A_721 = arith.constant 0 : i32
    %dma_wait3A_722 = tpu.memref_slice %arg6[%dma_wait3A_704, %dma_wait3A_720, %dma_wait3A_721] : memref<8x100x128xf32, #tpu.memory_space<vmem>> -> memref<1x50x128xf32, #tpu.memory_space<vmem>>
    %dma_wait3A_723 = tpu.memref_squeeze %dma_wait3A_722 : memref<1x50x128xf32, #tpu.memory_space<vmem>> -> memref<50x128xf32, #tpu.memory_space<vmem>>
    tpu.wait_dma2 semaphore(%dma_wait3A_715 : memref<!tpu.dma_semaphore, #tpu.memory_space<semaphore_mem>>) src(%dma_wait3A_723 : memref<50x128xf32, #tpu.memory_space<vmem>>) dst(%dma_wait3A_719 : memref<50x128xf32, #tpu.memory_space<hbm>>)
    %mul3A_724 = arith.constant 64 : i32
    %mul3A_725 = arith.muli %add3A, %mul3A_724 : i32
    %add3A_726 = arith.constant 52 : i32
    %add3A_727 = arith.addi %mul3A_725, %add3A_726 : i32
    %add3A_728 = arith.constant 0 : i32
    %add3A_729 = arith.addi %add3A_727, %add3A_728 : i32
    %dma_wait3A_730 = arith.constant 2 : i32
    %dma_wait3A_731 = arith.constant 2 : i32
    %dma_wait3A_732 = arith.constant 0 : i32
    %dma_wait3A_733 = arith.constant 0 : i32
    %dma_wait3A_734 = tpu.memref_slice %arg6[%dma_wait3A_730, %dma_wait3A_732, %dma_wait3A_733] : memref<8x100x128xf32, #tpu.memory_space<vmem>> -> memref<1x50x128xf32, #tpu.memory_space<vmem>>
    %dma_wait3A_735 = tpu.memref_squeeze %dma_wait3A_734 : memref<1x50x128xf32, #tpu.memory_space<vmem>> -> memref<50x128xf32, #tpu.memory_space<vmem>>
    %dma_wait3A_736 = arith.constant 0 : i32
    %dma_wait3A_737 = arith.constant 0 : i32
    %dma_wait3A_738 = tpu.memref_slice %arg4[%add3A_729, %dma_wait3A_736, %dma_wait3A_737] : memref<2048x50x128xf32, #tpu.memory_space<hbm>> -> memref<1x50x128xf32, #tpu.memory_space<hbm>>
    %dma_wait3A_739 = tpu.memref_squeeze %dma_wait3A_738 : memref<1x50x128xf32, #tpu.memory_space<hbm>> -> memref<50x128xf32, #tpu.memory_space<hbm>>
    %dma_wait3A_740 = tpu.memref_slice %arg8[%dma_wait3A_731] : memref<8x!tpu.dma_semaphore, #tpu.memory_space<semaphore_mem>> -> memref<1x!tpu.dma_semaphore, #tpu.memory_space<semaphore_mem>>
    %dma_wait3A_741 = tpu.memref_squeeze %dma_wait3A_740 : memref<1x!tpu.dma_semaphore, #tpu.memory_space<semaphore_mem>> -> memref<!tpu.dma_semaphore, #tpu.memory_space<semaphore_mem>>
    %dma_wait3A_742 = arith.constant 0 : i32
    %dma_wait3A_743 = arith.constant 0 : i32
    %dma_wait3A_744 = tpu.memref_slice %arg4[%add3A_729, %dma_wait3A_742, %dma_wait3A_743] : memref<2048x50x128xf32, #tpu.memory_space<hbm>> -> memref<1x50x128xf32, #tpu.memory_space<hbm>>
    %dma_wait3A_745 = tpu.memref_squeeze %dma_wait3A_744 : memref<1x50x128xf32, #tpu.memory_space<hbm>> -> memref<50x128xf32, #tpu.memory_space<hbm>>
    %dma_wait3A_746 = arith.constant 0 : i32
    %dma_wait3A_747 = arith.constant 0 : i32
    %dma_wait3A_748 = tpu.memref_slice %arg6[%dma_wait3A_730, %dma_wait3A_746, %dma_wait3A_747] : memref<8x100x128xf32, #tpu.memory_space<vmem>> -> memref<1x50x128xf32, #tpu.memory_space<vmem>>
    %dma_wait3A_749 = tpu.memref_squeeze %dma_wait3A_748 : memref<1x50x128xf32, #tpu.memory_space<vmem>> -> memref<50x128xf32, #tpu.memory_space<vmem>>
    tpu.wait_dma2 semaphore(%dma_wait3A_741 : memref<!tpu.dma_semaphore, #tpu.memory_space<semaphore_mem>>) src(%dma_wait3A_749 : memref<50x128xf32, #tpu.memory_space<vmem>>) dst(%dma_wait3A_745 : memref<50x128xf32, #tpu.memory_space<hbm>>)
    %add3A_750 = arith.constant 1 : i32
    %add3A_751 = arith.addi %add3A_727, %add3A_750 : i32
    %dma_wait3A_752 = arith.constant 2 : i32
    %dma_wait3A_753 = arith.constant 2 : i32
    %dma_wait3A_754 = arith.constant 50 : i32
    %dma_wait3A_755 = arith.constant 0 : i32
    %dma_wait3A_756 = tpu.memref_slice %arg6[%dma_wait3A_752, %dma_wait3A_754, %dma_wait3A_755] : memref<8x100x128xf32, #tpu.memory_space<vmem>> -> memref<1x50x128xf32, #tpu.memory_space<vmem>>
    %dma_wait3A_757 = tpu.memref_squeeze %dma_wait3A_756 : memref<1x50x128xf32, #tpu.memory_space<vmem>> -> memref<50x128xf32, #tpu.memory_space<vmem>>
    %dma_wait3A_758 = arith.constant 0 : i32
    %dma_wait3A_759 = arith.constant 0 : i32
    %dma_wait3A_760 = tpu.memref_slice %arg4[%add3A_751, %dma_wait3A_758, %dma_wait3A_759] : memref<2048x50x128xf32, #tpu.memory_space<hbm>> -> memref<1x50x128xf32, #tpu.memory_space<hbm>>
    %dma_wait3A_761 = tpu.memref_squeeze %dma_wait3A_760 : memref<1x50x128xf32, #tpu.memory_space<hbm>> -> memref<50x128xf32, #tpu.memory_space<hbm>>
    %dma_wait3A_762 = tpu.memref_slice %arg8[%dma_wait3A_753] : memref<8x!tpu.dma_semaphore, #tpu.memory_space<semaphore_mem>> -> memref<1x!tpu.dma_semaphore, #tpu.memory_space<semaphore_mem>>
    %dma_wait3A_763 = tpu.memref_squeeze %dma_wait3A_762 : memref<1x!tpu.dma_semaphore, #tpu.memory_space<semaphore_mem>> -> memref<!tpu.dma_semaphore, #tpu.memory_space<semaphore_mem>>
    %dma_wait3A_764 = arith.constant 0 : i32
    %dma_wait3A_765 = arith.constant 0 : i32
    %dma_wait3A_766 = tpu.memref_slice %arg4[%add3A_751, %dma_wait3A_764, %dma_wait3A_765] : memref<2048x50x128xf32, #tpu.memory_space<hbm>> -> memref<1x50x128xf32, #tpu.memory_space<hbm>>
    %dma_wait3A_767 = tpu.memref_squeeze %dma_wait3A_766 : memref<1x50x128xf32, #tpu.memory_space<hbm>> -> memref<50x128xf32, #tpu.memory_space<hbm>>
    %dma_wait3A_768 = arith.constant 50 : i32
    %dma_wait3A_769 = arith.constant 0 : i32
    %dma_wait3A_770 = tpu.memref_slice %arg6[%dma_wait3A_752, %dma_wait3A_768, %dma_wait3A_769] : memref<8x100x128xf32, #tpu.memory_space<vmem>> -> memref<1x50x128xf32, #tpu.memory_space<vmem>>
    %dma_wait3A_771 = tpu.memref_squeeze %dma_wait3A_770 : memref<1x50x128xf32, #tpu.memory_space<vmem>> -> memref<50x128xf32, #tpu.memory_space<vmem>>
    tpu.wait_dma2 semaphore(%dma_wait3A_763 : memref<!tpu.dma_semaphore, #tpu.memory_space<semaphore_mem>>) src(%dma_wait3A_771 : memref<50x128xf32, #tpu.memory_space<vmem>>) dst(%dma_wait3A_767 : memref<50x128xf32, #tpu.memory_space<hbm>>)
    %mul3A_772 = arith.constant 64 : i32
    %mul3A_773 = arith.muli %add3A, %mul3A_772 : i32
    %add3A_774 = arith.constant 54 : i32
    %add3A_775 = arith.addi %mul3A_773, %add3A_774 : i32
    %add3A_776 = arith.constant 0 : i32
    %add3A_777 = arith.addi %add3A_775, %add3A_776 : i32
    %dma_wait3A_778 = arith.constant 3 : i32
    %dma_wait3A_779 = arith.constant 3 : i32
    %dma_wait3A_780 = arith.constant 0 : i32
    %dma_wait3A_781 = arith.constant 0 : i32
    %dma_wait3A_782 = tpu.memref_slice %arg6[%dma_wait3A_778, %dma_wait3A_780, %dma_wait3A_781] : memref<8x100x128xf32, #tpu.memory_space<vmem>> -> memref<1x50x128xf32, #tpu.memory_space<vmem>>
    %dma_wait3A_783 = tpu.memref_squeeze %dma_wait3A_782 : memref<1x50x128xf32, #tpu.memory_space<vmem>> -> memref<50x128xf32, #tpu.memory_space<vmem>>
    %dma_wait3A_784 = arith.constant 0 : i32
    %dma_wait3A_785 = arith.constant 0 : i32
    %dma_wait3A_786 = tpu.memref_slice %arg4[%add3A_777, %dma_wait3A_784, %dma_wait3A_785] : memref<2048x50x128xf32, #tpu.memory_space<hbm>> -> memref<1x50x128xf32, #tpu.memory_space<hbm>>
    %dma_wait3A_787 = tpu.memref_squeeze %dma_wait3A_786 : memref<1x50x128xf32, #tpu.memory_space<hbm>> -> memref<50x128xf32, #tpu.memory_space<hbm>>
    %dma_wait3A_788 = tpu.memref_slice %arg8[%dma_wait3A_779] : memref<8x!tpu.dma_semaphore, #tpu.memory_space<semaphore_mem>> -> memref<1x!tpu.dma_semaphore, #tpu.memory_space<semaphore_mem>>
    %dma_wait3A_789 = tpu.memref_squeeze %dma_wait3A_788 : memref<1x!tpu.dma_semaphore, #tpu.memory_space<semaphore_mem>> -> memref<!tpu.dma_semaphore, #tpu.memory_space<semaphore_mem>>
    %dma_wait3A_790 = arith.constant 0 : i32
    %dma_wait3A_791 = arith.constant 0 : i32
    %dma_wait3A_792 = tpu.memref_slice %arg4[%add3A_777, %dma_wait3A_790, %dma_wait3A_791] : memref<2048x50x128xf32, #tpu.memory_space<hbm>> -> memref<1x50x128xf32, #tpu.memory_space<hbm>>
    %dma_wait3A_793 = tpu.memref_squeeze %dma_wait3A_792 : memref<1x50x128xf32, #tpu.memory_space<hbm>> -> memref<50x128xf32, #tpu.memory_space<hbm>>
    %dma_wait3A_794 = arith.constant 0 : i32
    %dma_wait3A_795 = arith.constant 0 : i32
    %dma_wait3A_796 = tpu.memref_slice %arg6[%dma_wait3A_778, %dma_wait3A_794, %dma_wait3A_795] : memref<8x100x128xf32, #tpu.memory_space<vmem>> -> memref<1x50x128xf32, #tpu.memory_space<vmem>>
    %dma_wait3A_797 = tpu.memref_squeeze %dma_wait3A_796 : memref<1x50x128xf32, #tpu.memory_space<vmem>> -> memref<50x128xf32, #tpu.memory_space<vmem>>
    tpu.wait_dma2 semaphore(%dma_wait3A_789 : memref<!tpu.dma_semaphore, #tpu.memory_space<semaphore_mem>>) src(%dma_wait3A_797 : memref<50x128xf32, #tpu.memory_space<vmem>>) dst(%dma_wait3A_793 : memref<50x128xf32, #tpu.memory_space<hbm>>)
    %add3A_798 = arith.constant 1 : i32
    %add3A_799 = arith.addi %add3A_775, %add3A_798 : i32
    %dma_wait3A_800 = arith.constant 3 : i32
    %dma_wait3A_801 = arith.constant 3 : i32
    %dma_wait3A_802 = arith.constant 50 : i32
    %dma_wait3A_803 = arith.constant 0 : i32
    %dma_wait3A_804 = tpu.memref_slice %arg6[%dma_wait3A_800, %dma_wait3A_802, %dma_wait3A_803] : memref<8x100x128xf32, #tpu.memory_space<vmem>> -> memref<1x50x128xf32, #tpu.memory_space<vmem>>
    %dma_wait3A_805 = tpu.memref_squeeze %dma_wait3A_804 : memref<1x50x128xf32, #tpu.memory_space<vmem>> -> memref<50x128xf32, #tpu.memory_space<vmem>>
    %dma_wait3A_806 = arith.constant 0 : i32
    %dma_wait3A_807 = arith.constant 0 : i32
    %dma_wait3A_808 = tpu.memref_slice %arg4[%add3A_799, %dma_wait3A_806, %dma_wait3A_807] : memref<2048x50x128xf32, #tpu.memory_space<hbm>> -> memref<1x50x128xf32, #tpu.memory_space<hbm>>
    %dma_wait3A_809 = tpu.memref_squeeze %dma_wait3A_808 : memref<1x50x128xf32, #tpu.memory_space<hbm>> -> memref<50x128xf32, #tpu.memory_space<hbm>>
    %dma_wait3A_810 = tpu.memref_slice %arg8[%dma_wait3A_801] : memref<8x!tpu.dma_semaphore, #tpu.memory_space<semaphore_mem>> -> memref<1x!tpu.dma_semaphore, #tpu.memory_space<semaphore_mem>>
    %dma_wait3A_811 = tpu.memref_squeeze %dma_wait3A_810 : memref<1x!tpu.dma_semaphore, #tpu.memory_space<semaphore_mem>> -> memref<!tpu.dma_semaphore, #tpu.memory_space<semaphore_mem>>
    %dma_wait3A_812 = arith.constant 0 : i32
    %dma_wait3A_813 = arith.constant 0 : i32
    %dma_wait3A_814 = tpu.memref_slice %arg4[%add3A_799, %dma_wait3A_812, %dma_wait3A_813] : memref<2048x50x128xf32, #tpu.memory_space<hbm>> -> memref<1x50x128xf32, #tpu.memory_space<hbm>>
    %dma_wait3A_815 = tpu.memref_squeeze %dma_wait3A_814 : memref<1x50x128xf32, #tpu.memory_space<hbm>> -> memref<50x128xf32, #tpu.memory_space<hbm>>
    %dma_wait3A_816 = arith.constant 50 : i32
    %dma_wait3A_817 = arith.constant 0 : i32
    %dma_wait3A_818 = tpu.memref_slice %arg6[%dma_wait3A_800, %dma_wait3A_816, %dma_wait3A_817] : memref<8x100x128xf32, #tpu.memory_space<vmem>> -> memref<1x50x128xf32, #tpu.memory_space<vmem>>
    %dma_wait3A_819 = tpu.memref_squeeze %dma_wait3A_818 : memref<1x50x128xf32, #tpu.memory_space<vmem>> -> memref<50x128xf32, #tpu.memory_space<vmem>>
    tpu.wait_dma2 semaphore(%dma_wait3A_811 : memref<!tpu.dma_semaphore, #tpu.memory_space<semaphore_mem>>) src(%dma_wait3A_819 : memref<50x128xf32, #tpu.memory_space<vmem>>) dst(%dma_wait3A_815 : memref<50x128xf32, #tpu.memory_space<hbm>>)
    %mul3A_820 = arith.constant 64 : i32
    %mul3A_821 = arith.muli %add3A, %mul3A_820 : i32
    %add3A_822 = arith.constant 56 : i32
    %add3A_823 = arith.addi %mul3A_821, %add3A_822 : i32
    %add3A_824 = arith.constant 0 : i32
    %add3A_825 = arith.addi %add3A_823, %add3A_824 : i32
    %dma_wait3A_826 = arith.constant 4 : i32
    %dma_wait3A_827 = arith.constant 4 : i32
    %dma_wait3A_828 = arith.constant 0 : i32
    %dma_wait3A_829 = arith.constant 0 : i32
    %dma_wait3A_830 = tpu.memref_slice %arg6[%dma_wait3A_826, %dma_wait3A_828, %dma_wait3A_829] : memref<8x100x128xf32, #tpu.memory_space<vmem>> -> memref<1x50x128xf32, #tpu.memory_space<vmem>>
    %dma_wait3A_831 = tpu.memref_squeeze %dma_wait3A_830 : memref<1x50x128xf32, #tpu.memory_space<vmem>> -> memref<50x128xf32, #tpu.memory_space<vmem>>
    %dma_wait3A_832 = arith.constant 0 : i32
    %dma_wait3A_833 = arith.constant 0 : i32
    %dma_wait3A_834 = tpu.memref_slice %arg4[%add3A_825, %dma_wait3A_832, %dma_wait3A_833] : memref<2048x50x128xf32, #tpu.memory_space<hbm>> -> memref<1x50x128xf32, #tpu.memory_space<hbm>>
    %dma_wait3A_835 = tpu.memref_squeeze %dma_wait3A_834 : memref<1x50x128xf32, #tpu.memory_space<hbm>> -> memref<50x128xf32, #tpu.memory_space<hbm>>
    %dma_wait3A_836 = tpu.memref_slice %arg8[%dma_wait3A_827] : memref<8x!tpu.dma_semaphore, #tpu.memory_space<semaphore_mem>> -> memref<1x!tpu.dma_semaphore, #tpu.memory_space<semaphore_mem>>
    %dma_wait3A_837 = tpu.memref_squeeze %dma_wait3A_836 : memref<1x!tpu.dma_semaphore, #tpu.memory_space<semaphore_mem>> -> memref<!tpu.dma_semaphore, #tpu.memory_space<semaphore_mem>>
    %dma_wait3A_838 = arith.constant 0 : i32
    %dma_wait3A_839 = arith.constant 0 : i32
    %dma_wait3A_840 = tpu.memref_slice %arg4[%add3A_825, %dma_wait3A_838, %dma_wait3A_839] : memref<2048x50x128xf32, #tpu.memory_space<hbm>> -> memref<1x50x128xf32, #tpu.memory_space<hbm>>
    %dma_wait3A_841 = tpu.memref_squeeze %dma_wait3A_840 : memref<1x50x128xf32, #tpu.memory_space<hbm>> -> memref<50x128xf32, #tpu.memory_space<hbm>>
    %dma_wait3A_842 = arith.constant 0 : i32
    %dma_wait3A_843 = arith.constant 0 : i32
    %dma_wait3A_844 = tpu.memref_slice %arg6[%dma_wait3A_826, %dma_wait3A_842, %dma_wait3A_843] : memref<8x100x128xf32, #tpu.memory_space<vmem>> -> memref<1x50x128xf32, #tpu.memory_space<vmem>>
    %dma_wait3A_845 = tpu.memref_squeeze %dma_wait3A_844 : memref<1x50x128xf32, #tpu.memory_space<vmem>> -> memref<50x128xf32, #tpu.memory_space<vmem>>
    tpu.wait_dma2 semaphore(%dma_wait3A_837 : memref<!tpu.dma_semaphore, #tpu.memory_space<semaphore_mem>>) src(%dma_wait3A_845 : memref<50x128xf32, #tpu.memory_space<vmem>>) dst(%dma_wait3A_841 : memref<50x128xf32, #tpu.memory_space<hbm>>)
    %add3A_846 = arith.constant 1 : i32
    %add3A_847 = arith.addi %add3A_823, %add3A_846 : i32
    %dma_wait3A_848 = arith.constant 4 : i32
    %dma_wait3A_849 = arith.constant 4 : i32
    %dma_wait3A_850 = arith.constant 50 : i32
    %dma_wait3A_851 = arith.constant 0 : i32
    %dma_wait3A_852 = tpu.memref_slice %arg6[%dma_wait3A_848, %dma_wait3A_850, %dma_wait3A_851] : memref<8x100x128xf32, #tpu.memory_space<vmem>> -> memref<1x50x128xf32, #tpu.memory_space<vmem>>
    %dma_wait3A_853 = tpu.memref_squeeze %dma_wait3A_852 : memref<1x50x128xf32, #tpu.memory_space<vmem>> -> memref<50x128xf32, #tpu.memory_space<vmem>>
    %dma_wait3A_854 = arith.constant 0 : i32
    %dma_wait3A_855 = arith.constant 0 : i32
    %dma_wait3A_856 = tpu.memref_slice %arg4[%add3A_847, %dma_wait3A_854, %dma_wait3A_855] : memref<2048x50x128xf32, #tpu.memory_space<hbm>> -> memref<1x50x128xf32, #tpu.memory_space<hbm>>
    %dma_wait3A_857 = tpu.memref_squeeze %dma_wait3A_856 : memref<1x50x128xf32, #tpu.memory_space<hbm>> -> memref<50x128xf32, #tpu.memory_space<hbm>>
    %dma_wait3A_858 = tpu.memref_slice %arg8[%dma_wait3A_849] : memref<8x!tpu.dma_semaphore, #tpu.memory_space<semaphore_mem>> -> memref<1x!tpu.dma_semaphore, #tpu.memory_space<semaphore_mem>>
    %dma_wait3A_859 = tpu.memref_squeeze %dma_wait3A_858 : memref<1x!tpu.dma_semaphore, #tpu.memory_space<semaphore_mem>> -> memref<!tpu.dma_semaphore, #tpu.memory_space<semaphore_mem>>
    %dma_wait3A_860 = arith.constant 0 : i32
    %dma_wait3A_861 = arith.constant 0 : i32
    %dma_wait3A_862 = tpu.memref_slice %arg4[%add3A_847, %dma_wait3A_860, %dma_wait3A_861] : memref<2048x50x128xf32, #tpu.memory_space<hbm>> -> memref<1x50x128xf32, #tpu.memory_space<hbm>>
    %dma_wait3A_863 = tpu.memref_squeeze %dma_wait3A_862 : memref<1x50x128xf32, #tpu.memory_space<hbm>> -> memref<50x128xf32, #tpu.memory_space<hbm>>
    %dma_wait3A_864 = arith.constant 50 : i32
    %dma_wait3A_865 = arith.constant 0 : i32
    %dma_wait3A_866 = tpu.memref_slice %arg6[%dma_wait3A_848, %dma_wait3A_864, %dma_wait3A_865] : memref<8x100x128xf32, #tpu.memory_space<vmem>> -> memref<1x50x128xf32, #tpu.memory_space<vmem>>
    %dma_wait3A_867 = tpu.memref_squeeze %dma_wait3A_866 : memref<1x50x128xf32, #tpu.memory_space<vmem>> -> memref<50x128xf32, #tpu.memory_space<vmem>>
    tpu.wait_dma2 semaphore(%dma_wait3A_859 : memref<!tpu.dma_semaphore, #tpu.memory_space<semaphore_mem>>) src(%dma_wait3A_867 : memref<50x128xf32, #tpu.memory_space<vmem>>) dst(%dma_wait3A_863 : memref<50x128xf32, #tpu.memory_space<hbm>>)
    %mul3A_868 = arith.constant 64 : i32
    %mul3A_869 = arith.muli %add3A, %mul3A_868 : i32
    %add3A_870 = arith.constant 58 : i32
    %add3A_871 = arith.addi %mul3A_869, %add3A_870 : i32
    %add3A_872 = arith.constant 0 : i32
    %add3A_873 = arith.addi %add3A_871, %add3A_872 : i32
    %dma_wait3A_874 = arith.constant 5 : i32
    %dma_wait3A_875 = arith.constant 5 : i32
    %dma_wait3A_876 = arith.constant 0 : i32
    %dma_wait3A_877 = arith.constant 0 : i32
    %dma_wait3A_878 = tpu.memref_slice %arg6[%dma_wait3A_874, %dma_wait3A_876, %dma_wait3A_877] : memref<8x100x128xf32, #tpu.memory_space<vmem>> -> memref<1x50x128xf32, #tpu.memory_space<vmem>>
    %dma_wait3A_879 = tpu.memref_squeeze %dma_wait3A_878 : memref<1x50x128xf32, #tpu.memory_space<vmem>> -> memref<50x128xf32, #tpu.memory_space<vmem>>
    %dma_wait3A_880 = arith.constant 0 : i32
    %dma_wait3A_881 = arith.constant 0 : i32
    %dma_wait3A_882 = tpu.memref_slice %arg4[%add3A_873, %dma_wait3A_880, %dma_wait3A_881] : memref<2048x50x128xf32, #tpu.memory_space<hbm>> -> memref<1x50x128xf32, #tpu.memory_space<hbm>>
    %dma_wait3A_883 = tpu.memref_squeeze %dma_wait3A_882 : memref<1x50x128xf32, #tpu.memory_space<hbm>> -> memref<50x128xf32, #tpu.memory_space<hbm>>
    %dma_wait3A_884 = tpu.memref_slice %arg8[%dma_wait3A_875] : memref<8x!tpu.dma_semaphore, #tpu.memory_space<semaphore_mem>> -> memref<1x!tpu.dma_semaphore, #tpu.memory_space<semaphore_mem>>
    %dma_wait3A_885 = tpu.memref_squeeze %dma_wait3A_884 : memref<1x!tpu.dma_semaphore, #tpu.memory_space<semaphore_mem>> -> memref<!tpu.dma_semaphore, #tpu.memory_space<semaphore_mem>>
    %dma_wait3A_886 = arith.constant 0 : i32
    %dma_wait3A_887 = arith.constant 0 : i32
    %dma_wait3A_888 = tpu.memref_slice %arg4[%add3A_873, %dma_wait3A_886, %dma_wait3A_887] : memref<2048x50x128xf32, #tpu.memory_space<hbm>> -> memref<1x50x128xf32, #tpu.memory_space<hbm>>
    %dma_wait3A_889 = tpu.memref_squeeze %dma_wait3A_888 : memref<1x50x128xf32, #tpu.memory_space<hbm>> -> memref<50x128xf32, #tpu.memory_space<hbm>>
    %dma_wait3A_890 = arith.constant 0 : i32
    %dma_wait3A_891 = arith.constant 0 : i32
    %dma_wait3A_892 = tpu.memref_slice %arg6[%dma_wait3A_874, %dma_wait3A_890, %dma_wait3A_891] : memref<8x100x128xf32, #tpu.memory_space<vmem>> -> memref<1x50x128xf32, #tpu.memory_space<vmem>>
    %dma_wait3A_893 = tpu.memref_squeeze %dma_wait3A_892 : memref<1x50x128xf32, #tpu.memory_space<vmem>> -> memref<50x128xf32, #tpu.memory_space<vmem>>
    tpu.wait_dma2 semaphore(%dma_wait3A_885 : memref<!tpu.dma_semaphore, #tpu.memory_space<semaphore_mem>>) src(%dma_wait3A_893 : memref<50x128xf32, #tpu.memory_space<vmem>>) dst(%dma_wait3A_889 : memref<50x128xf32, #tpu.memory_space<hbm>>)
    %add3A_894 = arith.constant 1 : i32
    %add3A_895 = arith.addi %add3A_871, %add3A_894 : i32
    %dma_wait3A_896 = arith.constant 5 : i32
    %dma_wait3A_897 = arith.constant 5 : i32
    %dma_wait3A_898 = arith.constant 50 : i32
    %dma_wait3A_899 = arith.constant 0 : i32
    %dma_wait3A_900 = tpu.memref_slice %arg6[%dma_wait3A_896, %dma_wait3A_898, %dma_wait3A_899] : memref<8x100x128xf32, #tpu.memory_space<vmem>> -> memref<1x50x128xf32, #tpu.memory_space<vmem>>
    %dma_wait3A_901 = tpu.memref_squeeze %dma_wait3A_900 : memref<1x50x128xf32, #tpu.memory_space<vmem>> -> memref<50x128xf32, #tpu.memory_space<vmem>>
    %dma_wait3A_902 = arith.constant 0 : i32
    %dma_wait3A_903 = arith.constant 0 : i32
    %dma_wait3A_904 = tpu.memref_slice %arg4[%add3A_895, %dma_wait3A_902, %dma_wait3A_903] : memref<2048x50x128xf32, #tpu.memory_space<hbm>> -> memref<1x50x128xf32, #tpu.memory_space<hbm>>
    %dma_wait3A_905 = tpu.memref_squeeze %dma_wait3A_904 : memref<1x50x128xf32, #tpu.memory_space<hbm>> -> memref<50x128xf32, #tpu.memory_space<hbm>>
    %dma_wait3A_906 = tpu.memref_slice %arg8[%dma_wait3A_897] : memref<8x!tpu.dma_semaphore, #tpu.memory_space<semaphore_mem>> -> memref<1x!tpu.dma_semaphore, #tpu.memory_space<semaphore_mem>>
    %dma_wait3A_907 = tpu.memref_squeeze %dma_wait3A_906 : memref<1x!tpu.dma_semaphore, #tpu.memory_space<semaphore_mem>> -> memref<!tpu.dma_semaphore, #tpu.memory_space<semaphore_mem>>
    %dma_wait3A_908 = arith.constant 0 : i32
    %dma_wait3A_909 = arith.constant 0 : i32
    %dma_wait3A_910 = tpu.memref_slice %arg4[%add3A_895, %dma_wait3A_908, %dma_wait3A_909] : memref<2048x50x128xf32, #tpu.memory_space<hbm>> -> memref<1x50x128xf32, #tpu.memory_space<hbm>>
    %dma_wait3A_911 = tpu.memref_squeeze %dma_wait3A_910 : memref<1x50x128xf32, #tpu.memory_space<hbm>> -> memref<50x128xf32, #tpu.memory_space<hbm>>
    %dma_wait3A_912 = arith.constant 50 : i32
    %dma_wait3A_913 = arith.constant 0 : i32
    %dma_wait3A_914 = tpu.memref_slice %arg6[%dma_wait3A_896, %dma_wait3A_912, %dma_wait3A_913] : memref<8x100x128xf32, #tpu.memory_space<vmem>> -> memref<1x50x128xf32, #tpu.memory_space<vmem>>
    %dma_wait3A_915 = tpu.memref_squeeze %dma_wait3A_914 : memref<1x50x128xf32, #tpu.memory_space<vmem>> -> memref<50x128xf32, #tpu.memory_space<vmem>>
    tpu.wait_dma2 semaphore(%dma_wait3A_907 : memref<!tpu.dma_semaphore, #tpu.memory_space<semaphore_mem>>) src(%dma_wait3A_915 : memref<50x128xf32, #tpu.memory_space<vmem>>) dst(%dma_wait3A_911 : memref<50x128xf32, #tpu.memory_space<hbm>>)
    %mul3A_916 = arith.constant 64 : i32
    %mul3A_917 = arith.muli %add3A, %mul3A_916 : i32
    %add3A_918 = arith.constant 60 : i32
    %add3A_919 = arith.addi %mul3A_917, %add3A_918 : i32
    %add3A_920 = arith.constant 0 : i32
    %add3A_921 = arith.addi %add3A_919, %add3A_920 : i32
    %dma_wait3A_922 = arith.constant 6 : i32
    %dma_wait3A_923 = arith.constant 6 : i32
    %dma_wait3A_924 = arith.constant 0 : i32
    %dma_wait3A_925 = arith.constant 0 : i32
    %dma_wait3A_926 = tpu.memref_slice %arg6[%dma_wait3A_922, %dma_wait3A_924, %dma_wait3A_925] : memref<8x100x128xf32, #tpu.memory_space<vmem>> -> memref<1x50x128xf32, #tpu.memory_space<vmem>>
    %dma_wait3A_927 = tpu.memref_squeeze %dma_wait3A_926 : memref<1x50x128xf32, #tpu.memory_space<vmem>> -> memref<50x128xf32, #tpu.memory_space<vmem>>
    %dma_wait3A_928 = arith.constant 0 : i32
    %dma_wait3A_929 = arith.constant 0 : i32
    %dma_wait3A_930 = tpu.memref_slice %arg4[%add3A_921, %dma_wait3A_928, %dma_wait3A_929] : memref<2048x50x128xf32, #tpu.memory_space<hbm>> -> memref<1x50x128xf32, #tpu.memory_space<hbm>>
    %dma_wait3A_931 = tpu.memref_squeeze %dma_wait3A_930 : memref<1x50x128xf32, #tpu.memory_space<hbm>> -> memref<50x128xf32, #tpu.memory_space<hbm>>
    %dma_wait3A_932 = tpu.memref_slice %arg8[%dma_wait3A_923] : memref<8x!tpu.dma_semaphore, #tpu.memory_space<semaphore_mem>> -> memref<1x!tpu.dma_semaphore, #tpu.memory_space<semaphore_mem>>
    %dma_wait3A_933 = tpu.memref_squeeze %dma_wait3A_932 : memref<1x!tpu.dma_semaphore, #tpu.memory_space<semaphore_mem>> -> memref<!tpu.dma_semaphore, #tpu.memory_space<semaphore_mem>>
    %dma_wait3A_934 = arith.constant 0 : i32
    %dma_wait3A_935 = arith.constant 0 : i32
    %dma_wait3A_936 = tpu.memref_slice %arg4[%add3A_921, %dma_wait3A_934, %dma_wait3A_935] : memref<2048x50x128xf32, #tpu.memory_space<hbm>> -> memref<1x50x128xf32, #tpu.memory_space<hbm>>
    %dma_wait3A_937 = tpu.memref_squeeze %dma_wait3A_936 : memref<1x50x128xf32, #tpu.memory_space<hbm>> -> memref<50x128xf32, #tpu.memory_space<hbm>>
    %dma_wait3A_938 = arith.constant 0 : i32
    %dma_wait3A_939 = arith.constant 0 : i32
    %dma_wait3A_940 = tpu.memref_slice %arg6[%dma_wait3A_922, %dma_wait3A_938, %dma_wait3A_939] : memref<8x100x128xf32, #tpu.memory_space<vmem>> -> memref<1x50x128xf32, #tpu.memory_space<vmem>>
    %dma_wait3A_941 = tpu.memref_squeeze %dma_wait3A_940 : memref<1x50x128xf32, #tpu.memory_space<vmem>> -> memref<50x128xf32, #tpu.memory_space<vmem>>
    tpu.wait_dma2 semaphore(%dma_wait3A_933 : memref<!tpu.dma_semaphore, #tpu.memory_space<semaphore_mem>>) src(%dma_wait3A_941 : memref<50x128xf32, #tpu.memory_space<vmem>>) dst(%dma_wait3A_937 : memref<50x128xf32, #tpu.memory_space<hbm>>)
    %add3A_942 = arith.constant 1 : i32
    %add3A_943 = arith.addi %add3A_919, %add3A_942 : i32
    %dma_wait3A_944 = arith.constant 6 : i32
    %dma_wait3A_945 = arith.constant 6 : i32
    %dma_wait3A_946 = arith.constant 50 : i32
    %dma_wait3A_947 = arith.constant 0 : i32
    %dma_wait3A_948 = tpu.memref_slice %arg6[%dma_wait3A_944, %dma_wait3A_946, %dma_wait3A_947] : memref<8x100x128xf32, #tpu.memory_space<vmem>> -> memref<1x50x128xf32, #tpu.memory_space<vmem>>
    %dma_wait3A_949 = tpu.memref_squeeze %dma_wait3A_948 : memref<1x50x128xf32, #tpu.memory_space<vmem>> -> memref<50x128xf32, #tpu.memory_space<vmem>>
    %dma_wait3A_950 = arith.constant 0 : i32
    %dma_wait3A_951 = arith.constant 0 : i32
    %dma_wait3A_952 = tpu.memref_slice %arg4[%add3A_943, %dma_wait3A_950, %dma_wait3A_951] : memref<2048x50x128xf32, #tpu.memory_space<hbm>> -> memref<1x50x128xf32, #tpu.memory_space<hbm>>
    %dma_wait3A_953 = tpu.memref_squeeze %dma_wait3A_952 : memref<1x50x128xf32, #tpu.memory_space<hbm>> -> memref<50x128xf32, #tpu.memory_space<hbm>>
    %dma_wait3A_954 = tpu.memref_slice %arg8[%dma_wait3A_945] : memref<8x!tpu.dma_semaphore, #tpu.memory_space<semaphore_mem>> -> memref<1x!tpu.dma_semaphore, #tpu.memory_space<semaphore_mem>>
    %dma_wait3A_955 = tpu.memref_squeeze %dma_wait3A_954 : memref<1x!tpu.dma_semaphore, #tpu.memory_space<semaphore_mem>> -> memref<!tpu.dma_semaphore, #tpu.memory_space<semaphore_mem>>
    %dma_wait3A_956 = arith.constant 0 : i32
    %dma_wait3A_957 = arith.constant 0 : i32
    %dma_wait3A_958 = tpu.memref_slice %arg4[%add3A_943, %dma_wait3A_956, %dma_wait3A_957] : memref<2048x50x128xf32, #tpu.memory_space<hbm>> -> memref<1x50x128xf32, #tpu.memory_space<hbm>>
    %dma_wait3A_959 = tpu.memref_squeeze %dma_wait3A_958 : memref<1x50x128xf32, #tpu.memory_space<hbm>> -> memref<50x128xf32, #tpu.memory_space<hbm>>
    %dma_wait3A_960 = arith.constant 50 : i32
    %dma_wait3A_961 = arith.constant 0 : i32
    %dma_wait3A_962 = tpu.memref_slice %arg6[%dma_wait3A_944, %dma_wait3A_960, %dma_wait3A_961] : memref<8x100x128xf32, #tpu.memory_space<vmem>> -> memref<1x50x128xf32, #tpu.memory_space<vmem>>
    %dma_wait3A_963 = tpu.memref_squeeze %dma_wait3A_962 : memref<1x50x128xf32, #tpu.memory_space<vmem>> -> memref<50x128xf32, #tpu.memory_space<vmem>>
    tpu.wait_dma2 semaphore(%dma_wait3A_955 : memref<!tpu.dma_semaphore, #tpu.memory_space<semaphore_mem>>) src(%dma_wait3A_963 : memref<50x128xf32, #tpu.memory_space<vmem>>) dst(%dma_wait3A_959 : memref<50x128xf32, #tpu.memory_space<hbm>>)
    %mul3A_964 = arith.constant 64 : i32
    %mul3A_965 = arith.muli %add3A, %mul3A_964 : i32
    %add3A_966 = arith.constant 62 : i32
    %add3A_967 = arith.addi %mul3A_965, %add3A_966 : i32
    %add3A_968 = arith.constant 0 : i32
    %add3A_969 = arith.addi %add3A_967, %add3A_968 : i32
    %dma_wait3A_970 = arith.constant 7 : i32
    %dma_wait3A_971 = arith.constant 7 : i32
    %dma_wait3A_972 = arith.constant 0 : i32
    %dma_wait3A_973 = arith.constant 0 : i32
    %dma_wait3A_974 = tpu.memref_slice %arg6[%dma_wait3A_970, %dma_wait3A_972, %dma_wait3A_973] : memref<8x100x128xf32, #tpu.memory_space<vmem>> -> memref<1x50x128xf32, #tpu.memory_space<vmem>>
    %dma_wait3A_975 = tpu.memref_squeeze %dma_wait3A_974 : memref<1x50x128xf32, #tpu.memory_space<vmem>> -> memref<50x128xf32, #tpu.memory_space<vmem>>
    %dma_wait3A_976 = arith.constant 0 : i32
    %dma_wait3A_977 = arith.constant 0 : i32
    %dma_wait3A_978 = tpu.memref_slice %arg4[%add3A_969, %dma_wait3A_976, %dma_wait3A_977] : memref<2048x50x128xf32, #tpu.memory_space<hbm>> -> memref<1x50x128xf32, #tpu.memory_space<hbm>>
    %dma_wait3A_979 = tpu.memref_squeeze %dma_wait3A_978 : memref<1x50x128xf32, #tpu.memory_space<hbm>> -> memref<50x128xf32, #tpu.memory_space<hbm>>
    %dma_wait3A_980 = tpu.memref_slice %arg8[%dma_wait3A_971] : memref<8x!tpu.dma_semaphore, #tpu.memory_space<semaphore_mem>> -> memref<1x!tpu.dma_semaphore, #tpu.memory_space<semaphore_mem>>
    %dma_wait3A_981 = tpu.memref_squeeze %dma_wait3A_980 : memref<1x!tpu.dma_semaphore, #tpu.memory_space<semaphore_mem>> -> memref<!tpu.dma_semaphore, #tpu.memory_space<semaphore_mem>>
    %dma_wait3A_982 = arith.constant 0 : i32
    %dma_wait3A_983 = arith.constant 0 : i32
    %dma_wait3A_984 = tpu.memref_slice %arg4[%add3A_969, %dma_wait3A_982, %dma_wait3A_983] : memref<2048x50x128xf32, #tpu.memory_space<hbm>> -> memref<1x50x128xf32, #tpu.memory_space<hbm>>
    %dma_wait3A_985 = tpu.memref_squeeze %dma_wait3A_984 : memref<1x50x128xf32, #tpu.memory_space<hbm>> -> memref<50x128xf32, #tpu.memory_space<hbm>>
    %dma_wait3A_986 = arith.constant 0 : i32
    %dma_wait3A_987 = arith.constant 0 : i32
    %dma_wait3A_988 = tpu.memref_slice %arg6[%dma_wait3A_970, %dma_wait3A_986, %dma_wait3A_987] : memref<8x100x128xf32, #tpu.memory_space<vmem>> -> memref<1x50x128xf32, #tpu.memory_space<vmem>>
    %dma_wait3A_989 = tpu.memref_squeeze %dma_wait3A_988 : memref<1x50x128xf32, #tpu.memory_space<vmem>> -> memref<50x128xf32, #tpu.memory_space<vmem>>
    tpu.wait_dma2 semaphore(%dma_wait3A_981 : memref<!tpu.dma_semaphore, #tpu.memory_space<semaphore_mem>>) src(%dma_wait3A_989 : memref<50x128xf32, #tpu.memory_space<vmem>>) dst(%dma_wait3A_985 : memref<50x128xf32, #tpu.memory_space<hbm>>)
    %add3A_990 = arith.constant 1 : i32
    %add3A_991 = arith.addi %add3A_967, %add3A_990 : i32
    %dma_wait3A_992 = arith.constant 7 : i32
    %dma_wait3A_993 = arith.constant 7 : i32
    %dma_wait3A_994 = arith.constant 50 : i32
    %dma_wait3A_995 = arith.constant 0 : i32
    %dma_wait3A_996 = tpu.memref_slice %arg6[%dma_wait3A_992, %dma_wait3A_994, %dma_wait3A_995] : memref<8x100x128xf32, #tpu.memory_space<vmem>> -> memref<1x50x128xf32, #tpu.memory_space<vmem>>
    %dma_wait3A_997 = tpu.memref_squeeze %dma_wait3A_996 : memref<1x50x128xf32, #tpu.memory_space<vmem>> -> memref<50x128xf32, #tpu.memory_space<vmem>>
    %dma_wait3A_998 = arith.constant 0 : i32
    %dma_wait3A_999 = arith.constant 0 : i32
    %dma_wait3A_1000 = tpu.memref_slice %arg4[%add3A_991, %dma_wait3A_998, %dma_wait3A_999] : memref<2048x50x128xf32, #tpu.memory_space<hbm>> -> memref<1x50x128xf32, #tpu.memory_space<hbm>>
    %dma_wait3A_1001 = tpu.memref_squeeze %dma_wait3A_1000 : memref<1x50x128xf32, #tpu.memory_space<hbm>> -> memref<50x128xf32, #tpu.memory_space<hbm>>
    %dma_wait3A_1002 = tpu.memref_slice %arg8[%dma_wait3A_993] : memref<8x!tpu.dma_semaphore, #tpu.memory_space<semaphore_mem>> -> memref<1x!tpu.dma_semaphore, #tpu.memory_space<semaphore_mem>>
    %dma_wait3A_1003 = tpu.memref_squeeze %dma_wait3A_1002 : memref<1x!tpu.dma_semaphore, #tpu.memory_space<semaphore_mem>> -> memref<!tpu.dma_semaphore, #tpu.memory_space<semaphore_mem>>
    %dma_wait3A_1004 = arith.constant 0 : i32
    %dma_wait3A_1005 = arith.constant 0 : i32
    %dma_wait3A_1006 = tpu.memref_slice %arg4[%add3A_991, %dma_wait3A_1004, %dma_wait3A_1005] : memref<2048x50x128xf32, #tpu.memory_space<hbm>> -> memref<1x50x128xf32, #tpu.memory_space<hbm>>
    %dma_wait3A_1007 = tpu.memref_squeeze %dma_wait3A_1006 : memref<1x50x128xf32, #tpu.memory_space<hbm>> -> memref<50x128xf32, #tpu.memory_space<hbm>>
    %dma_wait3A_1008 = arith.constant 50 : i32
    %dma_wait3A_1009 = arith.constant 0 : i32
    %dma_wait3A_1010 = tpu.memref_slice %arg6[%dma_wait3A_992, %dma_wait3A_1008, %dma_wait3A_1009] : memref<8x100x128xf32, #tpu.memory_space<vmem>> -> memref<1x50x128xf32, #tpu.memory_space<vmem>>
    %dma_wait3A_1011 = tpu.memref_squeeze %dma_wait3A_1010 : memref<1x50x128xf32, #tpu.memory_space<vmem>> -> memref<50x128xf32, #tpu.memory_space<vmem>>
    tpu.wait_dma2 semaphore(%dma_wait3A_1003 : memref<!tpu.dma_semaphore, #tpu.memory_space<semaphore_mem>>) src(%dma_wait3A_1011 : memref<50x128xf32, #tpu.memory_space<vmem>>) dst(%dma_wait3A_1007 : memref<50x128xf32, #tpu.memory_space<hbm>>)
    return
  }
}

</mosaic_0001>

<sc_bundles>
// kernel: _embedding_gather.3.cloned.1.call-start
scs
__scs_entry_jumppad:
0x0: {  	(pc) =	sbr.rel $0x88, $3  }
0x1: {  	(tag) =	ssettag $0x0;
	lr =	simm.s32 $0x1  }
0x2: {  	[smem:$0x3F9F] =	sst lr;
	_ =	strace $0xD0000000  }
0x3: {  	_ = 	snop  }
0x4: {  	_ = 	snop  }
0x5: {  	_ = 	snop  }
0x6: {  	_ = 	snop  }
0x7: {  	_ = 	snop  }
__scs_overlays_trampoline_lowered:
0x8: {  	[smem:$0x3FAE] =	sst s0  }
0x9: {  	[smem:$0x3FAF] =	sst s1  }
0xa: {  	[smem:$0x3FB0] =	sst s2  }
0xb: {  	[smem:$0x3FB1] =	sst s3  }
0xc: {  	[smem:$0x3FB2] =	sst s4  }
0xd: {  	[smem:$0x3FB3] =	sst s5  }
0xe: {  	[smem:$0x3FB4] =	sst s6  }
0xf: {  	[smem:$0x3FB5] =	sst s7  }
0x10: {  	[smem:$0x3FB6] =	sst s8  }
0x11: {  	[smem:$0x3FB7] =	sst s9;
	s0 =	simm.s32 @!p0 $0x0  }
0x12: {  	s1 =	sld [smem:$0x3F9D];
	s0 =	simm.s32 @p0 $0x1  }
0x13: {  	[smem:$0x3FB8] =	sst s0;
	s0 =	simm.s32 @!p1 $0x0  }
0x14: {  	s2 =	sld [smem:$0x3F9C];
	s0 =	simm.s32 @p1 $0x1  }
0x15: {  	[smem:$0x3FB9] =	sst s0;
	s0 =	simm.s32 @!p2 $0x0  }
0x16: {  	s3 =	sld [smem:$0x3FDB];
	s0 =	simm.s32 @p2 $0x1  }
0x17: {  	s4 =	simm.s32 $0x1BF5;
	[smem:$0x3FBB] =	sst s0  }
0x18: {  	s0 =	sld [smem:$0x3F9E];
	_ =	swait.ge [sflag:s4], $0x0  }
0x19: {  	s7 =	sld [smem:$0x3F9F]  }
0x1a: {  	s8 =	sadd.s32 $0xFFFFE003, lr  }
0x1b: {  	s9 =	sadd.s32 $0xFFFFFEF7, lr;
	s5 =	simm.s32 $0xFFFFFFFF;
	p2 =	slt.u32 s8, $0xFFFFF086  }
0x1c: {  	p1 =	slt.u32 s9, $0xF7A;
	s5 =	simm.s32 @!p2 $0x0  }
0x1d: {  	s5 =	simm.s32 @p1 $0x1;
	p0 =	seq.s32 s7, s2  }
0x1e: {  	s7 =	smul.u32 @!p0 $0xF7A, s2;
	p2 =	seq.s32 @!p0 s5, $0x0  }
0x1f: {  	s9 =	smul.u32 $0xF7A, s1;
	s8 =	simm.s32 @!p0 $0x1BF5;
	p2 =	por !p2, p0  }
0x20: {  	[sflag:s8] =	ssyncset.s32 @!p0 $0xFFFFF086;
	s6 =	sadd.s32 @!p0 s3, s7;
	s7 =	simm.s32 @!p0 $0x108  }
0x21: {  	s3 =	sadd.s32 s3, s9;
	s6 =	sadd.s32 @!p0 $0x88, s6;
	s7 =	simm.s32 @p2 $0x1082  }
0x22: {  	[simem:s7], [sflag:s8] =	dma.local @!p0 [hbm:s6], $0xF7A  }
0x23: {  	s9 =	sor.u32 $0xD0000000, s2;
	s6 =	simm.s32 $0x108;
	_ =	swait.ge @!p0 [sflag:s8], $0x0  }
0x24: {  	s3 =	sadd.s32 $0x88, s3;
	s6 =	simm.s32 @!p1 $0x1082;
	[sflag:s4] =	ssyncset.s32 $0xFFFFF086  }
0x25: {  	[simem:s6], [sflag:s4] =	dma.local [hbm:s3], $0xF7A  }
0x26: {  	[smem:$0x3F9F] =	sst s1;
	(tag) =	ssettag s2;
	_ =	strace s9  }
0x27: {  	s1 =	sld [smem:$0x3FAF]  }
0x28: {  	s2 =	sld [smem:$0x3FB0]  }
0x29: {  	s4 =	sld [smem:$0x3FB2]  }
0x2a: {  	p0 =	seq.s32 s5, $0x0;
	s5 =	sld [smem:$0x3FB3]  }
0x2b: {  	s6 =	sld [smem:$0x3FB4]  }
0x2c: {  	s7 =	sld [smem:$0x3FB5]  }
0x2d: {  	s3 =	simm.s32 $0x108;
	s8 =	sld [smem:$0x3FB6]  }
0x2e: {  	s3 =	simm.s32 @!p0 $0x1082;
	s9 =	sld [smem:$0x3FB7]  }
0x2f: {  	lr =	sadd.s32 s0, s3;
	s0 =	sld [smem:$0x3FAE]  }
0x30: {  	s3 =	sld [smem:$0x3FB1]  }
0x31: {  	[smem:$0x3FBA] =	sst s10  }
0x32: {  	s10 =	sld [smem:$0x3FB8];
	_ =	sdelay $0x3  }
0x33: {  	p0 =	seq.s32 s10, $0x1;
	s10 =	sld [smem:$0x3FBA];
	_ =	sdelay $0x3  }
0x34: {  	[smem:$0x3FBA] =	sst s10  }
0x35: {  	s10 =	sld [smem:$0x3FB9];
	_ =	sdelay $0x3  }
0x36: {  	p1 =	seq.s32 s10, $0x1;
	s10 =	sld [smem:$0x3FBA];
	_ =	sdelay $0x3  }
0x37: {  	[smem:$0x3FBA] =	sst s10  }
0x38: {  	s10 =	sld [smem:$0x3FBB]  }
0x39: {  	_ = 	snop;
	(pc) =	sbr.ind lr, $3  }
0x3a: {  	_ = 	snop  }
0x3b: {  	_ = 	snop  }
0x3c: {  	p2 =	seq.s32 s10, $0x1;
	s10 =	sld [smem:$0x3FBA]  }
0x3d: {  	_ =	shalt  }
0x3e: {  	_ =	shalt  }
0x3f: {  	_ =	shalt  }
0x40: {  	_ =	shalt  }
0x41: {  	_ =	shalt  }
0x42: {  	_ =	shalt  }
0x43: {  	_ =	shalt  }
0x44: {  	_ =	shalt  }
0x45: {  	_ =	shalt  }
0x46: {  	_ =	shalt  }
0x47: {  	_ =	shalt  }
0x48: {  	_ =	shalt  }
0x49: {  	_ =	shalt  }
0x4a: {  	_ =	shalt  }
0x4b: {  	_ =	shalt  }
0x4c: {  	_ =	shalt  }
0x4d: {  	_ =	shalt  }
0x4e: {  	_ =	shalt  }
0x4f: {  	_ =	shalt  }
0x50: {  	_ =	shalt  }
0x51: {  	_ =	shalt  }
0x52: {  	_ =	shalt  }
0x53: {  	_ =	shalt  }
0x54: {  	_ =	shalt  }
0x55: {  	_ =	shalt  }
0x56: {  	_ =	shalt  }
0x57: {  	_ =	shalt  }
0x58: {  	_ =	shalt  }
0x59: {  	_ =	shalt  }
0x5a: {  	_ =	shalt  }
0x5b: {  	_ =	shalt  }
0x5c: {  	_ =	shalt  }
0x5d: {  	_ =	shalt  }
0x5e: {  	_ =	shalt  }
0x5f: {  	_ =	shalt  }
0x60: {  	_ =	shalt  }
0x61: {  	_ =	shalt  }
0x62: {  	_ =	shalt  }
0x63: {  	_ =	shalt  }
0x64: {  	_ =	shalt  }
0x65: {  	_ =	shalt  }
0x66: {  	_ =	shalt  }
0x67: {  	_ =	shalt  }
0x68: {  	_ =	shalt  }
0x69: {  	_ =	shalt  }
0x6a: {  	_ =	shalt  }
0x6b: {  	_ =	shalt  }
0x6c: {  	_ =	shalt  }
0x6d: {  	_ =	shalt  }
0x6e: {  	_ =	shalt  }
0x6f: {  	_ =	shalt  }
0x70: {  	_ =	shalt  }
0x71: {  	_ =	shalt  }
0x72: {  	_ =	shalt  }
0x73: {  	_ =	shalt  }
0x74: {  	_ =	shalt  }
0x75: {  	_ =	shalt  }
0x76: {  	_ =	shalt  }
0x77: {  	_ =	shalt  }
0x78: {  	_ =	shalt  }
0x79: {  	_ =	shalt  }
0x7a: {  	_ =	shalt  }
0x7b: {  	_ =	shalt  }
0x7c: {  	_ =	shalt  }
0x7d: {  	_ =	shalt  }
0x7e: {  	_ =	shalt  }
0x7f: {  	_ =	shalt  }
0x80: {  	_ =	shalt  }
0x81: {  	_ =	shalt  }
0x82: {  	_ =	shalt  }
0x83: {  	_ =	shalt  }
0x84: {  	_ =	shalt  }
0x85: {  	_ =	shalt  }
0x86: {  	_ =	shalt  }
0x87: {  	_ =	shalt  }
.Lfunc_end0:
.L_simem_size_0:
called_computation_lowered:
.L_overlay_start_0:
0x88: {  	s2 =	sld [smem:$0x3FD9]  }
0x89: {  	s3 =	sld [smem:$0x3FFE];
	_ =	sdelay $0x1  }
0x8a: {  	s1 =	srdreg.scid  }
0x8b: {  	s0 =	sand.u32 $0x1, s1  }
0x8c: {  	s17 =	sshll.u32 s0, $0xA;
	s2 =	sadd.s32 s3, s2  }
0x8d: {  	s2 =	sadd.s32 s2, s17  }
0x8e: {  	[smem:$0x3FC6] =	sst s2  }
0x8f: {  	_ = 	snop  }
0x90: {  	s2 =	sld [smem:$0x3FC9]  }
0x91: {  	s18 =	sld [smem:$0x3FC8];
	(tm) =	ssettm $0x1  }
0x92: {  	s4 =	sld [smem:$0x3FFB];
	_ =	sdelay $0x3  }
0x93: {  	_ =	strace s4  }
0x94: {  	s4 =	sld [smem:$0x3FFC];
	_ =	sdelay $0x3  }
0x95: {  	_ =	strace s4  }
0x96: {  	s4 =	sld [smem:$0x3FFD];
	_ =	sdelay $0x3  }
0x97: {  	_ =	strace s4  }
0x98: {  	_ =	strace $0x8FFFFFFF  }
0x99: {  	s19 =	sld [smem:$0x3FDB];
	_ =	sdelay $0x1  }
0x9a: {  	s5 =	simm.s32 $_scs_section_size  }
0x9b: {  	s6 =	simm.s32 $_size__tile_overlayer_lowered;
	s7 =	simm.s32 $_tile_overlayer_lowered  }
0x9c: {  	s22 =	simm.s32 $0x1BFF;
	s21 =	sshll.u32 s7, $0x1;
	s4 =	sadd.s32 s5, s19  }
0x9d: {  	s8 =	simm.s32 $0x0;
	s20 =	sshll.u32 s6, $0x1;
	s6 =	sadd.s32 s21, s4  }
0x9e: {  	[timem:s8], [sflag:s22] =	dma.local [hbm:s6], s20  }
0x9f: {  	_ =	swait.ge [sflag:s22], s20  }
0xa0: {  	s5 =	ssub.s32 $0x0, s20;
	[sflag:s22] =	ssyncset.done $0x0  }
0xa1: {  	[sflag:s22] =	ssyncadd.s32 s5;
	_ =	sdelay $0x1  }
0xa2: {  	s23 =	simm.s32 $0x1B8B  }
0xa3: {  	_ =	swait.ge [sflag:s23], $0x1  }
0xa4: {  	[sflag:s23] =	ssyncset.done $0x0  }
0xa5: {  	s25 =	simm.s32 $0x1B8E;
	s24 =	sld [smem:$0x3FFE];
	[sflag:s23] =	ssyncadd.s32 $0xFFFFFFFF  }
0xa6: {  	s26 =	simm.s32 $execute0_lowered;
	[smem:$0x3FD2] =	sst s25  }
0xa7: {  	s6 =	sshll.u32 s26, $0x1;
	_ =	strace $0x80000046;
	[dreg:$0x1] =	wrdreg $0xFFFFFFFF  }
0xa8: {  	s28 =	simm.s32 $_size_execute0_lowered;
	s4 =	sadd.s32 s4, s6;
	[dreg:$0x0] =	wrdreg $0x0  }
0xa9: {  	s6 =	sshll.u32 s28, $0x1;
	[dreg:$0x2] =	wrdreg s4  }
0xaa: {  	[dreg:$0x3] =	wrdreg s6  }
0xab: {  	[dreg:$0x4] =	wrdreg $0xC0  }
0xac: {  	_ =	task [dreg:s8], $0x5FFFF  }
0xad: {  	[dreg:$0x1] =	wrdreg $0xFFFFFFFF  }
0xae: {  	[dreg:$0x0] =	wrdreg $0x60  }
0xaf: {  	[dreg:$0x2] =	wrdreg s2  }
0xb0: {  	[dreg:$0x3] =	wrdreg s18  }
0xb1: {  	[dreg:$0x4] =	wrdreg s24  }
0xb2: {  	[dreg:$0x5] =	wrdreg $0x9  }
0xb3: {  	_ =	task.clear_ibuf [dreg:s8], $0x6FFFF;
	_ =	strace $0x90000046  }
0xb4: {  	s29 =	simm.s32 $0x9;
	_ =	strace $0x80000048  }
0xb5: {  	_ =	swait.ge [sflag:s29], $0x1  }
0xb6: {  	[sflag:s29] =	ssyncadd.s32 $0xFFFFFFFF  }
0xb7: {  	_ =	strace $0x90000048  }
0xb8: {  	_ =	sfence  }
0xb9: {  	s30 =	sld [smem:$0x0];
	_ =	sdelay $0x2  }
0xba: {  	s31 =	sshll.u32 s1, $0xD;
	s1 =	sshrl.u32 s1, $0x2  }
0xbb: {  	s3 =	sand.u32 $0x4000, s31;
	s1 =	sadd.s32 s1, s30  }
0xbc: {  	s0 =	sor.u32 s3, s0;
	s1 =	sshll.u32 s1, $0x11  }
0xbd: {  	s0 =	sor.u32 s1, s0  }
0xbe: {  	s0 =	sadd.s32 $0x8F2B, s0  }
0xbf: {  	[sflag:s0] =	ssyncadd.remote.s32 $0x1  }
0xc0: {  	_ =	sfence.sel $0xFFFF  }
0xc1: {  	[dreg:$0x0] =	wrdreg $0xFFFFFFFF;
	(pc) =	sbr.abs _section_cstart, $3  }
0xc2: {  	[dreg:$0x1] =	wrdreg $0xFFFFFFFF  }
0xc3: {  	_ =	task.clear_ibuf [dreg:s8], $0x2FFFF;
	_ =	strace $0x9FFFFFFF  }
0xc4: {  	(tm) =	ssettm $0x7FFFFFFF  }
0xc5: {  	_ =	shalt  }
tec
execute0_lowered:
.L_overlay_start_1:
0x0: {  	(tag) =	ssettag $0x1  }
0x1: {  	s1 =	rddreg [dreg:$0x0]  }
0x2: {  	s0 =	rddreg [dreg:$0x1];
	s2 =	srdreg.scid  }
0x3: {  	s9 =	stileid.u32;
	s4 =	rddreg [dreg:$0x2];
	s3 =	simm.s32 $0x0  }
0x4: {  	s2 =	sand.u32 $0x1, s2;
	s5 =	sshll.u32 s9, $0x1;
	s14 =	smul.u32 $0x1C000, s9  }
0x5: {  	[smem:$0x7FF] =	sst s3;
	s5 =	sor.u32 s2, s5;
	s24 =	smul.u32 $0x70000, s2  }
0x6: {  	s4 =	sadd.s32 $0x400, s4;
	_ =	strace $0x80000047;
	s6 =	smul.u32 $0x70000, s5  }
0x7: {  	s7 =	ssub.s32 $0x2, s2;
	s2 =	smul.u32 $0xE000, s2;
	s5 =	sshll.u32 s5, $0x9  }
0x8: {  	s16 =	sadd.s32 s14, s4;
	s0 =	sadd.s32 s0, s5;
	s6 =	sshrl.u32 s6, $0x3  }
0x9: {  	s2 =	sadd.s32 s2, s16;
	[dreg:$0xb] =	wrdreg s0;
	s6 =	sadd.s32 s4, s6  }
0xa: {  	[dreg:$0x5] =	wrdreg s2;
	s18 =	sadd.s32 $0xA800, s6  }
0xb: {  	s19 =	sadd.s32 $0xAB80, s6;
	[dreg:$0xc] =	wrdreg s18  }
0xc: {  	s20 =	sadd.s32 $0xAF00, s6;
	[dreg:$0xd] =	wrdreg s19  }
0xd: {  	s22 =	sadd.s32 $0xB280, s6;
	[dreg:$0xe] =	wrdreg s20  }
0xe: {  	s23 =	sadd.s32 $0xB600, s6;
	[dreg:$0xf] =	wrdreg s22  }
0xf: {  	s31 =	simm.s32 $0x1000;
	s25 =	sadd.s32 $0xB980, s6;
	[dreg:$0x10] =	wrdreg s23  }
0x10: {  	s21 =	smul.u32 $0xE0000, s9;
	s26 =	sadd.s32 $0xBD00, s6;
	[dreg:$0x11] =	wrdreg s25  }
0x11: {  	s8 =	sshrl.u32 s7, $0x1;
	s28 =	sadd.s32 $0xC080, s6;
	[dreg:$0x12] =	wrdreg s26  }
0x12: {  	s14 =	simm.s32 $0xC;
	s29 =	sadd.s32 $0xC400, s6;
	[dreg:$0x13] =	wrdreg s28  }
0x13: {  	s7 =	ssub.s32 s7, s8;
	s30 =	sadd.s32 $0xC780, s6;
	[dreg:$0x14] =	wrdreg s29  }
0x14: {  	s8 =	simm.s32 $0xA;
	s10 =	sadd.s32 $0xCB00, s6;
	[dreg:$0x15] =	wrdreg s30  }
0x15: {  	s0 =	sadd.s32 s24, s21;
	s11 =	sadd.s32 $0xCE80, s6;
	[dreg:$0x16] =	wrdreg s10  }
0x16: {  	s12 =	sadd.s32 $0x1A400, s0;
	s13 =	sadd.s32 $0xD200, s6;
	[dreg:$0x17] =	wrdreg s11  }
0x17: {  	s5 =	sshrl.u32 s12, $0x3;
	s15 =	sadd.s32 $0xD580, s6;
	[dreg:$0x18] =	wrdreg s13  }
0x18: {  	s17 =	sadd.s32 $0x16C00, s0;
	[dreg:$0x19] =	wrdreg s15;
	s5 =	sadd.s32 s5, s4  }
0x19: {  	s18 =	sshrl.u32 s17, $0x3;
	s19 =	sadd.s32 $0x13400, s0;
	s23 =	sor.u32 $0xC400, s0  }
0x1a: {  	s25 =	sor.u32 $0x8C00, s0;
	s0 =	sor.u32 $0x5400, s0;
	s28 =	sadd.s32 $0xD900, s6  }
0x1b: {  	s29 =	sadd.s32 $0xDC80, s6;
	s30 =	smax.u32 s7, $0x1;
	s11 =	simm.s32 $0xB  }
0x1c: {  	s15 =	simm.s32 $0x5;
	s17 =	simm.s32 $0xD;
	s7 =	simm.s32 $0x8  }
0x1d: {  	s13 =	simm.s32 $0x10;
	[dreg:$0x4] =	wrdreg s5;
	s20 =	sadd.s32 s18, s4  }
0x1e: {  	s21 =	sshrl.u32 s19, $0x3;
	s24 =	sshrl.u32 s23, $0x3;
	[dreg:$0x1a] =	wrdreg s28  }
0x1f: {  	s5 =	sshrl.u32 s25, $0x3;
	s0 =	sshrl.u32 s0, $0x3;
	[dreg:$0x1b] =	wrdreg s29  }
0x20: {  	[dreg:$0x1c] =	wrdreg s30;
	s23 =	simm.s32 $0x64;
	s18 =	simm.s32 $0x6  }
0x21: {  	s25 =	simm.s32 $0x11400;
	[dreg:$0x6] =	wrdreg s20;
	s22 =	sadd.s32 s21, s4  }
0x22: {  	s2 =	sadd.s32 s24, s4;
	s26 =	sadd.s32 s5, s4;
	[dreg:$0x7] =	wrdreg s22  }
0x23: {  	s0 =	sadd.s32 s0, s4;
	s5 =	simm.s32 $0x9;
	[dreg:$0x8] =	wrdreg s2  }
0x24: {  	s20 =	simm.s32 $0xE;
	s21 =	simm.s32 $0x7;
	[dreg:$0x9] =	wrdreg s26  }
0x25: {  	s4 =	simm.s32 $0xF;
	[dreg:$0xa] =	wrdreg s0;
	s0 =	simm.s32 $0x0  }
.LBB2_1:
0x26: {  	[dreg:$0x1d] =	wrdreg s0  }
0x27: {  	s10 =	rddreg [dreg:$0xb];
	s29 =	simm.s32 $0x11  }
0x28: {  	[tilespmem:s3], [sflag:$0x11] =	stream.linear.gather [hbm4b:s10+s3], $0x1000, $0x38;
	[tilespmem:$0x1B000] =	vst v63  }
0x29: {  	_ =	swait.ge [sflag:s29], $0x1000  }
0x2a: {  	[sflag:s29] =	ssyncset.done $0x0  }
0x2b: {  	s19 =	simm.s32 $0x1000;
	[sflag:s29] =	ssyncadd.s32 $0xFFFFF000  }
0x2c: {  	[tilespmem:s19], [sflag:$0x1] =	stream.indirect.gather [hbm4b:s1+s23], $0x80, s3, s23, $0xb8;
	[tilespmem:$0x1B000] =	vst v63  }
0x2d: {  	s30 =	simm.s32 $0x80;
	s0 =	simm.s32 $0x4400  }
0x2e: {  	[tilespmem:s0], [sflag:$0x2] =	stream.indirect.gather [hbm4b:s1+s23], $0x80, s30, s23, $0xb8;
	[tilespmem:$0x1B000] =	vst v63  }
0x2f: {  	s2 =	simm.s32 $0x100;
	s22 =	simm.s32 $0x7800  }
0x30: {  	[tilespmem:s22], [sflag:$0x3] =	stream.indirect.gather [hbm4b:s1+s23], $0x80, s2, s23, $0xb8;
	[tilespmem:$0x1B000] =	vst v63  }
0x31: {  	s24 =	simm.s32 $0xAC00;
	s2 =	simm.s32 $0x180  }
0x32: {  	[tilespmem:s24], [sflag:$0x4] =	stream.indirect.gather [hbm4b:s1+s23], $0x80, s2, s23, $0xb8;
	[tilespmem:$0x1B000] =	vst v63  }
0x33: {  	s6 =	simm.s32 $0x200;
	s26 =	simm.s32 $0xE000  }
0x34: {  	[tilespmem:s26], [sflag:$0x5] =	stream.indirect.gather [hbm4b:s1+s23], $0x80, s6, s23, $0xb8;
	[tilespmem:$0x1B000] =	vst v63  }
0x35: {  	s9 =	simm.s32 $0x280;
	s28 =	simm.s32 $0x11400  }
0x36: {  	[tilespmem:s28], [sflag:$0x6] =	stream.indirect.gather [hbm4b:s1+s23], $0x80, s9, s23, $0xb8;
	[tilespmem:$0x1B000] =	vst v63  }
0x37: {  	s10 =	simm.s32 $0x300;
	s6 =	simm.s32 $0x14800  }
0x38: {  	[tilespmem:s6], [sflag:$0x7] =	stream.indirect.gather [hbm4b:s1+s23], $0x80, s10, s23, $0xb8;
	[tilespmem:$0x1B000] =	vst v63  }
0x39: {  	s12 =	simm.s32 $0x380;
	s16 =	simm.s32 $0x1;
	s9 =	simm.s32 $0x17C00  }
0x3a: {  	[tilespmem:s9], [sflag:$0x8] =	stream.indirect.gather [hbm4b:s1+s23], $0x80, s12, s23, $0xb8;
	[tilespmem:$0x1B000] =	vst v63  }
0x3b: {  	_ =	swait.ge [sflag:s16], $0x3200  }
0x3c: {  	s29 =	rddreg [dreg:$0x5];
	[sflag:s16] =	ssyncset.done $0x0  }
0x3d: {  	[sflag:s16] =	ssyncadd.s32 $0xFFFFCE00;
	s10 =	sadd.s32 $0x0, s29  }
0x3e: {  	[hbm4b:s10+s3] =	stream.linear.scatter [tilespmem:s19], [sflag:$0x9], $0x1900, $0x38;
	[tilespmem:$0x1B000] =	vst v63  }
0x3f: {  	s30 =	simm.s32 $0x2900;
	s16 =	sadd.s32 $0x380, s10  }
0x40: {  	[hbm4b:s16+s3] =	stream.linear.scatter [tilespmem:s30], [sflag:$0x9], $0x1900, $0x38;
	[tilespmem:$0x1B000] =	vst v63  }
0x41: {  	_ =	swait.ge [sflag:s5], $0x1900  }
0x42: {  	[sflag:s5] =	ssyncset.done $0x0  }
0x43: {  	[sflag:s5] =	ssyncadd.s32 $0xFFFFE700  }
0x44: {  	_ =	swait.ge [sflag:s5], $0x1900  }
0x45: {  	[sflag:s5] =	ssyncset.done $0x0  }
0x46: {  	s12 =	simm.s32 $0x400;
	s29 =	simm.s32 $0x2;
	[sflag:s5] =	ssyncadd.s32 $0xFFFFE700  }
0x47: {  	[tilespmem:s19], [sflag:$0x1] =	stream.indirect.gather [hbm4b:s1+s23], $0x80, s12, s23, $0xb8;
	[tilespmem:$0x1B000] =	vst v63  }
0x48: {  	_ =	swait.ge [sflag:s29], $0x3200  }
0x49: {  	[sflag:s29] =	ssyncset.done $0x0  }
0x4a: {  	s2 =	sadd.s32 $0x700, s10;
	s30 =	rddreg [dreg:$0xa];
	[sflag:s29] =	ssyncadd.s32 $0xFFFFCE00  }
0x4b: {  	[hbm4b:s2+s3] =	stream.linear.scatter [tilespmem:s0], [sflag:$0xA], $0x1900, $0x38;
	[tilespmem:$0x1B000] =	vst v63  }
0x4c: {  	s12 =	simm.s32 $0x5D00;
	s16 =	sadd.s32 $0x0, s30  }
0x4d: {  	[hbm4b:s16+s3] =	stream.linear.scatter [tilespmem:s12], [sflag:$0xA], $0x1900, $0x38;
	[tilespmem:$0x1B000] =	vst v63  }
0x4e: {  	_ =	swait.ge [sflag:s8], $0x1900  }
0x4f: {  	[sflag:s8] =	ssyncset.done $0x0  }
0x50: {  	[sflag:s8] =	ssyncadd.s32 $0xFFFFE700  }
0x51: {  	_ =	swait.ge [sflag:s8], $0x1900  }
0x52: {  	[sflag:s8] =	ssyncset.done $0x0  }
0x53: {  	s19 =	simm.s32 $0x480;
	s29 =	simm.s32 $0x3;
	[sflag:s8] =	ssyncadd.s32 $0xFFFFE700  }
0x54: {  	[tilespmem:s0], [sflag:$0x2] =	stream.indirect.gather [hbm4b:s1+s23], $0x80, s19, s23, $0xb8;
	[tilespmem:$0x1B000] =	vst v63  }
0x55: {  	_ =	swait.ge [sflag:s29], $0x3200  }
0x56: {  	[sflag:s29] =	ssyncset.done $0x0  }
0x57: {  	s0 =	sadd.s32 $0xE00, s10;
	s30 =	rddreg [dreg:$0x9];
	[sflag:s29] =	ssyncadd.s32 $0xFFFFCE00  }
0x58: {  	[hbm4b:s0+s3] =	stream.linear.scatter [tilespmem:s22], [sflag:$0xB], $0x1900, $0x38;
	[tilespmem:$0x1B000] =	vst v63  }
0x59: {  	s2 =	simm.s32 $0x9100;
	s16 =	sadd.s32 $0x0, s30  }
0x5a: {  	[hbm4b:s16+s3] =	stream.linear.scatter [tilespmem:s2], [sflag:$0xB], $0x1900, $0x38;
	[tilespmem:$0x1B000] =	vst v63  }
0x5b: {  	_ =	swait.ge [sflag:s11], $0x1900  }
0x5c: {  	[sflag:s11] =	ssyncset.done $0x0  }
0x5d: {  	[sflag:s11] =	ssyncadd.s32 $0xFFFFE700  }
0x5e: {  	_ =	swait.ge [sflag:s11], $0x1900  }
0x5f: {  	[sflag:s11] =	ssyncset.done $0x0  }
0x60: {  	s12 =	simm.s32 $0x500;
	s19 =	simm.s32 $0x4;
	[sflag:s11] =	ssyncadd.s32 $0xFFFFE700  }
0x61: {  	[tilespmem:s22], [sflag:$0x3] =	stream.indirect.gather [hbm4b:s1+s23], $0x80, s12, s23, $0xb8;
	[tilespmem:$0x1B000] =	vst v63  }
0x62: {  	_ =	swait.ge [sflag:s19], $0x3200  }
0x63: {  	[sflag:s19] =	ssyncset.done $0x0  }
0x64: {  	s29 =	sadd.s32 $0x1500, s10;
	s22 =	rddreg [dreg:$0x8];
	[sflag:s19] =	ssyncadd.s32 $0xFFFFCE00  }
0x65: {  	[hbm4b:s29+s3] =	stream.linear.scatter [tilespmem:s24], [sflag:$0xC], $0x1900, $0x38;
	[tilespmem:$0x1B000] =	vst v63  }
0x66: {  	s30 =	simm.s32 $0xC500;
	s16 =	sadd.s32 $0x0, s22  }
0x67: {  	[hbm4b:s16+s3] =	stream.linear.scatter [tilespmem:s30], [sflag:$0xC], $0x1900, $0x38;
	[tilespmem:$0x1B000] =	vst v63  }
0x68: {  	_ =	swait.ge [sflag:s14], $0x1900  }
0x69: {  	[sflag:s14] =	ssyncset.done $0x0  }
0x6a: {  	[sflag:s14] =	ssyncadd.s32 $0xFFFFE700  }
0x6b: {  	_ =	swait.ge [sflag:s14], $0x1900  }
0x6c: {  	[sflag:s14] =	ssyncset.done $0x0  }
0x6d: {  	s2 =	simm.s32 $0x580;
	[sflag:s14] =	ssyncadd.s32 $0xFFFFE700  }
0x6e: {  	[tilespmem:s24], [sflag:$0x4] =	stream.indirect.gather [hbm4b:s1+s23], $0x80, s2, s23, $0xb8;
	[tilespmem:$0x1B000] =	vst v63  }
0x6f: {  	_ =	swait.ge [sflag:s15], $0x3200  }
0x70: {  	[sflag:s15] =	ssyncset.done $0x0  }
0x71: {  	s12 =	sadd.s32 $0x1C00, s10;
	[sflag:s15] =	ssyncadd.s32 $0xFFFFCE00  }
0x72: {  	[hbm4b:s12+s3] =	stream.linear.scatter [tilespmem:s26], [sflag:$0xD], $0x1900, $0x38;
	[tilespmem:$0x1B000] =	vst v63  }
0x73: {  	s19 =	sadd.s32 $0x1F80, s10;
	s22 =	simm.s32 $0xF900  }
0x74: {  	[hbm4b:s19+s3] =	stream.linear.scatter [tilespmem:s22], [sflag:$0xD], $0x1900, $0x38;
	[tilespmem:$0x1B000] =	vst v63  }
0x75: {  	_ =	swait.ge [sflag:s17], $0x1900  }
0x76: {  	[sflag:s17] =	ssyncset.done $0x0  }
0x77: {  	[sflag:s17] =	ssyncadd.s32 $0xFFFFE700  }
0x78: {  	_ =	swait.ge [sflag:s17], $0x1900  }
0x79: {  	[sflag:s17] =	ssyncset.done $0x0  }
0x7a: {  	s24 =	simm.s32 $0x600;
	[sflag:s17] =	ssyncadd.s32 $0xFFFFE700  }
0x7b: {  	[tilespmem:s26], [sflag:$0x5] =	stream.indirect.gather [hbm4b:s1+s23], $0x80, s24, s23, $0xb8;
	[tilespmem:$0x1B000] =	vst v63  }
0x7c: {  	_ =	swait.ge [sflag:s18], $0x3200  }
0x7d: {  	[sflag:s18] =	ssyncset.done $0x0  }
0x7e: {  	s29 =	sadd.s32 $0x2300, s10;
	s26 =	rddreg [dreg:$0x7];
	[sflag:s18] =	ssyncadd.s32 $0xFFFFCE00  }
0x7f: {  	[hbm4b:s29+s3] =	stream.linear.scatter [tilespmem:s28], [sflag:$0xE], $0x1900, $0x38;
	[tilespmem:$0x1B000] =	vst v63  }
0x80: {  	s30 =	simm.s32 $0x12D00;
	s16 =	sadd.s32 $0x0, s26  }
0x81: {  	[hbm4b:s16+s3] =	stream.linear.scatter [tilespmem:s30], [sflag:$0xE], $0x1900, $0x38;
	[tilespmem:$0x1B000] =	vst v63  }
0x82: {  	_ =	swait.ge [sflag:s20], $0x1900  }
0x83: {  	[sflag:s20] =	ssyncset.done $0x0  }
0x84: {  	[sflag:s20] =	ssyncadd.s32 $0xFFFFE700  }
0x85: {  	_ =	swait.ge [sflag:s20], $0x1900  }
0x86: {  	[sflag:s20] =	ssyncset.done $0x0  }
0x87: {  	s2 =	simm.s32 $0x680;
	[sflag:s20] =	ssyncadd.s32 $0xFFFFE700  }
0x88: {  	[tilespmem:s28], [sflag:$0x6] =	stream.indirect.gather [hbm4b:s1+s23], $0x80, s2, s23, $0xb8;
	[tilespmem:$0x1B000] =	vst v63  }
0x89: {  	_ =	swait.ge [sflag:s21], $0x3200  }
0x8a: {  	[sflag:s21] =	ssyncset.done $0x0  }
0x8b: {  	s22 =	sadd.s32 $0x2A00, s10;
	s12 =	rddreg [dreg:$0x6];
	[sflag:s21] =	ssyncadd.s32 $0xFFFFCE00  }
0x8c: {  	[hbm4b:s22+s3] =	stream.linear.scatter [tilespmem:s6], [sflag:$0xF], $0x1900, $0x38;
	[tilespmem:$0x1B000] =	vst v63  }
0x8d: {  	s24 =	simm.s32 $0x16100;
	s16 =	sadd.s32 $0x0, s12  }
0x8e: {  	[hbm4b:s16+s3] =	stream.linear.scatter [tilespmem:s24], [sflag:$0xF], $0x1900, $0x38;
	[tilespmem:$0x1B000] =	vst v63  }
0x8f: {  	_ =	swait.ge [sflag:s4], $0x1900  }
0x90: {  	[sflag:s4] =	ssyncset.done $0x0  }
0x91: {  	[sflag:s4] =	ssyncadd.s32 $0xFFFFE700  }
0x92: {  	_ =	swait.ge [sflag:s4], $0x1900  }
0x93: {  	[sflag:s4] =	ssyncset.done $0x0  }
0x94: {  	s26 =	simm.s32 $0x700;
	[sflag:s4] =	ssyncadd.s32 $0xFFFFE700  }
0x95: {  	[tilespmem:s6], [sflag:$0x7] =	stream.indirect.gather [hbm4b:s1+s23], $0x80, s26, s23, $0xb8;
	[tilespmem:$0x1B000] =	vst v63  }
0x96: {  	_ =	swait.ge [sflag:s7], $0x3200  }
0x97: {  	[sflag:s7] =	ssyncset.done $0x0  }
0x98: {  	s10 =	sadd.s32 $0x3100, s10;
	s28 =	rddreg [dreg:$0x4];
	[sflag:s7] =	ssyncadd.s32 $0xFFFFCE00  }
0x99: {  	[hbm4b:s10+s3] =	stream.linear.scatter [tilespmem:s9], [sflag:$0x10], $0x1900, $0x38;
	[tilespmem:$0x1B000] =	vst v63  }
0x9a: {  	s30 =	simm.s32 $0x19500;
	s29 =	sadd.s32 $0x0, s28  }
0x9b: {  	[hbm4b:s29+s3] =	stream.linear.scatter [tilespmem:s30], [sflag:$0x10], $0x1900, $0x38;
	[tilespmem:$0x1B000] =	vst v63  }
0x9c: {  	_ =	swait.ge [sflag:s13], $0x1900  }
0x9d: {  	[sflag:s13] =	ssyncset.done $0x0  }
0x9e: {  	[sflag:s13] =	ssyncadd.s32 $0xFFFFE700  }
0x9f: {  	_ =	swait.ge [sflag:s13], $0x1900  }
0xa0: {  	s19 =	simm.s32 $0x3800;
	[sflag:s13] =	ssyncset.done $0x0  }
0xa1: {  	s22 =	simm.s32 $0xB80;
	s16 =	simm.s32 $0x780;
	[sflag:s13] =	ssyncadd.s32 $0xFFFFE700  }
.LBB2_2:
0xa2: {  	s12 =	simm.s32 $0x17C00;
	s0 =	simm.s32 $0x1  }
0xa3: {  	[tilespmem:s12], [sflag:$0x8] =	stream.indirect.gather [hbm4b:s1+s23], $0x80, s16, s23, $0xb8;
	[tilespmem:$0x1B000] =	vst v63  }
0xa4: {  	_ =	swait.ge [sflag:s0], $0x3200  }
0xa5: {  	s10 =	smov.u32 s19;
	s24 =	rddreg [dreg:$0x5];
	[sflag:s0] =	ssyncset.done $0x0  }
0xa6: {  	s29 =	simm.s32 $0x1000;
	[sflag:s0] =	ssyncadd.s32 $0xFFFFCE00;
	s24 =	sadd.s32 s10, s24  }
0xa7: {  	[hbm4b:s24+s3] =	stream.linear.scatter [tilespmem:s29], [sflag:$0x9], $0x1900, $0x38;
	[tilespmem:$0x1B000] =	vst v63  }
0xa8: {  	s9 =	simm.s32 $0x2900;
	s26 =	sadd.s32 $0x380, s24  }
0xa9: {  	[hbm4b:s26+s3] =	stream.linear.scatter [tilespmem:s9], [sflag:$0x9], $0x1900, $0x38;
	[tilespmem:$0x1B000] =	vst v63  }
0xaa: {  	_ =	swait.ge [sflag:s5], $0x1900  }
0xab: {  	[sflag:s5] =	ssyncset.done $0x0  }
0xac: {  	[sflag:s5] =	ssyncadd.s32 $0xFFFFE700  }
0xad: {  	_ =	swait.ge [sflag:s5], $0x1900  }
0xae: {  	[sflag:s5] =	ssyncset.done $0x0  }
0xaf: {  	s2 =	sadd.s32 $0xFFFFFC80, s22;
	s6 =	simm.s32 $0x2;
	[sflag:s5] =	ssyncadd.s32 $0xFFFFE700  }
0xb0: {  	[tilespmem:s29], [sflag:$0x1] =	stream.indirect.gather [hbm4b:s1+s23], $0x80, s2, s23, $0xb8;
	[tilespmem:$0x1B000] =	vst v63  }
0xb1: {  	_ =	swait.ge [sflag:s6], $0x3200  }
0xb2: {  	s28 =	simm.s32 $0x4400;
	[sflag:s6] =	ssyncset.done $0x0  }
0xb3: {  	s0 =	sadd.s32 $0x700, s24;
	s9 =	rddreg [dreg:$0xa];
	[sflag:s6] =	ssyncadd.s32 $0xFFFFCE00  }
0xb4: {  	[hbm4b:s0+s3] =	stream.linear.scatter [tilespmem:s28], [sflag:$0xA], $0x1900, $0x38;
	[tilespmem:$0x1B000] =	vst v63  }
0xb5: {  	s2 =	simm.s32 $0x5D00;
	s26 =	sadd.s32 s10, s9  }
0xb6: {  	[hbm4b:s26+s3] =	stream.linear.scatter [tilespmem:s2], [sflag:$0xA], $0x1900, $0x38;
	[tilespmem:$0x1B000] =	vst v63  }
0xb7: {  	_ =	swait.ge [sflag:s8], $0x1900  }
0xb8: {  	[sflag:s8] =	ssyncset.done $0x0  }
0xb9: {  	[sflag:s8] =	ssyncadd.s32 $0xFFFFE700  }
0xba: {  	_ =	swait.ge [sflag:s8], $0x1900  }
0xbb: {  	[sflag:s8] =	ssyncset.done $0x0  }
0xbc: {  	s6 =	sadd.s32 $0xFFFFFD00, s22;
	s2 =	simm.s32 $0x3;
	[sflag:s8] =	ssyncadd.s32 $0xFFFFE700  }
0xbd: {  	[tilespmem:s28], [sflag:$0x2] =	stream.indirect.gather [hbm4b:s1+s23], $0x80, s6, s23, $0xb8;
	[tilespmem:$0x1B000] =	vst v63  }
0xbe: {  	_ =	swait.ge [sflag:s2], $0x3200  }
0xbf: {  	s6 =	sadd.s32 $0xE00, s24;
	[sflag:s2] =	ssyncset.done $0x0  }
0xc0: {  	s9 =	rddreg [dreg:$0x9];
	[sflag:s2] =	ssyncadd.s32 $0xFFFFCE00;
	s2 =	simm.s32 $0x7800  }
0xc1: {  	[hbm4b:s6+s3] =	stream.linear.scatter [tilespmem:s2], [sflag:$0xB], $0x1900, $0x38;
	[tilespmem:$0x1B000] =	vst v63  }
0xc2: {  	s26 =	sadd.s32 s10, s9;
	s6 =	simm.s32 $0x9100  }
0xc3: {  	[hbm4b:s26+s3] =	stream.linear.scatter [tilespmem:s6], [sflag:$0xB], $0x1900, $0x38;
	[tilespmem:$0x1B000] =	vst v63  }
0xc4: {  	_ =	swait.ge [sflag:s11], $0x1900  }
0xc5: {  	[sflag:s11] =	ssyncset.done $0x0  }
0xc6: {  	[sflag:s11] =	ssyncadd.s32 $0xFFFFE700  }
0xc7: {  	_ =	swait.ge [sflag:s11], $0x1900  }
0xc8: {  	[sflag:s11] =	ssyncset.done $0x0  }
0xc9: {  	s29 =	simm.s32 $0x4;
	s9 =	sadd.s32 $0xFFFFFD80, s22;
	[sflag:s11] =	ssyncadd.s32 $0xFFFFE700  }
0xca: {  	[tilespmem:s2], [sflag:$0x3] =	stream.indirect.gather [hbm4b:s1+s23], $0x80, s9, s23, $0xb8;
	[tilespmem:$0x1B000] =	vst v63  }
0xcb: {  	_ =	swait.ge [sflag:s29], $0x3200  }
0xcc: {  	s30 =	simm.s32 $0xAC00;
	[sflag:s29] =	ssyncset.done $0x0  }
0xcd: {  	s9 =	sadd.s32 $0x1500, s24;
	s6 =	rddreg [dreg:$0x8];
	[sflag:s29] =	ssyncadd.s32 $0xFFFFCE00  }
0xce: {  	[hbm4b:s9+s3] =	stream.linear.scatter [tilespmem:s30], [sflag:$0xC], $0x1900, $0x38;
	[tilespmem:$0x1B000] =	vst v63  }
0xcf: {  	s26 =	sadd.s32 s10, s6;
	s29 =	simm.s32 $0xC500  }
0xd0: {  	[hbm4b:s26+s3] =	stream.linear.scatter [tilespmem:s29], [sflag:$0xC], $0x1900, $0x38;
	[tilespmem:$0x1B000] =	vst v63  }
0xd1: {  	_ =	swait.ge [sflag:s14], $0x1900  }
0xd2: {  	[sflag:s14] =	ssyncset.done $0x0  }
0xd3: {  	[sflag:s14] =	ssyncadd.s32 $0xFFFFE700  }
0xd4: {  	_ =	swait.ge [sflag:s14], $0x1900  }
0xd5: {  	[sflag:s14] =	ssyncset.done $0x0  }
0xd6: {  	s6 =	sadd.s32 $0xFFFFFE00, s22;
	[sflag:s14] =	ssyncadd.s32 $0xFFFFE700  }
0xd7: {  	[tilespmem:s30], [sflag:$0x4] =	stream.indirect.gather [hbm4b:s1+s23], $0x80, s6, s23, $0xb8;
	[tilespmem:$0x1B000] =	vst v63  }
0xd8: {  	_ =	swait.ge [sflag:s15], $0x3200  }
0xd9: {  	[sflag:s15] =	ssyncset.done $0x0  }
0xda: {  	s9 =	sadd.s32 $0x1C00, s24;
	s29 =	simm.s32 $0xE000;
	[sflag:s15] =	ssyncadd.s32 $0xFFFFCE00  }
0xdb: {  	[hbm4b:s9+s3] =	stream.linear.scatter [tilespmem:s29], [sflag:$0xD], $0x1900, $0x38;
	[tilespmem:$0x1B000] =	vst v63  }
0xdc: {  	s6 =	sadd.s32 $0x1F80, s24;
	s9 =	simm.s32 $0xF900  }
0xdd: {  	[hbm4b:s6+s3] =	stream.linear.scatter [tilespmem:s9], [sflag:$0xD], $0x1900, $0x38;
	[tilespmem:$0x1B000] =	vst v63  }
0xde: {  	_ =	swait.ge [sflag:s17], $0x1900  }
0xdf: {  	[sflag:s17] =	ssyncset.done $0x0  }
0xe0: {  	[sflag:s17] =	ssyncadd.s32 $0xFFFFE700  }
0xe1: {  	_ =	swait.ge [sflag:s17], $0x1900  }
0xe2: {  	[sflag:s17] =	ssyncset.done $0x0  }
0xe3: {  	s6 =	sadd.s32 $0xFFFFFE80, s22;
	[sflag:s17] =	ssyncadd.s32 $0xFFFFE700  }
0xe4: {  	[tilespmem:s29], [sflag:$0x5] =	stream.indirect.gather [hbm4b:s1+s23], $0x80, s6, s23, $0xb8;
	[tilespmem:$0x1B000] =	vst v63  }
0xe5: {  	_ =	swait.ge [sflag:s18], $0x3200  }
0xe6: {  	s9 =	sadd.s32 $0x2300, s24;
	[sflag:s18] =	ssyncset.done $0x0  }
0xe7: {  	s6 =	simm.s32 $0x11400;
	s26 =	rddreg [dreg:$0x7];
	[sflag:s18] =	ssyncadd.s32 $0xFFFFCE00  }
0xe8: {  	[hbm4b:s9+s3] =	stream.linear.scatter [tilespmem:s6], [sflag:$0xE], $0x1900, $0x38;
	[tilespmem:$0x1B000] =	vst v63  }
0xe9: {  	s26 =	sadd.s32 s10, s26;
	s9 =	simm.s32 $0x12D00  }
0xea: {  	[hbm4b:s26+s3] =	stream.linear.scatter [tilespmem:s9], [sflag:$0xE], $0x1900, $0x38;
	[tilespmem:$0x1B000] =	vst v63  }
0xeb: {  	_ =	swait.ge [sflag:s20], $0x1900  }
0xec: {  	[sflag:s20] =	ssyncset.done $0x0  }
0xed: {  	[sflag:s20] =	ssyncadd.s32 $0xFFFFE700  }
0xee: {  	_ =	swait.ge [sflag:s20], $0x1900  }
0xef: {  	[sflag:s20] =	ssyncset.done $0x0  }
0xf0: {  	s29 =	sadd.s32 $0xFFFFFF00, s22;
	[sflag:s20] =	ssyncadd.s32 $0xFFFFE700  }
0xf1: {  	[tilespmem:s6], [sflag:$0x6] =	stream.indirect.gather [hbm4b:s1+s23], $0x80, s29, s23, $0xb8;
	[tilespmem:$0x1B000] =	vst v63  }
0xf2: {  	_ =	swait.ge [sflag:s21], $0x3200  }
0xf3: {  	s9 =	simm.s32 $0x14800;
	[sflag:s21] =	ssyncset.done $0x0  }
0xf4: {  	s6 =	sadd.s32 $0x2A00, s24;
	s26 =	rddreg [dreg:$0x6];
	[sflag:s21] =	ssyncadd.s32 $0xFFFFCE00  }
0xf5: {  	[hbm4b:s6+s3] =	stream.linear.scatter [tilespmem:s9], [sflag:$0xF], $0x1900, $0x38;
	[tilespmem:$0x1B000] =	vst v63  }
0xf6: {  	s29 =	simm.s32 $0x16100;
	s26 =	sadd.s32 s10, s26  }
0xf7: {  	[hbm4b:s26+s3] =	stream.linear.scatter [tilespmem:s29], [sflag:$0xF], $0x1900, $0x38;
	[tilespmem:$0x1B000] =	vst v63  }
0xf8: {  	_ =	swait.ge [sflag:s4], $0x1900  }
0xf9: {  	[sflag:s4] =	ssyncset.done $0x0  }
0xfa: {  	[sflag:s4] =	ssyncadd.s32 $0xFFFFE700  }
0xfb: {  	_ =	swait.ge [sflag:s4], $0x1900  }
0xfc: {  	[sflag:s4] =	ssyncset.done $0x0  }
0xfd: {  	s29 =	sadd.s32 $0xFFFFFF80, s22;
	[sflag:s4] =	ssyncadd.s32 $0xFFFFE700  }
0xfe: {  	[tilespmem:s9], [sflag:$0x7] =	stream.indirect.gather [hbm4b:s1+s23], $0x80, s29, s23, $0xb8;
	[tilespmem:$0x1B000] =	vst v63  }
0xff: {  	_ =	swait.ge [sflag:s7], $0x3200  }
0x100: {  	[sflag:s7] =	ssyncset.done $0x0  }
0x101: {  	s24 =	sadd.s32 $0x3100, s24;
	s9 =	rddreg [dreg:$0x4];
	[sflag:s7] =	ssyncadd.s32 $0xFFFFCE00  }
0x102: {  	[hbm4b:s24+s3] =	stream.linear.scatter [tilespmem:s12], [sflag:$0x10], $0x1900, $0x38;
	[tilespmem:$0x1B000] =	vst v63  }
0x103: {  	s29 =	simm.s32 $0x19500;
	s10 =	sadd.s32 s10, s9  }
0x104: {  	[hbm4b:s10+s3] =	stream.linear.scatter [tilespmem:s29], [sflag:$0x10], $0x1900, $0x38;
	[tilespmem:$0x1B000] =	vst v63  }
0x105: {  	p0 =	sne.s32 s19, $0x7000;
	_ =	swait.ge [sflag:s13], $0x1900  }
.Ltmp0:
0x106: {  	[sflag:s13] =	ssyncset.done $0x0;
	(pc) =	sbr.rel @p0 .LBB2_2-.Ltmp0, $4  }
0x107: {  	s19 =	sadd.s32 $0x3800, s19;
	s16 =	smov.u32 s22;
	[sflag:s13] =	ssyncadd.s32 $0xFFFFE700  }
0x108: {  	s0 =	simm.s32 $0x4400;
	s28 =	simm.s32 $0x7800;
	_ =	swait.ge [sflag:s13], $0x1900  }
0x109: {  	s2 =	simm.s32 $0xAC00;
	s30 =	simm.s32 $0xE000;
	[sflag:s13] =	ssyncset.done $0x0  }
0x10a: {  	s6 =	simm.s32 $0x14800;
	s22 =	sadd.s32 $0x400, s22;
	[sflag:s13] =	ssyncadd.s32 $0xFFFFE700  }
0x10b: {  	s9 =	simm.s32 $0x17C00;
	s10 =	simm.s32 $0x1  }
0x10c: {  	[tilespmem:s9], [sflag:$0x8] =	stream.indirect.gather [hbm4b:s1+s23], $0x80, s16, s23, $0xb8;
	[tilespmem:$0x1B000] =	vst v63  }
0x10d: {  	_ =	swait.ge [sflag:s10], $0x3200  }
0x10e: {  	[sflag:s10] =	ssyncset.done $0x0  }
0x10f: {  	s12 =	rddreg [dreg:$0xc];
	[sflag:s10] =	ssyncadd.s32 $0xFFFFCE00  }
0x110: {  	[hbm4b:s12+s3] =	stream.linear.scatter [tilespmem:s31], [sflag:$0x9], $0x1900, $0x38;
	[tilespmem:$0x1B000] =	vst v63  }
0x111: {  	s19 =	simm.s32 $0x2;
	s16 =	rddreg [dreg:$0xd];
	s12 =	simm.s32 $0x2900  }
0x112: {  	[hbm4b:s16+s3] =	stream.linear.scatter [tilespmem:s12], [sflag:$0x9], $0x1900, $0x38;
	[tilespmem:$0x1B000] =	vst v63  }
0x113: {  	_ =	swait.ge [sflag:s19], $0x3200  }
0x114: {  	[sflag:s19] =	ssyncset.done $0x0  }
0x115: {  	s22 =	rddreg [dreg:$0xe];
	[sflag:s19] =	ssyncadd.s32 $0xFFFFCE00  }
0x116: {  	[hbm4b:s22+s3] =	stream.linear.scatter [tilespmem:s0], [sflag:$0xA], $0x1900, $0x38;
	[tilespmem:$0x1B000] =	vst v63  }
0x117: {  	s26 =	simm.s32 $0x5D00;
	s29 =	simm.s32 $0x3;
	s24 =	rddreg [dreg:$0xf]  }
0x118: {  	[hbm4b:s24+s3] =	stream.linear.scatter [tilespmem:s26], [sflag:$0xA], $0x1900, $0x38;
	[tilespmem:$0x1B000] =	vst v63  }
0x119: {  	_ =	swait.ge [sflag:s29], $0x3200  }
0x11a: {  	[sflag:s29] =	ssyncset.done $0x0  }
0x11b: {  	s0 =	rddreg [dreg:$0x10];
	[sflag:s29] =	ssyncadd.s32 $0xFFFFCE00  }
0x11c: {  	[hbm4b:s0+s3] =	stream.linear.scatter [tilespmem:s28], [sflag:$0xB], $0x1900, $0x38;
	[tilespmem:$0x1B000] =	vst v63  }
0x11d: {  	s16 =	simm.s32 $0x9100;
	s19 =	simm.s32 $0x4;
	s12 =	rddreg [dreg:$0x11]  }
0x11e: {  	[hbm4b:s12+s3] =	stream.linear.scatter [tilespmem:s16], [sflag:$0xB], $0x1900, $0x38;
	[tilespmem:$0x1B000] =	vst v63  }
0x11f: {  	_ =	swait.ge [sflag:s19], $0x3200  }
0x120: {  	[sflag:s19] =	ssyncset.done $0x0  }
0x121: {  	s22 =	rddreg [dreg:$0x12];
	[sflag:s19] =	ssyncadd.s32 $0xFFFFCE00  }
0x122: {  	[hbm4b:s22+s3] =	stream.linear.scatter [tilespmem:s2], [sflag:$0xC], $0x1900, $0x38;
	[tilespmem:$0x1B000] =	vst v63  }
0x123: {  	s26 =	simm.s32 $0xC500;
	s24 =	rddreg [dreg:$0x13]  }
0x124: {  	[hbm4b:s24+s3] =	stream.linear.scatter [tilespmem:s26], [sflag:$0xC], $0x1900, $0x38;
	[tilespmem:$0x1B000] =	vst v63  }
0x125: {  	_ =	swait.ge [sflag:s15], $0x3200  }
0x126: {  	[sflag:s15] =	ssyncset.done $0x0  }
0x127: {  	s28 =	rddreg [dreg:$0x14];
	[sflag:s15] =	ssyncadd.s32 $0xFFFFCE00  }
0x128: {  	[hbm4b:s28+s3] =	stream.linear.scatter [tilespmem:s30], [sflag:$0xD], $0x1900, $0x38;
	[tilespmem:$0x1B000] =	vst v63  }
0x129: {  	s29 =	rddreg [dreg:$0x15];
	s30 =	simm.s32 $0xF900  }
0x12a: {  	[hbm4b:s29+s3] =	stream.linear.scatter [tilespmem:s30], [sflag:$0xD], $0x1900, $0x38;
	[tilespmem:$0x1B000] =	vst v63  }
0x12b: {  	_ =	swait.ge [sflag:s18], $0x3200  }
0x12c: {  	[sflag:s18] =	ssyncset.done $0x0  }
0x12d: {  	s0 =	rddreg [dreg:$0x16];
	[sflag:s18] =	ssyncadd.s32 $0xFFFFCE00  }
0x12e: {  	[hbm4b:s0+s3] =	stream.linear.scatter [tilespmem:s25], [sflag:$0xE], $0x1900, $0x38;
	[tilespmem:$0x1B000] =	vst v63  }
0x12f: {  	s12 =	simm.s32 $0x12D00;
	s2 =	rddreg [dreg:$0x17]  }
0x130: {  	[hbm4b:s2+s3] =	stream.linear.scatter [tilespmem:s12], [sflag:$0xE], $0x1900, $0x38;
	[tilespmem:$0x1B000] =	vst v63  }
0x131: {  	_ =	swait.ge [sflag:s21], $0x3200  }
0x132: {  	[sflag:s21] =	ssyncset.done $0x0  }
0x133: {  	s16 =	rddreg [dreg:$0x18];
	[sflag:s21] =	ssyncadd.s32 $0xFFFFCE00  }
0x134: {  	[hbm4b:s16+s3] =	stream.linear.scatter [tilespmem:s6], [sflag:$0xF], $0x1900, $0x38;
	[tilespmem:$0x1B000] =	vst v63  }
0x135: {  	s22 =	simm.s32 $0x16100;
	s19 =	rddreg [dreg:$0x19]  }
0x136: {  	[hbm4b:s19+s3] =	stream.linear.scatter [tilespmem:s22], [sflag:$0xF], $0x1900, $0x38;
	[tilespmem:$0x1B000] =	vst v63  }
0x137: {  	_ =	swait.ge [sflag:s7], $0x3200  }
0x138: {  	[sflag:s7] =	ssyncset.done $0x0  }
0x139: {  	s24 =	rddreg [dreg:$0x1a];
	[sflag:s7] =	ssyncadd.s32 $0xFFFFCE00  }
0x13a: {  	[hbm4b:s24+s3] =	stream.linear.scatter [tilespmem:s9], [sflag:$0x10], $0x1900, $0x38;
	[tilespmem:$0x1B000] =	vst v63  }
0x13b: {  	s28 =	simm.s32 $0x19500;
	s26 =	rddreg [dreg:$0x1b]  }
0x13c: {  	[hbm4b:s26+s3] =	stream.linear.scatter [tilespmem:s28], [sflag:$0x10], $0x1900, $0x38;
	[tilespmem:$0x1B000] =	vst v63  }
0x13d: {  	_ =	swait.ge [sflag:s5], $0x1900  }
0x13e: {  	[sflag:s5] =	ssyncset.done $0x0  }
0x13f: {  	[sflag:s5] =	ssyncadd.s32 $0xFFFFE700  }
0x140: {  	_ =	swait.ge [sflag:s5], $0x1900  }
0x141: {  	[sflag:s5] =	ssyncset.done $0x0  }
0x142: {  	[sflag:s5] =	ssyncadd.s32 $0xFFFFE700  }
0x143: {  	_ =	swait.ge [sflag:s8], $0x1900  }
0x144: {  	[sflag:s8] =	ssyncset.done $0x0  }
0x145: {  	[sflag:s8] =	ssyncadd.s32 $0xFFFFE700  }
0x146: {  	_ =	swait.ge [sflag:s8], $0x1900  }
0x147: {  	[sflag:s8] =	ssyncset.done $0x0  }
0x148: {  	[sflag:s8] =	ssyncadd.s32 $0xFFFFE700  }
0x149: {  	_ =	swait.ge [sflag:s11], $0x1900  }
0x14a: {  	[sflag:s11] =	ssyncset.done $0x0  }
0x14b: {  	[sflag:s11] =	ssyncadd.s32 $0xFFFFE700  }
0x14c: {  	_ =	swait.ge [sflag:s11], $0x1900  }
0x14d: {  	[sflag:s11] =	ssyncset.done $0x0  }
0x14e: {  	[sflag:s11] =	ssyncadd.s32 $0xFFFFE700  }
0x14f: {  	_ =	swait.ge [sflag:s14], $0x1900  }
0x150: {  	[sflag:s14] =	ssyncset.done $0x0  }
0x151: {  	[sflag:s14] =	ssyncadd.s32 $0xFFFFE700  }
0x152: {  	_ =	swait.ge [sflag:s14], $0x1900  }
0x153: {  	[sflag:s14] =	ssyncset.done $0x0  }
0x154: {  	[sflag:s14] =	ssyncadd.s32 $0xFFFFE700  }
0x155: {  	_ =	swait.ge [sflag:s17], $0x1900  }
0x156: {  	[sflag:s17] =	ssyncset.done $0x0  }
0x157: {  	[sflag:s17] =	ssyncadd.s32 $0xFFFFE700  }
0x158: {  	_ =	swait.ge [sflag:s17], $0x1900  }
0x159: {  	[sflag:s17] =	ssyncset.done $0x0  }
0x15a: {  	[sflag:s17] =	ssyncadd.s32 $0xFFFFE700  }
0x15b: {  	_ =	swait.ge [sflag:s20], $0x1900  }
0x15c: {  	[sflag:s20] =	ssyncset.done $0x0  }
0x15d: {  	[sflag:s20] =	ssyncadd.s32 $0xFFFFE700  }
0x15e: {  	_ =	swait.ge [sflag:s20], $0x1900  }
0x15f: {  	[sflag:s20] =	ssyncset.done $0x0  }
0x160: {  	[sflag:s20] =	ssyncadd.s32 $0xFFFFE700  }
0x161: {  	_ =	swait.ge [sflag:s4], $0x1900  }
0x162: {  	[sflag:s4] =	ssyncset.done $0x0  }
0x163: {  	[sflag:s4] =	ssyncadd.s32 $0xFFFFE700  }
0x164: {  	_ =	swait.ge [sflag:s4], $0x1900  }
0x165: {  	[sflag:s4] =	ssyncset.done $0x0  }
0x166: {  	[sflag:s4] =	ssyncadd.s32 $0xFFFFE700  }
0x167: {  	_ =	swait.ge [sflag:s13], $0x1900  }
0x168: {  	[sflag:s13] =	ssyncset.done $0x0  }
0x169: {  	[sflag:s13] =	ssyncadd.s32 $0xFFFFE700  }
0x16a: {  	_ =	swait.ge [sflag:s13], $0x1900  }
0x16b: {  	s29 =	rddreg [dreg:$0x1d]  }
0x16c: {  	s30 =	rddreg [dreg:$0x1c];
	s0 =	sadd.s32 $0x1, s29  }
0x16d: {  	p0 =	sne.s32 s0, s30  }
.Ltmp1:
0x16e: {  	_ = 	snop;
	(pc) =	sbr.rel @p0 .LBB2_1-.Ltmp1, $3  }
0x16f: {  	_ =	sdelay $0x1  }
0x170: {  	[sflag:s13] =	ssyncset.done $0x0  }
0x171: {  	[sflag:s13] =	ssyncadd.s32 $0xFFFFE700  }
0x172: {  	_ =	sfence.sel $0x180000  }
0x173: {  	[bflag:$0x0] =	sbarrier.arrive $0xFFFF  }
0x174: {  	_ =	strace $0x90000047  }
0x175: {  	s0 =	stileid.u32;
	[bflag:$0x2] =	sbarrier.arrive $0xFFFF  }
0x176: {  	p0 =	sne.s32 s0, $0x0;
	s0 =	rddreg [dreg:$0x3]  }
0x177: {  	s0 =	sadd.s32 @!p0 $0x100000, s0  }
0x178: {  	[sflag:s0] =	ssyncadd.tile.s32 @!p0 $0x1;
	_ =	shalt  }
.Lfunc_end2:
_tile_overlayer_lowered:
.L_overlay_start_2:
0x179: {  	(tag) =	ssettag $0x2  }
0x17a: {  	s0 =	rddreg [dreg:$0x0];
	s2 =	stileid.u32  }
0x17b: {  	s1 =	rddreg [dreg:$0x1];
	p0 =	sne.s32 s2, $0x0  }
0x17c: {  	s3 =	rddreg [dreg:$0x2];
	[bflag:$0x3] =	sbarrier.arrive $0xFFFF;
	s2 =	simm.s32 @!p0 $0x1C11  }
0x17d: {  	[timem:s3], [sflag:s2] =	dma.local @!p0 [hbm:s0], s1  }
0x17e: {  	s0 =	simm.s32 @!p0 $0x11  }
0x17f: {  	_ =	swait.ge @!p0 [sflag:s0], s1  }
0x180: {  	s1 =	ssub.s32 @!p0 $0x0, s1;
	[sflag:s0] =	ssyncset.done @!p0 $0x0  }
0x181: {  	[sflag:s0] =	ssyncadd.s32 @!p0 s1  }
0x182: {  	[bflag:$0x3] =	sbarrier.arrive $0xFFFF  }
0x183: {  	_ =	shalt  }

</sc_bundles>
